<compile_context>
chip_gen: v7x
topology: tpu7x:2x2x1
jax: 0.10.2.dev20260603
libtpu: 0.0.44.dev20260713+nightly
codegen_flags: <defaults>
</compile_context>

<pallas_src>
import functools

import jax
import jax.numpy as jnp
from jax import lax
from jax.experimental import pallas as pl
from jax.experimental.pallas import tpu as pltpu
from jax.experimental.pallas import tpu_sc as plsc

_N, _E, _D, _DM, _DOUT = 10000, 640000, 128, 16, 16


def _node_proj_body(h_ref, v_ref, wh_ref, wvs_ref, wvd_ref, b_ref, a_ref, bt_ref):
    hW = jnp.dot(h_ref[...], wh_ref[...], preferred_element_type=jnp.float32)
    a_ref[...] = hW + jnp.dot(v_ref[...], wvs_ref[...],
                              preferred_element_type=jnp.float32)
    bt_ref[...] = (hW + jnp.dot(v_ref[...], wvd_ref[...],
                                preferred_element_type=jnp.float32)
                   + b_ref[...])


_NODE_BLK = 2000

_node_proj = pl.pallas_call(
    _node_proj_body,
    grid=(_N // _NODE_BLK,),
    in_specs=[
        pl.BlockSpec((_NODE_BLK, _D), lambda i: (i, 0)),
        pl.BlockSpec((_NODE_BLK, _D), lambda i: (i, 0)),
        pl.BlockSpec((_D, _DOUT), lambda i: (0, 0)),
        pl.BlockSpec((_D, _DOUT), lambda i: (0, 0)),
        pl.BlockSpec((_D, _DOUT), lambda i: (0, 0)),
        pl.BlockSpec((1, _DOUT), lambda i: (0, 0)),
    ],
    out_specs=[
        pl.BlockSpec((_NODE_BLK, _DOUT), lambda i: (i, 0)),
        pl.BlockSpec((_NODE_BLK, _DOUT), lambda i: (i, 0)),
    ],
    out_shape=[
        jax.ShapeDtypeStruct((_N, _DOUT), jnp.float32),
        jax.ShapeDtypeStruct((_N, _DOUT), jnp.float32),
    ],
)


_NW = 32
_CHUNK = 1024
_P = _CHUNK // 8
_NCHUNKS = _E // _CHUNK

_sc_mesh = plsc.VectorSubcoreMesh(core_axis_name="c", subcore_axis_name="s")


def _make_sc(chunk_off, nchunks):
    nfull = nchunks // _NW
    extra = nchunks - nfull * _NW

    @functools.partial(
        pl.kernel,
        out_type=jax.ShapeDtypeStruct((nchunks * _P, 128), jnp.float32),
        mesh=_sc_mesh,
        scratch_types=[
            pltpu.VMEM((_CHUNK,), jnp.int32),
            pltpu.VMEM((_CHUNK,), jnp.int32),
            pltpu.VMEM((_CHUNK,), jnp.int32),
            pltpu.VMEM((_CHUNK,), jnp.int32),
            pltpu.VMEM((_CHUNK, _DOUT), jnp.float32),
            pltpu.VMEM((_CHUNK, _DOUT), jnp.float32),
            pltpu.VMEM((_CHUNK, _DOUT), jnp.float32),
            pltpu.VMEM((_CHUNK, _DOUT), jnp.float32),
            pltpu.VMEM((_P, 128), jnp.float32),
            pltpu.VMEM((_P, 128), jnp.float32),
            pltpu.SemaphoreType.DMA,
            pltpu.SemaphoreType.DMA,
            pltpu.SemaphoreType.DMA,
            pltpu.SemaphoreType.DMA,
            pltpu.SemaphoreType.DMA,
            pltpu.SemaphoreType.DMA,
        ],
        compiler_params=pltpu.CompilerParams(use_tc_tiling_on_sc=False, needs_layout_passes=False),
    )
    def _sc_gather_sum(a_hbm, b_hbm, et_hbm, out_hbm,
                       idxs0, idxd0, idxs1, idxd1, bufa0, bufb0, bufa1, bufb1,
                       bufo0, bufo1, sem_i0, sem_i1, sem_g0, sem_g1, sem_o0, sem_o1):
        wid = lax.axis_index("s") * 2 + lax.axis_index("c")
        nw = jnp.where(wid < extra, nfull + 1, nfull)
        start = wid * nfull + jnp.minimum(wid, extra)
        idxs = (idxs0, idxs1)
        idxd = (idxd0, idxd1)
        bufa = (bufa0, bufa1)
        bufb = (bufb0, bufb1)
        bufo = (bufo0, bufo1)
        sem_i = (sem_i0, sem_i1)
        sem_g = (sem_g0, sem_g1)
        sem_o = (sem_o0, sem_o1)

        def issue_idx(p, ci):
            base = (chunk_off + start + ci) * _CHUNK
            pltpu.async_copy(et_hbm.at[0, pl.ds(base, _CHUNK)], idxs[p], sem_i[p])
            pltpu.async_copy(et_hbm.at[1, pl.ds(base, _CHUNK)], idxd[p], sem_i[p])

        def wait_idx(p):
            pltpu.make_async_copy(et_hbm.at[0, pl.ds(0, _CHUNK)], idxs[p], sem_i[p]).wait()
            pltpu.make_async_copy(et_hbm.at[1, pl.ds(0, _CHUNK)], idxd[p], sem_i[p]).wait()

        def issue_gather(p):
            pltpu.async_copy(a_hbm.at[idxs[p]], bufa[p], sem_g[p])
            pltpu.async_copy(b_hbm.at[idxd[p]], bufb[p], sem_g[p])

        def wait_gather(p):
            pltpu.make_async_copy(a_hbm.at[pl.ds(0, _CHUNK)], bufa[p], sem_g[p]).wait()
            pltpu.make_async_copy(b_hbm.at[pl.ds(0, _CHUNK)], bufb[p], sem_g[p]).wait()

        def issue_out(p, ci):
            pltpu.async_copy(bufo[p], out_hbm.at[pl.ds((start + ci) * _P, _P)], sem_o[p])

        def wait_out(p):
            pltpu.make_async_copy(bufo[p], out_hbm.at[pl.ds(0, _P)], sem_o[p]).wait()

        issue_idx(0, 0)
        wait_idx(0)
        issue_gather(0)
        issue_idx(1, 1)

        def pair_body(ci2, carry):
            for p in (0, 1):
                ci = ci2 * 2 + p

                @pl.when(ci < nw)
                def _():
                    op = 1 - p

                    @pl.when(ci + 1 < nw)
                    def _():
                        wait_idx(op)
                        issue_gather(op)

                    wait_gather(p)

                    @pl.when(ci + 2 < nw)
                    def _():
                        issue_idx(p, ci + 2)

                    def row_body(q, c2):
                        for k in range(8):
                            bufo[p][q, pl.ds(k * _DOUT, _DOUT)] = (
                                bufa[p][k * _P + q, :] + bufb[p][k * _P + q, :])
                        return c2

                    lax.fori_loop(0, _P, row_body, 0)

                    @pl.when(ci >= 2)
                    def _():
                        wait_out(p)

                    issue_out(p, ci)

            return carry

        lax.fori_loop(0, (nfull + 2) // 2, pair_body, 0)
        wait_out(0)
        wait_out(1)

    return _sc_gather_sum


_sc_all = _make_sc(0, _NCHUNKS)



_CMB_SUB = 25
_CMB_BLK = _CMB_SUB * _CHUNK


def _combine_body(mt_ref, g_ref, wmt_ref, o_ref):
    mwt = jnp.dot(wmt_ref[...], mt_ref[...], preferred_element_type=jnp.float32)
    eye = jnp.eye(128, dtype=jnp.float32)
    gt = lax.dot_general(eye, g_ref[...], (((1,), (1,)), ((), ())),
                         preferred_element_type=jnp.float32)
    for kb in range(_CMB_SUB):
        for k in range(8):
            c = kb * _CHUNK + k * _P
            o_ref[:, c:c + _P] = (
                mwt[:, c:c + _P]
                + gt[16 * k:16 * (k + 1), kb * _P:(kb + 1) * _P])


def _make_combine(grid_n):
    nrows = grid_n * _CMB_SUB * _P
    return pl.pallas_call(
        _combine_body,
        grid=(grid_n,),
        in_specs=[
            pl.BlockSpec((16, _CMB_BLK), lambda i: (0, i)),
            pl.BlockSpec((nrows // grid_n, 128), lambda i: (i, 0)),
            pl.BlockSpec((_DM, _DOUT), lambda i: (0, 0)),
        ],
        out_specs=pl.BlockSpec((16, _CMB_BLK), lambda i: (0, i)),
        out_shape=jax.ShapeDtypeStruct((16, _E), jnp.float32),
    )


_combine = _make_combine(_NCHUNKS // _CMB_SUB)


def kernel(h, m_flux, v, edges, W, b):
    wh = W[:_D]
    wm = W[_D:_D + _DM]
    wvs = W[_D + _DM:_D + _DM + _D]
    wvd = W[_D + _DM + _D:]
    a_tab, b_tab = _node_proj(h, v, wh, wvs, wvd, b.reshape(1, _DOUT))
    edges_t = jnp.transpose(edges)
    gsum = _sc_all(a_tab, b_tab, edges_t)
    out_t = _combine(jnp.transpose(m_flux), gsum, jnp.transpose(wm))
    return jnp.transpose(out_t)

# --- scband reference (transcript-rebuilt; emitter-appended) ---
"""Pipeline reference for scband-flux-message-block-90623809945608 (READ-ONLY COPY).

The authoritative reference and input builder live on the scoring server;
editing this copy changes nothing except your own understanding.
"""

import jax, jax.numpy as jnp
import numpy as np

N, E, D, DM, DOUT = 10000, 640000, 128, 16, 16
DIN = D + DM + 2 * D  # 400


def setup_inputs(seed: int = 0) -> dict:
    key = jax.random.key(seed)
    ks = jax.random.split(key, 6)
    h = jax.random.normal(ks[0], (N, D), dtype=jnp.float32)
    m_flux = jax.random.normal(ks[1], (E, DM), dtype=jnp.float32)
    v = jax.random.normal(ks[2], (N, D), dtype=jnp.float32)
    edges = jax.random.randint(ks[3], (E, 2), 0, N, dtype=jnp.int32)
    W = jax.random.normal(ks[4], (DIN, DOUT), dtype=jnp.float32) * (1.0 / np.sqrt(DIN))
    b = jnp.zeros((DOUT,), dtype=jnp.float32)
    return {"h": h, "m_flux": m_flux, "v": v, "edges": edges, "W": W, "b": b}


def reference(h, m_flux, v, edges, W, b):
    src = edges[:, 0]
    dst = edges[:, 1]
    # m_features = cat([h_src + h_dst, m_flux, v_src, v_dst], dim=1)
    m_features = jnp.concatenate(
        [jnp.take(h, src, axis=0) + jnp.take(h, dst, axis=0),
         m_flux,
         jnp.take(v, src, axis=0),
         jnp.take(v, dst, axis=0)],
        axis=1,
    )
    # self.net(m_features): Linear(400 -> 16)
    m_flux_out = m_features @ W + b
    return m_flux_out

if __name__ == "__main__":
    import jax
    _d = setup_inputs()
    print(jax.jit(kernel)(*tuple(_d.values())))

</pallas_src>

<mosaic_0001>
#map = affine_map<(d0, d1) -> (0, 0)>
module attributes {stable_mosaic.version = 14 : i64} {
  func.func @_sc_gather_sum(%arg0: i32, %arg1: i32, %arg2: memref<10000x16xf32, #tpu.memory_space<hbm>>, %arg3: memref<10000x16xf32, #tpu.memory_space<hbm>>, %arg4: memref<2x640000xi32, #tpu.memory_space<hbm>>, %arg5: memref<80000x128xf32, #tpu.memory_space<hbm>>, %arg6: memref<1024xi32, #tpu.memory_space<vmem>>, %arg7: memref<1024xi32, #tpu.memory_space<vmem>>, %arg8: memref<1024xi32, #tpu.memory_space<vmem>>, %arg9: memref<1024xi32, #tpu.memory_space<vmem>>, %arg10: memref<1024x16xf32, #tpu.memory_space<vmem>>, %arg11: memref<1024x16xf32, #tpu.memory_space<vmem>>, %arg12: memref<1024x16xf32, #tpu.memory_space<vmem>>, %arg13: memref<1024x16xf32, #tpu.memory_space<vmem>>, %arg14: memref<128x128xf32, #tpu.memory_space<vmem>>, %arg15: memref<128x128xf32, #tpu.memory_space<vmem>>, %arg16: memref<!tpu.dma_semaphore, #tpu.memory_space<semaphore_mem>>, %arg17: memref<!tpu.dma_semaphore, #tpu.memory_space<semaphore_mem>>, %arg18: memref<!tpu.dma_semaphore, #tpu.memory_space<semaphore_mem>>, %arg19: memref<!tpu.dma_semaphore, #tpu.memory_space<semaphore_mem>>, %arg20: memref<!tpu.dma_semaphore, #tpu.memory_space<semaphore_mem>>, %arg21: memref<!tpu.dma_semaphore, #tpu.memory_space<semaphore_mem>>) attributes {dimension_semantics = [#tpu.dimension_semantics<core_parallel>, #tpu.dimension_semantics<subcore_parallel>], iteration_bounds = array<i64: 2, 16>, scalar_prefetch = 0 : i64, scratch_operands = 16 : i64, tpu.core_type = #tpu.core_type<sc_vector_subcore>, window_params = [{transform_indices = #map}, {transform_indices = #map}, {transform_indices = #map}, {transform_indices = #map}]} {
    %mul3A = arith.constant 2 : i32
    %mul3A_0 = arith.muli %arg1, %mul3A : i32
    %add3A = arith.addi %mul3A_0, %arg0 : i32
    %lt3A = arith.constant 17 : i32
    %lt3A_1 = arith.cmpi slt, %add3A, %lt3A : i32
    %jit3A = arith.constant 20 : i32
    %jit3A_2 = arith.constant 19 : i32
    %select_n3A = arith.select %lt3A_1, %jit3A, %jit3A_2 : i32
    %mul3A_3 = arith.constant 19 : i32
    %mul3A_4 = arith.muli %add3A, %mul3A_3 : i32
    %min3A = arith.constant 17 : i32
    %min3A_5 = arith.minsi %add3A, %min3A : i32
    %add3A_6 = arith.addi %mul3A_4, %min3A_5 : i32
    %add3A_7 = arith.constant 0 : i32
    %add3A_8 = arith.addi %add3A_7, %add3A_6 : i32
    %add3A_9 = arith.constant 0 : i32
    %add3A_10 = arith.addi %add3A_8, %add3A_9 : i32
    %mul3A_11 = arith.constant 1024 : i32
    %mul3A_12 = arith.muli %add3A_10, %mul3A_11 : i32
    %dma_start3A = arith.constant 0 : i32
    %dma_start3A_13 = tpu.memref_slice %arg4[%dma_start3A, %mul3A_12] : memref<2x640000xi32, #tpu.memory_space<hbm>> -> memref<1x1024xi32, #tpu.memory_space<hbm>>
    %dma_start3A_14 = tpu.memref_squeeze %dma_start3A_13 : memref<1x1024xi32, #tpu.memory_space<hbm>> -> memref<1024xi32, #tpu.memory_space<hbm>>
    %dma_start3A_15 = tpu.memref_slice %arg4[%dma_start3A, %mul3A_12] : memref<2x640000xi32, #tpu.memory_space<hbm>> -> memref<1x1024xi32, #tpu.memory_space<hbm>>
    %dma_start3A_16 = tpu.memref_squeeze %dma_start3A_15 : memref<1x1024xi32, #tpu.memory_space<hbm>> -> memref<1024xi32, #tpu.memory_space<hbm>>
    tpu.enqueue_dma source(%dma_start3A_16 : memref<1024xi32, #tpu.memory_space<hbm>>) target(%arg6 : memref<1024xi32, #tpu.memory_space<vmem>>) target_semaphore(%arg16 : memref<!tpu.dma_semaphore, #tpu.memory_space<semaphore_mem>>)
    %dma_start3A_17 = arith.constant 1 : i32
    %dma_start3A_18 = tpu.memref_slice %arg4[%dma_start3A_17, %mul3A_12] : memref<2x640000xi32, #tpu.memory_space<hbm>> -> memref<1x1024xi32, #tpu.memory_space<hbm>>
    %dma_start3A_19 = tpu.memref_squeeze %dma_start3A_18 : memref<1x1024xi32, #tpu.memory_space<hbm>> -> memref<1024xi32, #tpu.memory_space<hbm>>
    %dma_start3A_20 = tpu.memref_slice %arg4[%dma_start3A_17, %mul3A_12] : memref<2x640000xi32, #tpu.memory_space<hbm>> -> memref<1x1024xi32, #tpu.memory_space<hbm>>
    %dma_start3A_21 = tpu.memref_squeeze %dma_start3A_20 : memref<1x1024xi32, #tpu.memory_space<hbm>> -> memref<1024xi32, #tpu.memory_space<hbm>>
    tpu.enqueue_dma source(%dma_start3A_21 : memref<1024xi32, #tpu.memory_space<hbm>>) target(%arg7 : memref<1024xi32, #tpu.memory_space<vmem>>) target_semaphore(%arg16 : memref<!tpu.dma_semaphore, #tpu.memory_space<semaphore_mem>>)
    %dma_wait3A = arith.constant 0 : i32
    %dma_wait3A_22 = arith.constant 0 : i32
    %dma_wait3A_23 = tpu.memref_slice %arg4[%dma_wait3A, %dma_wait3A_22] : memref<2x640000xi32, #tpu.memory_space<hbm>> -> memref<1x1024xi32, #tpu.memory_space<hbm>>
    %dma_wait3A_24 = tpu.memref_squeeze %dma_wait3A_23 : memref<1x1024xi32, #tpu.memory_space<hbm>> -> memref<1024xi32, #tpu.memory_space<hbm>>
    %dma_wait3A_25 = arith.constant 0 : i32
    %dma_wait3A_26 = tpu.memref_slice %arg4[%dma_wait3A, %dma_wait3A_25] : memref<2x640000xi32, #tpu.memory_space<hbm>> -> memref<1x1024xi32, #tpu.memory_space<hbm>>
    %dma_wait3A_27 = tpu.memref_squeeze %dma_wait3A_26 : memref<1x1024xi32, #tpu.memory_space<hbm>> -> memref<1024xi32, #tpu.memory_space<hbm>>
    tpu.wait_dma2 semaphore(%arg16 : memref<!tpu.dma_semaphore, #tpu.memory_space<semaphore_mem>>) src(%dma_wait3A_27 : memref<1024xi32, #tpu.memory_space<hbm>>) dst(%arg6 : memref<1024xi32, #tpu.memory_space<vmem>>)
    %dma_wait3A_28 = arith.constant 1 : i32
    %dma_wait3A_29 = arith.constant 0 : i32
    %dma_wait3A_30 = tpu.memref_slice %arg4[%dma_wait3A_28, %dma_wait3A_29] : memref<2x640000xi32, #tpu.memory_space<hbm>> -> memref<1x1024xi32, #tpu.memory_space<hbm>>
    %dma_wait3A_31 = tpu.memref_squeeze %dma_wait3A_30 : memref<1x1024xi32, #tpu.memory_space<hbm>> -> memref<1024xi32, #tpu.memory_space<hbm>>
    %dma_wait3A_32 = arith.constant 0 : i32
    %dma_wait3A_33 = tpu.memref_slice %arg4[%dma_wait3A_28, %dma_wait3A_32] : memref<2x640000xi32, #tpu.memory_space<hbm>> -> memref<1x1024xi32, #tpu.memory_space<hbm>>
    %dma_wait3A_34 = tpu.memref_squeeze %dma_wait3A_33 : memref<1x1024xi32, #tpu.memory_space<hbm>> -> memref<1024xi32, #tpu.memory_space<hbm>>
    tpu.wait_dma2 semaphore(%arg16 : memref<!tpu.dma_semaphore, #tpu.memory_space<semaphore_mem>>) src(%dma_wait3A_34 : memref<1024xi32, #tpu.memory_space<hbm>>) dst(%arg7 : memref<1024xi32, #tpu.memory_space<vmem>>)
    %dma_start3A_35 = arith.constant 0 : i32
    %dma_start3A_36 = arith.constant 0 : i32
    %dma_start3A_37 = tpu.memref_slice %arg2[%dma_start3A_35, %dma_start3A_36] : memref<10000x16xf32, #tpu.memory_space<hbm>> -> memref<10000x16xf32, #tpu.memory_space<hbm>>
    tpu.enqueue_indirect_dma source(%dma_start3A_37 : memref<10000x16xf32, #tpu.memory_space<hbm>>) target(%arg10 : memref<1024x16xf32, #tpu.memory_space<vmem>>) offsets(%arg6 : memref<1024xi32, #tpu.memory_space<vmem>>) semaphore(%arg18 : memref<!tpu.dma_semaphore, #tpu.memory_space<semaphore_mem>>)
    %dma_start3A_38 = arith.constant 0 : i32
    %dma_start3A_39 = arith.constant 0 : i32
    %dma_start3A_40 = tpu.memref_slice %arg3[%dma_start3A_38, %dma_start3A_39] : memref<10000x16xf32, #tpu.memory_space<hbm>> -> memref<10000x16xf32, #tpu.memory_space<hbm>>
    tpu.enqueue_indirect_dma source(%dma_start3A_40 : memref<10000x16xf32, #tpu.memory_space<hbm>>) target(%arg11 : memref<1024x16xf32, #tpu.memory_space<vmem>>) offsets(%arg7 : memref<1024xi32, #tpu.memory_space<vmem>>) semaphore(%arg18 : memref<!tpu.dma_semaphore, #tpu.memory_space<semaphore_mem>>)
    %add3A_41 = arith.constant 0 : i32
    %add3A_42 = arith.addi %add3A_41, %add3A_6 : i32
    %add3A_43 = arith.constant 1 : i32
    %add3A_44 = arith.addi %add3A_42, %add3A_43 : i32
    %mul3A_45 = arith.constant 1024 : i32
    %mul3A_46 = arith.muli %add3A_44, %mul3A_45 : i32
    %dma_start3A_47 = arith.constant 0 : i32
    %dma_start3A_48 = tpu.memref_slice %arg4[%dma_start3A_47, %mul3A_46] : memref<2x640000xi32, #tpu.memory_space<hbm>> -> memref<1x1024xi32, #tpu.memory_space<hbm>>
    %dma_start3A_49 = tpu.memref_squeeze %dma_start3A_48 : memref<1x1024xi32, #tpu.memory_space<hbm>> -> memref<1024xi32, #tpu.memory_space<hbm>>
    %dma_start3A_50 = tpu.memref_slice %arg4[%dma_start3A_47, %mul3A_46] : memref<2x640000xi32, #tpu.memory_space<hbm>> -> memref<1x1024xi32, #tpu.memory_space<hbm>>
    %dma_start3A_51 = tpu.memref_squeeze %dma_start3A_50 : memref<1x1024xi32, #tpu.memory_space<hbm>> -> memref<1024xi32, #tpu.memory_space<hbm>>
    tpu.enqueue_dma source(%dma_start3A_51 : memref<1024xi32, #tpu.memory_space<hbm>>) target(%arg8 : memref<1024xi32, #tpu.memory_space<vmem>>) target_semaphore(%arg17 : memref<!tpu.dma_semaphore, #tpu.memory_space<semaphore_mem>>)
    %dma_start3A_52 = arith.constant 1 : i32
    %dma_start3A_53 = tpu.memref_slice %arg4[%dma_start3A_52, %mul3A_46] : memref<2x640000xi32, #tpu.memory_space<hbm>> -> memref<1x1024xi32, #tpu.memory_space<hbm>>
    %dma_start3A_54 = tpu.memref_squeeze %dma_start3A_53 : memref<1x1024xi32, #tpu.memory_space<hbm>> -> memref<1024xi32, #tpu.memory_space<hbm>>
    %dma_start3A_55 = tpu.memref_slice %arg4[%dma_start3A_52, %mul3A_46] : memref<2x640000xi32, #tpu.memory_space<hbm>> -> memref<1x1024xi32, #tpu.memory_space<hbm>>
    %dma_start3A_56 = tpu.memref_squeeze %dma_start3A_55 : memref<1x1024xi32, #tpu.memory_space<hbm>> -> memref<1024xi32, #tpu.memory_space<hbm>>
    tpu.enqueue_dma source(%dma_start3A_56 : memref<1024xi32, #tpu.memory_space<hbm>>) target(%arg9 : memref<1024xi32, #tpu.memory_space<vmem>>) target_semaphore(%arg17 : memref<!tpu.dma_semaphore, #tpu.memory_space<semaphore_mem>>)
    %scan3A = arith.constant 0 : i32
    %scan3A_57 = arith.constant 0 : i32
    %scan3A_58 = arith.constant 10 : i32
    %scan3A_59 = arith.addi %scan3A_57, %scan3A_58 : i32
    %scan3A_60 = arith.constant 1 : i32
    scf.for %scan3A_74 = %scan3A_57 to %scan3A_59 step %scan3A_60  : i32 {
      %mul3A_75 = arith.constant 2 : i32
      %mul3A_76 = arith.muli %scan3A_74, %mul3A_75 : i32
      %add3A_77 = arith.constant 0 : i32
      %add3A_78 = arith.addi %mul3A_76, %add3A_77 : i32
      %lt3A_79 = arith.cmpi slt, %add3A_78, %select_n3A : i32
      %convert_element_type3A = arith.extui %lt3A_79 : i1 to i32
      %cond3A = arith.constant 0 : i32
      %cond3A_80 = arith.cmpi ne, %convert_element_type3A, %cond3A : i32
      scf.if %cond3A_80 {
        %add3A_89 = arith.constant 1 : i32
        %add3A_90 = arith.addi %add3A_78, %add3A_89 : i32
        %lt3A_91 = arith.cmpi slt, %add3A_90, %select_n3A : i32
        %convert_element_type3A_92 = arith.extui %lt3A_91 : i1 to i32
        %cond3A_93 = arith.constant 0 : i32
        %cond3A_94 = arith.cmpi ne, %convert_element_type3A_92, %cond3A_93 : i32
        scf.if %cond3A_94 {
          %dma_wait3A_130 = arith.constant 0 : i32
          %dma_wait3A_131 = arith.constant 0 : i32
          %dma_wait3A_132 = tpu.memref_slice %arg4[%dma_wait3A_130, %dma_wait3A_131] : memref<2x640000xi32, #tpu.memory_space<hbm>> -> memref<1x1024xi32, #tpu.memory_space<hbm>>
          %dma_wait3A_133 = tpu.memref_squeeze %dma_wait3A_132 : memref<1x1024xi32, #tpu.memory_space<hbm>> -> memref<1024xi32, #tpu.memory_space<hbm>>
          %dma_wait3A_134 = arith.constant 0 : i32
          %dma_wait3A_135 = tpu.memref_slice %arg4[%dma_wait3A_130, %dma_wait3A_134] : memref<2x640000xi32, #tpu.memory_space<hbm>> -> memref<1x1024xi32, #tpu.memory_space<hbm>>
          %dma_wait3A_136 = tpu.memref_squeeze %dma_wait3A_135 : memref<1x1024xi32, #tpu.memory_space<hbm>> -> memref<1024xi32, #tpu.memory_space<hbm>>
          tpu.wait_dma2 semaphore(%arg17 : memref<!tpu.dma_semaphore, #tpu.memory_space<semaphore_mem>>) src(%dma_wait3A_136 : memref<1024xi32, #tpu.memory_space<hbm>>) dst(%arg8 : memref<1024xi32, #tpu.memory_space<vmem>>)
          %dma_wait3A_137 = arith.constant 1 : i32
          %dma_wait3A_138 = arith.constant 0 : i32
          %dma_wait3A_139 = tpu.memref_slice %arg4[%dma_wait3A_137, %dma_wait3A_138] : memref<2x640000xi32, #tpu.memory_space<hbm>> -> memref<1x1024xi32, #tpu.memory_space<hbm>>
          %dma_wait3A_140 = tpu.memref_squeeze %dma_wait3A_139 : memref<1x1024xi32, #tpu.memory_space<hbm>> -> memref<1024xi32, #tpu.memory_space<hbm>>
          %dma_wait3A_141 = arith.constant 0 : i32
          %dma_wait3A_142 = tpu.memref_slice %arg4[%dma_wait3A_137, %dma_wait3A_141] : memref<2x640000xi32, #tpu.memory_space<hbm>> -> memref<1x1024xi32, #tpu.memory_space<hbm>>
          %dma_wait3A_143 = tpu.memref_squeeze %dma_wait3A_142 : memref<1x1024xi32, #tpu.memory_space<hbm>> -> memref<1024xi32, #tpu.memory_space<hbm>>
          tpu.wait_dma2 semaphore(%arg17 : memref<!tpu.dma_semaphore, #tpu.memory_space<semaphore_mem>>) src(%dma_wait3A_143 : memref<1024xi32, #tpu.memory_space<hbm>>) dst(%arg9 : memref<1024xi32, #tpu.memory_space<vmem>>)
          %dma_start3A_144 = arith.constant 0 : i32
          %dma_start3A_145 = arith.constant 0 : i32
          %dma_start3A_146 = tpu.memref_slice %arg2[%dma_start3A_144, %dma_start3A_145] : memref<10000x16xf32, #tpu.memory_space<hbm>> -> memref<10000x16xf32, #tpu.memory_space<hbm>>
          tpu.enqueue_indirect_dma source(%dma_start3A_146 : memref<10000x16xf32, #tpu.memory_space<hbm>>) target(%arg12 : memref<1024x16xf32, #tpu.memory_space<vmem>>) offsets(%arg8 : memref<1024xi32, #tpu.memory_space<vmem>>) semaphore(%arg19 : memref<!tpu.dma_semaphore, #tpu.memory_space<semaphore_mem>>)
          %dma_start3A_147 = arith.constant 0 : i32
          %dma_start3A_148 = arith.constant 0 : i32
          %dma_start3A_149 = tpu.memref_slice %arg3[%dma_start3A_147, %dma_start3A_148] : memref<10000x16xf32, #tpu.memory_space<hbm>> -> memref<10000x16xf32, #tpu.memory_space<hbm>>
          tpu.enqueue_indirect_dma source(%dma_start3A_149 : memref<10000x16xf32, #tpu.memory_space<hbm>>) target(%arg13 : memref<1024x16xf32, #tpu.memory_space<vmem>>) offsets(%arg9 : memref<1024xi32, #tpu.memory_space<vmem>>) semaphore(%arg19 : memref<!tpu.dma_semaphore, #tpu.memory_space<semaphore_mem>>)
        } else {
        }
        %dma_wait3A_95 = arith.constant 0 : i32
        %dma_wait3A_96 = arith.constant 0 : i32
        %dma_wait3A_97 = tpu.memref_slice %arg2[%dma_wait3A_95, %dma_wait3A_96] : memref<10000x16xf32, #tpu.memory_space<hbm>> -> memref<1024x16xf32, #tpu.memory_space<hbm>>
        %dma_wait3A_98 = arith.constant 0 : i32
        %dma_wait3A_99 = arith.constant 0 : i32
        %dma_wait3A_100 = tpu.memref_slice %arg2[%dma_wait3A_98, %dma_wait3A_99] : memref<10000x16xf32, #tpu.memory_space<hbm>> -> memref<1024x16xf32, #tpu.memory_space<hbm>>
        tpu.wait_dma2 semaphore(%arg18 : memref<!tpu.dma_semaphore, #tpu.memory_space<semaphore_mem>>) src(%dma_wait3A_100 : memref<1024x16xf32, #tpu.memory_space<hbm>>) dst(%arg10 : memref<1024x16xf32, #tpu.memory_space<vmem>>)
        %dma_wait3A_101 = arith.constant 0 : i32
        %dma_wait3A_102 = arith.constant 0 : i32
        %dma_wait3A_103 = tpu.memref_slice %arg3[%dma_wait3A_101, %dma_wait3A_102] : memref<10000x16xf32, #tpu.memory_space<hbm>> -> memref<1024x16xf32, #tpu.memory_space<hbm>>
        %dma_wait3A_104 = arith.constant 0 : i32
        %dma_wait3A_105 = arith.constant 0 : i32
        %dma_wait3A_106 = tpu.memref_slice %arg3[%dma_wait3A_104, %dma_wait3A_105] : memref<10000x16xf32, #tpu.memory_space<hbm>> -> memref<1024x16xf32, #tpu.memory_space<hbm>>
        tpu.wait_dma2 semaphore(%arg18 : memref<!tpu.dma_semaphore, #tpu.memory_space<semaphore_mem>>) src(%dma_wait3A_106 : memref<1024x16xf32, #tpu.memory_space<hbm>>) dst(%arg11 : memref<1024x16xf32, #tpu.memory_space<vmem>>)
        %add3A_107 = arith.constant 2 : i32
        %add3A_108 = arith.addi %add3A_78, %add3A_107 : i32
        %lt3A_109 = arith.cmpi slt, %add3A_108, %select_n3A : i32
        %convert_element_type3A_110 = arith.extui %lt3A_109 : i1 to i32
        %cond3A_111 = arith.constant 0 : i32
        %cond3A_112 = arith.cmpi ne, %convert_element_type3A_110, %cond3A_111 : i32
        scf.if %cond3A_112 {
          %add3A_130 = arith.constant 2 : i32
          %add3A_131 = arith.addi %add3A_78, %add3A_130 : i32
          %add3A_132 = arith.constant 0 : i32
          %add3A_133 = arith.addi %add3A_132, %add3A_6 : i32
          %add3A_134 = arith.addi %add3A_133, %add3A_131 : i32
          %mul3A_135 = arith.constant 1024 : i32
          %mul3A_136 = arith.muli %add3A_134, %mul3A_135 : i32
          %dma_start3A_137 = arith.constant 0 : i32
          %dma_start3A_138 = tpu.memref_slice %arg4[%dma_start3A_137, %mul3A_136] : memref<2x640000xi32, #tpu.memory_space<hbm>> -> memref<1x1024xi32, #tpu.memory_space<hbm>>
          %dma_start3A_139 = tpu.memref_squeeze %dma_start3A_138 : memref<1x1024xi32, #tpu.memory_space<hbm>> -> memref<1024xi32, #tpu.memory_space<hbm>>
          %dma_start3A_140 = tpu.memref_slice %arg4[%dma_start3A_137, %mul3A_136] : memref<2x640000xi32, #tpu.memory_space<hbm>> -> memref<1x1024xi32, #tpu.memory_space<hbm>>
          %dma_start3A_141 = tpu.memref_squeeze %dma_start3A_140 : memref<1x1024xi32, #tpu.memory_space<hbm>> -> memref<1024xi32, #tpu.memory_space<hbm>>
          tpu.enqueue_dma source(%dma_start3A_141 : memref<1024xi32, #tpu.memory_space<hbm>>) target(%arg6 : memref<1024xi32, #tpu.memory_space<vmem>>) target_semaphore(%arg16 : memref<!tpu.dma_semaphore, #tpu.memory_space<semaphore_mem>>)
          %dma_start3A_142 = arith.constant 1 : i32
          %dma_start3A_143 = tpu.memref_slice %arg4[%dma_start3A_142, %mul3A_136] : memref<2x640000xi32, #tpu.memory_space<hbm>> -> memref<1x1024xi32, #tpu.memory_space<hbm>>
          %dma_start3A_144 = tpu.memref_squeeze %dma_start3A_143 : memref<1x1024xi32, #tpu.memory_space<hbm>> -> memref<1024xi32, #tpu.memory_space<hbm>>
          %dma_start3A_145 = tpu.memref_slice %arg4[%dma_start3A_142, %mul3A_136] : memref<2x640000xi32, #tpu.memory_space<hbm>> -> memref<1x1024xi32, #tpu.memory_space<hbm>>
          %dma_start3A_146 = tpu.memref_squeeze %dma_start3A_145 : memref<1x1024xi32, #tpu.memory_space<hbm>> -> memref<1024xi32, #tpu.memory_space<hbm>>
          tpu.enqueue_dma source(%dma_start3A_146 : memref<1024xi32, #tpu.memory_space<hbm>>) target(%arg7 : memref<1024xi32, #tpu.memory_space<vmem>>) target_semaphore(%arg16 : memref<!tpu.dma_semaphore, #tpu.memory_space<semaphore_mem>>)
        } else {
        }
        %scan3A_113 = arith.constant 0 : i32
        %scan3A_114 = arith.constant 0 : i32
        %scan3A_115 = arith.constant 128 : i32
        %scan3A_116 = arith.addi %scan3A_114, %scan3A_115 : i32
        %scan3A_117 = arith.constant 1 : i32
        scf.for %scan3A_130 = %scan3A_114 to %scan3A_116 step %scan3A_117  : i32 {
          %add3A_131 = arith.constant 0 : i32
          %add3A_132 = arith.addi %add3A_131, %scan3A_130 : i32
          %get3A = arith.index_cast %add3A_132 : i32 to index
          %get3A_133 = arith.constant 0 : index
          %get3A_134 = tpu.vector_load %arg10[%get3A, %get3A_133] {strides = array<i32>} : memref<1024x16xf32, #tpu.memory_space<vmem>>, vector<16xf32>,
          %add3A_135 = arith.constant 0 : i32
          %add3A_136 = arith.addi %add3A_135, %scan3A_130 : i32
          %get3A_137 = arith.index_cast %add3A_136 : i32 to index
          %get3A_138 = arith.constant 0 : index
          %get3A_139 = tpu.vector_load %arg11[%get3A_137, %get3A_138] {strides = array<i32>} : memref<1024x16xf32, #tpu.memory_space<vmem>>, vector<16xf32>,
          %add3A_140 = arith.addf %get3A_134, %get3A_139 : vector<16xf32>
          %swap3A = arith.index_cast %scan3A_130 : i32 to index
          %swap3A_141 = arith.constant 0 : index
          %swap3A_142 = tpu.vector_load %arg14[%swap3A, %swap3A_141] {strides = array<i32>} : memref<128x128xf32, #tpu.memory_space<vmem>>, vector<16xf32>,
          tpu.vector_store %arg14[%swap3A, %swap3A_141], %add3A_140 {strides = array<i32>} : memref<128x128xf32, #tpu.memory_space<vmem>>, vector<16xf32>,
          %add3A_143 = arith.constant 128 : i32
          %add3A_144 = arith.addi %add3A_143, %scan3A_130 : i32
          %get3A_145 = arith.index_cast %add3A_144 : i32 to index
          %get3A_146 = arith.constant 0 : index
          %get3A_147 = tpu.vector_load %arg10[%get3A_145, %get3A_146] {strides = array<i32>} : memref<1024x16xf32, #tpu.memory_space<vmem>>, vector<16xf32>,
          %add3A_148 = arith.constant 128 : i32
          %add3A_149 = arith.addi %add3A_148, %scan3A_130 : i32
          %get3A_150 = arith.index_cast %add3A_149 : i32 to index
          %get3A_151 = arith.constant 0 : index
          %get3A_152 = tpu.vector_load %arg11[%get3A_150, %get3A_151] {strides = array<i32>} : memref<1024x16xf32, #tpu.memory_space<vmem>>, vector<16xf32>,
          %add3A_153 = arith.addf %get3A_147, %get3A_152 : vector<16xf32>
          %swap3A_154 = arith.index_cast %scan3A_130 : i32 to index
          %swap3A_155 = arith.constant 16 : index
          %swap3A_156 = tpu.vector_load %arg14[%swap3A_154, %swap3A_155] {strides = array<i32>} : memref<128x128xf32, #tpu.memory_space<vmem>>, vector<16xf32>,
          tpu.vector_store %arg14[%swap3A_154, %swap3A_155], %add3A_153 {strides = array<i32>} : memref<128x128xf32, #tpu.memory_space<vmem>>, vector<16xf32>,
          %add3A_157 = arith.constant 256 : i32
          %add3A_158 = arith.addi %add3A_157, %scan3A_130 : i32
          %get3A_159 = arith.index_cast %add3A_158 : i32 to index
          %get3A_160 = arith.constant 0 : index
          %get3A_161 = tpu.vector_load %arg10[%get3A_159, %get3A_160] {strides = array<i32>} : memref<1024x16xf32, #tpu.memory_space<vmem>>, vector<16xf32>,
          %add3A_162 = arith.constant 256 : i32
          %add3A_163 = arith.addi %add3A_162, %scan3A_130 : i32
          %get3A_164 = arith.index_cast %add3A_163 : i32 to index
          %get3A_165 = arith.constant 0 : index
          %get3A_166 = tpu.vector_load %arg11[%get3A_164, %get3A_165] {strides = array<i32>} : memref<1024x16xf32, #tpu.memory_space<vmem>>, vector<16xf32>,
          %add3A_167 = arith.addf %get3A_161, %get3A_166 : vector<16xf32>
          %swap3A_168 = arith.index_cast %scan3A_130 : i32 to index
          %swap3A_169 = arith.constant 32 : index
          %swap3A_170 = tpu.vector_load %arg14[%swap3A_168, %swap3A_169] {strides = array<i32>} : memref<128x128xf32, #tpu.memory_space<vmem>>, vector<16xf32>,
          tpu.vector_store %arg14[%swap3A_168, %swap3A_169], %add3A_167 {strides = array<i32>} : memref<128x128xf32, #tpu.memory_space<vmem>>, vector<16xf32>,
          %add3A_171 = arith.constant 384 : i32
          %add3A_172 = arith.addi %add3A_171, %scan3A_130 : i32
          %get3A_173 = arith.index_cast %add3A_172 : i32 to index
          %get3A_174 = arith.constant 0 : index
          %get3A_175 = tpu.vector_load %arg10[%get3A_173, %get3A_174] {strides = array<i32>} : memref<1024x16xf32, #tpu.memory_space<vmem>>, vector<16xf32>,
          %add3A_176 = arith.constant 384 : i32
          %add3A_177 = arith.addi %add3A_176, %scan3A_130 : i32
          %get3A_178 = arith.index_cast %add3A_177 : i32 to index
          %get3A_179 = arith.constant 0 : index
          %get3A_180 = tpu.vector_load %arg11[%get3A_178, %get3A_179] {strides = array<i32>} : memref<1024x16xf32, #tpu.memory_space<vmem>>, vector<16xf32>,
          %add3A_181 = arith.addf %get3A_175, %get3A_180 : vector<16xf32>
          %swap3A_182 = arith.index_cast %scan3A_130 : i32 to index
          %swap3A_183 = arith.constant 48 : index
          %swap3A_184 = tpu.vector_load %arg14[%swap3A_182, %swap3A_183] {strides = array<i32>} : memref<128x128xf32, #tpu.memory_space<vmem>>, vector<16xf32>,
          tpu.vector_store %arg14[%swap3A_182, %swap3A_183], %add3A_181 {strides = array<i32>} : memref<128x128xf32, #tpu.memory_space<vmem>>, vector<16xf32>,
          %add3A_185 = arith.constant 512 : i32
          %add3A_186 = arith.addi %add3A_185, %scan3A_130 : i32
          %get3A_187 = arith.index_cast %add3A_186 : i32 to index
          %get3A_188 = arith.constant 0 : index
          %get3A_189 = tpu.vector_load %arg10[%get3A_187, %get3A_188] {strides = array<i32>} : memref<1024x16xf32, #tpu.memory_space<vmem>>, vector<16xf32>,
          %add3A_190 = arith.constant 512 : i32
          %add3A_191 = arith.addi %add3A_190, %scan3A_130 : i32
          %get3A_192 = arith.index_cast %add3A_191 : i32 to index
          %get3A_193 = arith.constant 0 : index
          %get3A_194 = tpu.vector_load %arg11[%get3A_192, %get3A_193] {strides = array<i32>} : memref<1024x16xf32, #tpu.memory_space<vmem>>, vector<16xf32>,
          %add3A_195 = arith.addf %get3A_189, %get3A_194 : vector<16xf32>
          %swap3A_196 = arith.index_cast %scan3A_130 : i32 to index
          %swap3A_197 = arith.constant 64 : index
          %swap3A_198 = tpu.vector_load %arg14[%swap3A_196, %swap3A_197] {strides = array<i32>} : memref<128x128xf32, #tpu.memory_space<vmem>>, vector<16xf32>,
          tpu.vector_store %arg14[%swap3A_196, %swap3A_197], %add3A_195 {strides = array<i32>} : memref<128x128xf32, #tpu.memory_space<vmem>>, vector<16xf32>,
          %add3A_199 = arith.constant 640 : i32
          %add3A_200 = arith.addi %add3A_199, %scan3A_130 : i32
          %get3A_201 = arith.index_cast %add3A_200 : i32 to index
          %get3A_202 = arith.constant 0 : index
          %get3A_203 = tpu.vector_load %arg10[%get3A_201, %get3A_202] {strides = array<i32>} : memref<1024x16xf32, #tpu.memory_space<vmem>>, vector<16xf32>,
          %add3A_204 = arith.constant 640 : i32
          %add3A_205 = arith.addi %add3A_204, %scan3A_130 : i32
          %get3A_206 = arith.index_cast %add3A_205 : i32 to index
          %get3A_207 = arith.constant 0 : index
          %get3A_208 = tpu.vector_load %arg11[%get3A_206, %get3A_207] {strides = array<i32>} : memref<1024x16xf32, #tpu.memory_space<vmem>>, vector<16xf32>,
          %add3A_209 = arith.addf %get3A_203, %get3A_208 : vector<16xf32>
          %swap3A_210 = arith.index_cast %scan3A_130 : i32 to index
          %swap3A_211 = arith.constant 80 : index
          %swap3A_212 = tpu.vector_load %arg14[%swap3A_210, %swap3A_211] {strides = array<i32>} : memref<128x128xf32, #tpu.memory_space<vmem>>, vector<16xf32>,
          tpu.vector_store %arg14[%swap3A_210, %swap3A_211], %add3A_209 {strides = array<i32>} : memref<128x128xf32, #tpu.memory_space<vmem>>, vector<16xf32>,
          %add3A_213 = arith.constant 768 : i32
          %add3A_214 = arith.addi %add3A_213, %scan3A_130 : i32
          %get3A_215 = arith.index_cast %add3A_214 : i32 to index
          %get3A_216 = arith.constant 0 : index
          %get3A_217 = tpu.vector_load %arg10[%get3A_215, %get3A_216] {strides = array<i32>} : memref<1024x16xf32, #tpu.memory_space<vmem>>, vector<16xf32>,
          %add3A_218 = arith.constant 768 : i32
          %add3A_219 = arith.addi %add3A_218, %scan3A_130 : i32
          %get3A_220 = arith.index_cast %add3A_219 : i32 to index
          %get3A_221 = arith.constant 0 : index
          %get3A_222 = tpu.vector_load %arg11[%get3A_220, %get3A_221] {strides = array<i32>} : memref<1024x16xf32, #tpu.memory_space<vmem>>, vector<16xf32>,
          %add3A_223 = arith.addf %get3A_217, %get3A_222 : vector<16xf32>
          %swap3A_224 = arith.index_cast %scan3A_130 : i32 to index
          %swap3A_225 = arith.constant 96 : index
          %swap3A_226 = tpu.vector_load %arg14[%swap3A_224, %swap3A_225] {strides = array<i32>} : memref<128x128xf32, #tpu.memory_space<vmem>>, vector<16xf32>,
          tpu.vector_store %arg14[%swap3A_224, %swap3A_225], %add3A_223 {strides = array<i32>} : memref<128x128xf32, #tpu.memory_space<vmem>>, vector<16xf32>,
          %add3A_227 = arith.constant 896 : i32
          %add3A_228 = arith.addi %add3A_227, %scan3A_130 : i32
          %get3A_229 = arith.index_cast %add3A_228 : i32 to index
          %get3A_230 = arith.constant 0 : index
          %get3A_231 = tpu.vector_load %arg10[%get3A_229, %get3A_230] {strides = array<i32>} : memref<1024x16xf32, #tpu.memory_space<vmem>>, vector<16xf32>,
          %add3A_232 = arith.constant 896 : i32
          %add3A_233 = arith.addi %add3A_232, %scan3A_130 : i32
          %get3A_234 = arith.index_cast %add3A_233 : i32 to index
          %get3A_235 = arith.constant 0 : index
          %get3A_236 = tpu.vector_load %arg11[%get3A_234, %get3A_235] {strides = array<i32>} : memref<1024x16xf32, #tpu.memory_space<vmem>>, vector<16xf32>,
          %add3A_237 = arith.addf %get3A_231, %get3A_236 : vector<16xf32>
          %swap3A_238 = arith.index_cast %scan3A_130 : i32 to index
          %swap3A_239 = arith.constant 112 : index
          %swap3A_240 = tpu.vector_load %arg14[%swap3A_238, %swap3A_239] {strides = array<i32>} : memref<128x128xf32, #tpu.memory_space<vmem>>, vector<16xf32>,
          tpu.vector_store %arg14[%swap3A_238, %swap3A_239], %add3A_237 {strides = array<i32>} : memref<128x128xf32, #tpu.memory_space<vmem>>, vector<16xf32>,
        }
        %scan3A_118 = arith.constant 128 : i32
        %ge3A = arith.constant 2 : i32
        %ge3A_119 = arith.cmpi sge, %add3A_78, %ge3A : i32
        %convert_element_type3A_120 = arith.extui %ge3A_119 : i1 to i32
        %cond3A_121 = arith.constant 0 : i32
        %cond3A_122 = arith.cmpi ne, %convert_element_type3A_120, %cond3A_121 : i32
        scf.if %cond3A_122 {
          %dma_wait3A_130 = arith.constant 0 : i32
          %dma_wait3A_131 = arith.constant 0 : i32
          %dma_wait3A_132 = tpu.memref_slice %arg5[%dma_wait3A_130, %dma_wait3A_131] : memref<80000x128xf32, #tpu.memory_space<hbm>> -> memref<128x128xf32, #tpu.memory_space<hbm>>
          %dma_wait3A_133 = arith.constant 0 : i32
          %dma_wait3A_134 = arith.constant 0 : i32
          %dma_wait3A_135 = tpu.memref_slice %arg5[%dma_wait3A_133, %dma_wait3A_134] : memref<80000x128xf32, #tpu.memory_space<hbm>> -> memref<128x128xf32, #tpu.memory_space<hbm>>
          tpu.wait_dma2 semaphore(%arg20 : memref<!tpu.dma_semaphore, #tpu.memory_space<semaphore_mem>>) src(%arg14 : memref<128x128xf32, #tpu.memory_space<vmem>>) dst(%dma_wait3A_135 : memref<128x128xf32, #tpu.memory_space<hbm>>)
        } else {
        }
        %add3A_123 = arith.addi %add3A_6, %add3A_78 : i32
        %mul3A_124 = arith.constant 128 : i32
        %mul3A_125 = arith.muli %add3A_123, %mul3A_124 : i32
        %dma_start3A_126 = arith.constant 0 : i32
        %dma_start3A_127 = tpu.memref_slice %arg5[%mul3A_125, %dma_start3A_126] : memref<80000x128xf32, #tpu.memory_space<hbm>> -> memref<128x128xf32, #tpu.memory_space<hbm>>
        %dma_start3A_128 = arith.constant 0 : i32
        %dma_start3A_129 = tpu.memref_slice %arg5[%mul3A_125, %dma_start3A_128] : memref<80000x128xf32, #tpu.memory_space<hbm>> -> memref<128x128xf32, #tpu.memory_space<hbm>>
        tpu.enqueue_dma source(%arg14 : memref<128x128xf32, #tpu.memory_space<vmem>>) target(%dma_start3A_129 : memref<128x128xf32, #tpu.memory_space<hbm>>) target_semaphore(%arg20 : memref<!tpu.dma_semaphore, #tpu.memory_space<semaphore_mem>>)
      } else {
      }
      %mul3A_81 = arith.constant 2 : i32
      %mul3A_82 = arith.muli %scan3A_74, %mul3A_81 : i32
      %add3A_83 = arith.constant 1 : i32
      %add3A_84 = arith.addi %mul3A_82, %add3A_83 : i32
      %lt3A_85 = arith.cmpi slt, %add3A_84, %select_n3A : i32
      %convert_element_type3A_86 = arith.extui %lt3A_85 : i1 to i32
      %cond3A_87 = arith.constant 0 : i32
      %cond3A_88 = arith.cmpi ne, %convert_element_type3A_86, %cond3A_87 : i32
      scf.if %cond3A_88 {
        %add3A_89 = arith.constant 1 : i32
        %add3A_90 = arith.addi %add3A_84, %add3A_89 : i32
        %lt3A_91 = arith.cmpi slt, %add3A_90, %select_n3A : i32
        %convert_element_type3A_92 = arith.extui %lt3A_91 : i1 to i32
        %cond3A_93 = arith.constant 0 : i32
        %cond3A_94 = arith.cmpi ne, %convert_element_type3A_92, %cond3A_93 : i32
        scf.if %cond3A_94 {
          %dma_wait3A_130 = arith.constant 0 : i32
          %dma_wait3A_131 = arith.constant 0 : i32
          %dma_wait3A_132 = tpu.memref_slice %arg4[%dma_wait3A_130, %dma_wait3A_131] : memref<2x640000xi32, #tpu.memory_space<hbm>> -> memref<1x1024xi32, #tpu.memory_space<hbm>>
          %dma_wait3A_133 = tpu.memref_squeeze %dma_wait3A_132 : memref<1x1024xi32, #tpu.memory_space<hbm>> -> memref<1024xi32, #tpu.memory_space<hbm>>
          %dma_wait3A_134 = arith.constant 0 : i32
          %dma_wait3A_135 = tpu.memref_slice %arg4[%dma_wait3A_130, %dma_wait3A_134] : memref<2x640000xi32, #tpu.memory_space<hbm>> -> memref<1x1024xi32, #tpu.memory_space<hbm>>
          %dma_wait3A_136 = tpu.memref_squeeze %dma_wait3A_135 : memref<1x1024xi32, #tpu.memory_space<hbm>> -> memref<1024xi32, #tpu.memory_space<hbm>>
          tpu.wait_dma2 semaphore(%arg16 : memref<!tpu.dma_semaphore, #tpu.memory_space<semaphore_mem>>) src(%dma_wait3A_136 : memref<1024xi32, #tpu.memory_space<hbm>>) dst(%arg6 : memref<1024xi32, #tpu.memory_space<vmem>>)
          %dma_wait3A_137 = arith.constant 1 : i32
          %dma_wait3A_138 = arith.constant 0 : i32
          %dma_wait3A_139 = tpu.memref_slice %arg4[%dma_wait3A_137, %dma_wait3A_138] : memref<2x640000xi32, #tpu.memory_space<hbm>> -> memref<1x1024xi32, #tpu.memory_space<hbm>>
          %dma_wait3A_140 = tpu.memref_squeeze %dma_wait3A_139 : memref<1x1024xi32, #tpu.memory_space<hbm>> -> memref<1024xi32, #tpu.memory_space<hbm>>
          %dma_wait3A_141 = arith.constant 0 : i32
          %dma_wait3A_142 = tpu.memref_slice %arg4[%dma_wait3A_137, %dma_wait3A_141] : memref<2x640000xi32, #tpu.memory_space<hbm>> -> memref<1x1024xi32, #tpu.memory_space<hbm>>
          %dma_wait3A_143 = tpu.memref_squeeze %dma_wait3A_142 : memref<1x1024xi32, #tpu.memory_space<hbm>> -> memref<1024xi32, #tpu.memory_space<hbm>>
          tpu.wait_dma2 semaphore(%arg16 : memref<!tpu.dma_semaphore, #tpu.memory_space<semaphore_mem>>) src(%dma_wait3A_143 : memref<1024xi32, #tpu.memory_space<hbm>>) dst(%arg7 : memref<1024xi32, #tpu.memory_space<vmem>>)
          %dma_start3A_144 = arith.constant 0 : i32
          %dma_start3A_145 = arith.constant 0 : i32
          %dma_start3A_146 = tpu.memref_slice %arg2[%dma_start3A_144, %dma_start3A_145] : memref<10000x16xf32, #tpu.memory_space<hbm>> -> memref<10000x16xf32, #tpu.memory_space<hbm>>
          tpu.enqueue_indirect_dma source(%dma_start3A_146 : memref<10000x16xf32, #tpu.memory_space<hbm>>) target(%arg10 : memref<1024x16xf32, #tpu.memory_space<vmem>>) offsets(%arg6 : memref<1024xi32, #tpu.memory_space<vmem>>) semaphore(%arg18 : memref<!tpu.dma_semaphore, #tpu.memory_space<semaphore_mem>>)
          %dma_start3A_147 = arith.constant 0 : i32
          %dma_start3A_148 = arith.constant 0 : i32
          %dma_start3A_149 = tpu.memref_slice %arg3[%dma_start3A_147, %dma_start3A_148] : memref<10000x16xf32, #tpu.memory_space<hbm>> -> memref<10000x16xf32, #tpu.memory_space<hbm>>
          tpu.enqueue_indirect_dma source(%dma_start3A_149 : memref<10000x16xf32, #tpu.memory_space<hbm>>) target(%arg11 : memref<1024x16xf32, #tpu.memory_space<vmem>>) offsets(%arg7 : memref<1024xi32, #tpu.memory_space<vmem>>) semaphore(%arg18 : memref<!tpu.dma_semaphore, #tpu.memory_space<semaphore_mem>>)
        } else {
        }
        %dma_wait3A_95 = arith.constant 0 : i32
        %dma_wait3A_96 = arith.constant 0 : i32
        %dma_wait3A_97 = tpu.memref_slice %arg2[%dma_wait3A_95, %dma_wait3A_96] : memref<10000x16xf32, #tpu.memory_space<hbm>> -> memref<1024x16xf32, #tpu.memory_space<hbm>>
        %dma_wait3A_98 = arith.constant 0 : i32
        %dma_wait3A_99 = arith.constant 0 : i32
        %dma_wait3A_100 = tpu.memref_slice %arg2[%dma_wait3A_98, %dma_wait3A_99] : memref<10000x16xf32, #tpu.memory_space<hbm>> -> memref<1024x16xf32, #tpu.memory_space<hbm>>
        tpu.wait_dma2 semaphore(%arg19 : memref<!tpu.dma_semaphore, #tpu.memory_space<semaphore_mem>>) src(%dma_wait3A_100 : memref<1024x16xf32, #tpu.memory_space<hbm>>) dst(%arg12 : memref<1024x16xf32, #tpu.memory_space<vmem>>)
        %dma_wait3A_101 = arith.constant 0 : i32
        %dma_wait3A_102 = arith.constant 0 : i32
        %dma_wait3A_103 = tpu.memref_slice %arg3[%dma_wait3A_101, %dma_wait3A_102] : memref<10000x16xf32, #tpu.memory_space<hbm>> -> memref<1024x16xf32, #tpu.memory_space<hbm>>
        %dma_wait3A_104 = arith.constant 0 : i32
        %dma_wait3A_105 = arith.constant 0 : i32
        %dma_wait3A_106 = tpu.memref_slice %arg3[%dma_wait3A_104, %dma_wait3A_105] : memref<10000x16xf32, #tpu.memory_space<hbm>> -> memref<1024x16xf32, #tpu.memory_space<hbm>>
        tpu.wait_dma2 semaphore(%arg19 : memref<!tpu.dma_semaphore, #tpu.memory_space<semaphore_mem>>) src(%dma_wait3A_106 : memref<1024x16xf32, #tpu.memory_space<hbm>>) dst(%arg13 : memref<1024x16xf32, #tpu.memory_space<vmem>>)
        %add3A_107 = arith.constant 2 : i32
        %add3A_108 = arith.addi %add3A_84, %add3A_107 : i32
        %lt3A_109 = arith.cmpi slt, %add3A_108, %select_n3A : i32
        %convert_element_type3A_110 = arith.extui %lt3A_109 : i1 to i32
        %cond3A_111 = arith.constant 0 : i32
        %cond3A_112 = arith.cmpi ne, %convert_element_type3A_110, %cond3A_111 : i32
        scf.if %cond3A_112 {
          %add3A_130 = arith.constant 2 : i32
          %add3A_131 = arith.addi %add3A_84, %add3A_130 : i32
          %add3A_132 = arith.constant 0 : i32
          %add3A_133 = arith.addi %add3A_132, %add3A_6 : i32
          %add3A_134 = arith.addi %add3A_133, %add3A_131 : i32
          %mul3A_135 = arith.constant 1024 : i32
          %mul3A_136 = arith.muli %add3A_134, %mul3A_135 : i32
          %dma_start3A_137 = arith.constant 0 : i32
          %dma_start3A_138 = tpu.memref_slice %arg4[%dma_start3A_137, %mul3A_136] : memref<2x640000xi32, #tpu.memory_space<hbm>> -> memref<1x1024xi32, #tpu.memory_space<hbm>>
          %dma_start3A_139 = tpu.memref_squeeze %dma_start3A_138 : memref<1x1024xi32, #tpu.memory_space<hbm>> -> memref<1024xi32, #tpu.memory_space<hbm>>
          %dma_start3A_140 = tpu.memref_slice %arg4[%dma_start3A_137, %mul3A_136] : memref<2x640000xi32, #tpu.memory_space<hbm>> -> memref<1x1024xi32, #tpu.memory_space<hbm>>
          %dma_start3A_141 = tpu.memref_squeeze %dma_start3A_140 : memref<1x1024xi32, #tpu.memory_space<hbm>> -> memref<1024xi32, #tpu.memory_space<hbm>>
          tpu.enqueue_dma source(%dma_start3A_141 : memref<1024xi32, #tpu.memory_space<hbm>>) target(%arg8 : memref<1024xi32, #tpu.memory_space<vmem>>) target_semaphore(%arg17 : memref<!tpu.dma_semaphore, #tpu.memory_space<semaphore_mem>>)
          %dma_start3A_142 = arith.constant 1 : i32
          %dma_start3A_143 = tpu.memref_slice %arg4[%dma_start3A_142, %mul3A_136] : memref<2x640000xi32, #tpu.memory_space<hbm>> -> memref<1x1024xi32, #tpu.memory_space<hbm>>
          %dma_start3A_144 = tpu.memref_squeeze %dma_start3A_143 : memref<1x1024xi32, #tpu.memory_space<hbm>> -> memref<1024xi32, #tpu.memory_space<hbm>>
          %dma_start3A_145 = tpu.memref_slice %arg4[%dma_start3A_142, %mul3A_136] : memref<2x640000xi32, #tpu.memory_space<hbm>> -> memref<1x1024xi32, #tpu.memory_space<hbm>>
          %dma_start3A_146 = tpu.memref_squeeze %dma_start3A_145 : memref<1x1024xi32, #tpu.memory_space<hbm>> -> memref<1024xi32, #tpu.memory_space<hbm>>
          tpu.enqueue_dma source(%dma_start3A_146 : memref<1024xi32, #tpu.memory_space<hbm>>) target(%arg9 : memref<1024xi32, #tpu.memory_space<vmem>>) target_semaphore(%arg17 : memref<!tpu.dma_semaphore, #tpu.memory_space<semaphore_mem>>)
        } else {
        }
        %scan3A_113 = arith.constant 0 : i32
        %scan3A_114 = arith.constant 0 : i32
        %scan3A_115 = arith.constant 128 : i32
        %scan3A_116 = arith.addi %scan3A_114, %scan3A_115 : i32
        %scan3A_117 = arith.constant 1 : i32
        scf.for %scan3A_130 = %scan3A_114 to %scan3A_116 step %scan3A_117  : i32 {
          %add3A_131 = arith.constant 0 : i32
          %add3A_132 = arith.addi %add3A_131, %scan3A_130 : i32
          %get3A = arith.index_cast %add3A_132 : i32 to index
          %get3A_133 = arith.constant 0 : index
          %get3A_134 = tpu.vector_load %arg12[%get3A, %get3A_133] {strides = array<i32>} : memref<1024x16xf32, #tpu.memory_space<vmem>>, vector<16xf32>,
          %add3A_135 = arith.constant 0 : i32
          %add3A_136 = arith.addi %add3A_135, %scan3A_130 : i32
          %get3A_137 = arith.index_cast %add3A_136 : i32 to index
          %get3A_138 = arith.constant 0 : index
          %get3A_139 = tpu.vector_load %arg13[%get3A_137, %get3A_138] {strides = array<i32>} : memref<1024x16xf32, #tpu.memory_space<vmem>>, vector<16xf32>,
          %add3A_140 = arith.addf %get3A_134, %get3A_139 : vector<16xf32>
          %swap3A = arith.index_cast %scan3A_130 : i32 to index
          %swap3A_141 = arith.constant 0 : index
          %swap3A_142 = tpu.vector_load %arg15[%swap3A, %swap3A_141] {strides = array<i32>} : memref<128x128xf32, #tpu.memory_space<vmem>>, vector<16xf32>,
          tpu.vector_store %arg15[%swap3A, %swap3A_141], %add3A_140 {strides = array<i32>} : memref<128x128xf32, #tpu.memory_space<vmem>>, vector<16xf32>,
          %add3A_143 = arith.constant 128 : i32
          %add3A_144 = arith.addi %add3A_143, %scan3A_130 : i32
          %get3A_145 = arith.index_cast %add3A_144 : i32 to index
          %get3A_146 = arith.constant 0 : index
          %get3A_147 = tpu.vector_load %arg12[%get3A_145, %get3A_146] {strides = array<i32>} : memref<1024x16xf32, #tpu.memory_space<vmem>>, vector<16xf32>,
          %add3A_148 = arith.constant 128 : i32
          %add3A_149 = arith.addi %add3A_148, %scan3A_130 : i32
          %get3A_150 = arith.index_cast %add3A_149 : i32 to index
          %get3A_151 = arith.constant 0 : index
          %get3A_152 = tpu.vector_load %arg13[%get3A_150, %get3A_151] {strides = array<i32>} : memref<1024x16xf32, #tpu.memory_space<vmem>>, vector<16xf32>,
          %add3A_153 = arith.addf %get3A_147, %get3A_152 : vector<16xf32>
          %swap3A_154 = arith.index_cast %scan3A_130 : i32 to index
          %swap3A_155 = arith.constant 16 : index
          %swap3A_156 = tpu.vector_load %arg15[%swap3A_154, %swap3A_155] {strides = array<i32>} : memref<128x128xf32, #tpu.memory_space<vmem>>, vector<16xf32>,
          tpu.vector_store %arg15[%swap3A_154, %swap3A_155], %add3A_153 {strides = array<i32>} : memref<128x128xf32, #tpu.memory_space<vmem>>, vector<16xf32>,
          %add3A_157 = arith.constant 256 : i32
          %add3A_158 = arith.addi %add3A_157, %scan3A_130 : i32
          %get3A_159 = arith.index_cast %add3A_158 : i32 to index
          %get3A_160 = arith.constant 0 : index
          %get3A_161 = tpu.vector_load %arg12[%get3A_159, %get3A_160] {strides = array<i32>} : memref<1024x16xf32, #tpu.memory_space<vmem>>, vector<16xf32>,
          %add3A_162 = arith.constant 256 : i32
          %add3A_163 = arith.addi %add3A_162, %scan3A_130 : i32
          %get3A_164 = arith.index_cast %add3A_163 : i32 to index
          %get3A_165 = arith.constant 0 : index
          %get3A_166 = tpu.vector_load %arg13[%get3A_164, %get3A_165] {strides = array<i32>} : memref<1024x16xf32, #tpu.memory_space<vmem>>, vector<16xf32>,
          %add3A_167 = arith.addf %get3A_161, %get3A_166 : vector<16xf32>
          %swap3A_168 = arith.index_cast %scan3A_130 : i32 to index
          %swap3A_169 = arith.constant 32 : index
          %swap3A_170 = tpu.vector_load %arg15[%swap3A_168, %swap3A_169] {strides = array<i32>} : memref<128x128xf32, #tpu.memory_space<vmem>>, vector<16xf32>,
          tpu.vector_store %arg15[%swap3A_168, %swap3A_169], %add3A_167 {strides = array<i32>} : memref<128x128xf32, #tpu.memory_space<vmem>>, vector<16xf32>,
          %add3A_171 = arith.constant 384 : i32
          %add3A_172 = arith.addi %add3A_171, %scan3A_130 : i32
          %get3A_173 = arith.index_cast %add3A_172 : i32 to index
          %get3A_174 = arith.constant 0 : index
          %get3A_175 = tpu.vector_load %arg12[%get3A_173, %get3A_174] {strides = array<i32>} : memref<1024x16xf32, #tpu.memory_space<vmem>>, vector<16xf32>,
          %add3A_176 = arith.constant 384 : i32
          %add3A_177 = arith.addi %add3A_176, %scan3A_130 : i32
          %get3A_178 = arith.index_cast %add3A_177 : i32 to index
          %get3A_179 = arith.constant 0 : index
          %get3A_180 = tpu.vector_load %arg13[%get3A_178, %get3A_179] {strides = array<i32>} : memref<1024x16xf32, #tpu.memory_space<vmem>>, vector<16xf32>,
          %add3A_181 = arith.addf %get3A_175, %get3A_180 : vector<16xf32>
          %swap3A_182 = arith.index_cast %scan3A_130 : i32 to index
          %swap3A_183 = arith.constant 48 : index
          %swap3A_184 = tpu.vector_load %arg15[%swap3A_182, %swap3A_183] {strides = array<i32>} : memref<128x128xf32, #tpu.memory_space<vmem>>, vector<16xf32>,
          tpu.vector_store %arg15[%swap3A_182, %swap3A_183], %add3A_181 {strides = array<i32>} : memref<128x128xf32, #tpu.memory_space<vmem>>, vector<16xf32>,
          %add3A_185 = arith.constant 512 : i32
          %add3A_186 = arith.addi %add3A_185, %scan3A_130 : i32
          %get3A_187 = arith.index_cast %add3A_186 : i32 to index
          %get3A_188 = arith.constant 0 : index
          %get3A_189 = tpu.vector_load %arg12[%get3A_187, %get3A_188] {strides = array<i32>} : memref<1024x16xf32, #tpu.memory_space<vmem>>, vector<16xf32>,
          %add3A_190 = arith.constant 512 : i32
          %add3A_191 = arith.addi %add3A_190, %scan3A_130 : i32
          %get3A_192 = arith.index_cast %add3A_191 : i32 to index
          %get3A_193 = arith.constant 0 : index
          %get3A_194 = tpu.vector_load %arg13[%get3A_192, %get3A_193] {strides = array<i32>} : memref<1024x16xf32, #tpu.memory_space<vmem>>, vector<16xf32>,
          %add3A_195 = arith.addf %get3A_189, %get3A_194 : vector<16xf32>
          %swap3A_196 = arith.index_cast %scan3A_130 : i32 to index
          %swap3A_197 = arith.constant 64 : index
          %swap3A_198 = tpu.vector_load %arg15[%swap3A_196, %swap3A_197] {strides = array<i32>} : memref<128x128xf32, #tpu.memory_space<vmem>>, vector<16xf32>,
          tpu.vector_store %arg15[%swap3A_196, %swap3A_197], %add3A_195 {strides = array<i32>} : memref<128x128xf32, #tpu.memory_space<vmem>>, vector<16xf32>,
          %add3A_199 = arith.constant 640 : i32
          %add3A_200 = arith.addi %add3A_199, %scan3A_130 : i32
          %get3A_201 = arith.index_cast %add3A_200 : i32 to index
          %get3A_202 = arith.constant 0 : index
          %get3A_203 = tpu.vector_load %arg12[%get3A_201, %get3A_202] {strides = array<i32>} : memref<1024x16xf32, #tpu.memory_space<vmem>>, vector<16xf32>,
          %add3A_204 = arith.constant 640 : i32
          %add3A_205 = arith.addi %add3A_204, %scan3A_130 : i32
          %get3A_206 = arith.index_cast %add3A_205 : i32 to index
          %get3A_207 = arith.constant 0 : index
          %get3A_208 = tpu.vector_load %arg13[%get3A_206, %get3A_207] {strides = array<i32>} : memref<1024x16xf32, #tpu.memory_space<vmem>>, vector<16xf32>,
          %add3A_209 = arith.addf %get3A_203, %get3A_208 : vector<16xf32>
          %swap3A_210 = arith.index_cast %scan3A_130 : i32 to index
          %swap3A_211 = arith.constant 80 : index
          %swap3A_212 = tpu.vector_load %arg15[%swap3A_210, %swap3A_211] {strides = array<i32>} : memref<128x128xf32, #tpu.memory_space<vmem>>, vector<16xf32>,
          tpu.vector_store %arg15[%swap3A_210, %swap3A_211], %add3A_209 {strides = array<i32>} : memref<128x128xf32, #tpu.memory_space<vmem>>, vector<16xf32>,
          %add3A_213 = arith.constant 768 : i32
          %add3A_214 = arith.addi %add3A_213, %scan3A_130 : i32
          %get3A_215 = arith.index_cast %add3A_214 : i32 to index
          %get3A_216 = arith.constant 0 : index
          %get3A_217 = tpu.vector_load %arg12[%get3A_215, %get3A_216] {strides = array<i32>} : memref<1024x16xf32, #tpu.memory_space<vmem>>, vector<16xf32>,
          %add3A_218 = arith.constant 768 : i32
          %add3A_219 = arith.addi %add3A_218, %scan3A_130 : i32
          %get3A_220 = arith.index_cast %add3A_219 : i32 to index
          %get3A_221 = arith.constant 0 : index
          %get3A_222 = tpu.vector_load %arg13[%get3A_220, %get3A_221] {strides = array<i32>} : memref<1024x16xf32, #tpu.memory_space<vmem>>, vector<16xf32>,
          %add3A_223 = arith.addf %get3A_217, %get3A_222 : vector<16xf32>
          %swap3A_224 = arith.index_cast %scan3A_130 : i32 to index
          %swap3A_225 = arith.constant 96 : index
          %swap3A_226 = tpu.vector_load %arg15[%swap3A_224, %swap3A_225] {strides = array<i32>} : memref<128x128xf32, #tpu.memory_space<vmem>>, vector<16xf32>,
          tpu.vector_store %arg15[%swap3A_224, %swap3A_225], %add3A_223 {strides = array<i32>} : memref<128x128xf32, #tpu.memory_space<vmem>>, vector<16xf32>,
          %add3A_227 = arith.constant 896 : i32
          %add3A_228 = arith.addi %add3A_227, %scan3A_130 : i32
          %get3A_229 = arith.index_cast %add3A_228 : i32 to index
          %get3A_230 = arith.constant 0 : index
          %get3A_231 = tpu.vector_load %arg12[%get3A_229, %get3A_230] {strides = array<i32>} : memref<1024x16xf32, #tpu.memory_space<vmem>>, vector<16xf32>,
          %add3A_232 = arith.constant 896 : i32
          %add3A_233 = arith.addi %add3A_232, %scan3A_130 : i32
          %get3A_234 = arith.index_cast %add3A_233 : i32 to index
          %get3A_235 = arith.constant 0 : index
          %get3A_236 = tpu.vector_load %arg13[%get3A_234, %get3A_235] {strides = array<i32>} : memref<1024x16xf32, #tpu.memory_space<vmem>>, vector<16xf32>,
          %add3A_237 = arith.addf %get3A_231, %get3A_236 : vector<16xf32>
          %swap3A_238 = arith.index_cast %scan3A_130 : i32 to index
          %swap3A_239 = arith.constant 112 : index
          %swap3A_240 = tpu.vector_load %arg15[%swap3A_238, %swap3A_239] {strides = array<i32>} : memref<128x128xf32, #tpu.memory_space<vmem>>, vector<16xf32>,
          tpu.vector_store %arg15[%swap3A_238, %swap3A_239], %add3A_237 {strides = array<i32>} : memref<128x128xf32, #tpu.memory_space<vmem>>, vector<16xf32>,
        }
        %scan3A_118 = arith.constant 128 : i32
        %ge3A = arith.constant 2 : i32
        %ge3A_119 = arith.cmpi sge, %add3A_84, %ge3A : i32
        %convert_element_type3A_120 = arith.extui %ge3A_119 : i1 to i32
        %cond3A_121 = arith.constant 0 : i32
        %cond3A_122 = arith.cmpi ne, %convert_element_type3A_120, %cond3A_121 : i32
        scf.if %cond3A_122 {
          %dma_wait3A_130 = arith.constant 0 : i32
          %dma_wait3A_131 = arith.constant 0 : i32
          %dma_wait3A_132 = tpu.memref_slice %arg5[%dma_wait3A_130, %dma_wait3A_131] : memref<80000x128xf32, #tpu.memory_space<hbm>> -> memref<128x128xf32, #tpu.memory_space<hbm>>
          %dma_wait3A_133 = arith.constant 0 : i32
          %dma_wait3A_134 = arith.constant 0 : i32
          %dma_wait3A_135 = tpu.memref_slice %arg5[%dma_wait3A_133, %dma_wait3A_134] : memref<80000x128xf32, #tpu.memory_space<hbm>> -> memref<128x128xf32, #tpu.memory_space<hbm>>
          tpu.wait_dma2 semaphore(%arg21 : memref<!tpu.dma_semaphore, #tpu.memory_space<semaphore_mem>>) src(%arg15 : memref<128x128xf32, #tpu.memory_space<vmem>>) dst(%dma_wait3A_135 : memref<128x128xf32, #tpu.memory_space<hbm>>)
        } else {
        }
        %add3A_123 = arith.addi %add3A_6, %add3A_84 : i32
        %mul3A_124 = arith.constant 128 : i32
        %mul3A_125 = arith.muli %add3A_123, %mul3A_124 : i32
        %dma_start3A_126 = arith.constant 0 : i32
        %dma_start3A_127 = tpu.memref_slice %arg5[%mul3A_125, %dma_start3A_126] : memref<80000x128xf32, #tpu.memory_space<hbm>> -> memref<128x128xf32, #tpu.memory_space<hbm>>
        %dma_start3A_128 = arith.constant 0 : i32
        %dma_start3A_129 = tpu.memref_slice %arg5[%mul3A_125, %dma_start3A_128] : memref<80000x128xf32, #tpu.memory_space<hbm>> -> memref<128x128xf32, #tpu.memory_space<hbm>>
        tpu.enqueue_dma source(%arg15 : memref<128x128xf32, #tpu.memory_space<vmem>>) target(%dma_start3A_129 : memref<128x128xf32, #tpu.memory_space<hbm>>) target_semaphore(%arg21 : memref<!tpu.dma_semaphore, #tpu.memory_space<semaphore_mem>>)
      } else {
      }
    }
    %scan3A_61 = arith.constant 10 : i32
    %dma_wait3A_62 = arith.constant 0 : i32
    %dma_wait3A_63 = arith.constant 0 : i32
    %dma_wait3A_64 = tpu.memref_slice %arg5[%dma_wait3A_62, %dma_wait3A_63] : memref<80000x128xf32, #tpu.memory_space<hbm>> -> memref<128x128xf32, #tpu.memory_space<hbm>>
    %dma_wait3A_65 = arith.constant 0 : i32
    %dma_wait3A_66 = arith.constant 0 : i32
    %dma_wait3A_67 = tpu.memref_slice %arg5[%dma_wait3A_65, %dma_wait3A_66] : memref<80000x128xf32, #tpu.memory_space<hbm>> -> memref<128x128xf32, #tpu.memory_space<hbm>>
    tpu.wait_dma2 semaphore(%arg20 : memref<!tpu.dma_semaphore, #tpu.memory_space<semaphore_mem>>) src(%arg14 : memref<128x128xf32, #tpu.memory_space<vmem>>) dst(%dma_wait3A_67 : memref<128x128xf32, #tpu.memory_space<hbm>>)
    %dma_wait3A_68 = arith.constant 0 : i32
    %dma_wait3A_69 = arith.constant 0 : i32
    %dma_wait3A_70 = tpu.memref_slice %arg5[%dma_wait3A_68, %dma_wait3A_69] : memref<80000x128xf32, #tpu.memory_space<hbm>> -> memref<128x128xf32, #tpu.memory_space<hbm>>
    %dma_wait3A_71 = arith.constant 0 : i32
    %dma_wait3A_72 = arith.constant 0 : i32
    %dma_wait3A_73 = tpu.memref_slice %arg5[%dma_wait3A_71, %dma_wait3A_72] : memref<80000x128xf32, #tpu.memory_space<hbm>> -> memref<128x128xf32, #tpu.memory_space<hbm>>
    tpu.wait_dma2 semaphore(%arg21 : memref<!tpu.dma_semaphore, #tpu.memory_space<semaphore_mem>>) src(%arg15 : memref<128x128xf32, #tpu.memory_space<vmem>>) dst(%dma_wait3A_73 : memref<128x128xf32, #tpu.memory_space<hbm>>)
    return
  }
}

module attributes {stable_mosaic.version = 14 : i64} {
  func.func @_node_proj_body(%arg0: i32, %arg1: memref<2000x128xf32, #tpu.memory_space<vmem>>, %arg2: memref<2000x128xf32, #tpu.memory_space<vmem>>, %arg3: memref<128x16xf32, #tpu.memory_space<vmem>>, %arg4: memref<128x16xf32, #tpu.memory_space<vmem>>, %arg5: memref<128x16xf32, #tpu.memory_space<vmem>>, %arg6: memref<1x16xf32, #tpu.memory_space<vmem>>, %arg7: memref<2000x16xf32, #tpu.memory_space<vmem>>, %arg8: memref<2000x16xf32, #tpu.memory_space<vmem>>) attributes {dimension_semantics = [#tpu.dimension_semantics<arbitrary>], iteration_bounds = array<i64: 5>, scalar_prefetch = 0 : i64, scratch_operands = 0 : i64, tpu.core_type = #tpu.core_type<tc>, window_params = [{transform_indices = @transform_0, window_bounds = array<i64: 2000, 128>}, {transform_indices = @transform_1, window_bounds = array<i64: 2000, 128>}, {pipeline_mode = #tpu.pipeline_mode<synchronous>, transform_indices = @transform_2, window_bounds = array<i64: 128, 16>}, {pipeline_mode = #tpu.pipeline_mode<synchronous>, transform_indices = @transform_3, window_bounds = array<i64: 128, 16>}, {pipeline_mode = #tpu.pipeline_mode<synchronous>, transform_indices = @transform_4, window_bounds = array<i64: 128, 16>}, {pipeline_mode = #tpu.pipeline_mode<synchronous>, transform_indices = @transform_5, window_bounds = array<i64: 1, 16>}, {transform_indices = @transform_6, window_bounds = array<i64: 2000, 16>}, {transform_indices = @transform_7, window_bounds = array<i64: 2000, 16>}]} {
    %get3A = arith.constant 0 : index
    %get3A_0 = arith.constant 0 : index
    %get3A_1 = vector.load %arg1[%get3A, %get3A_0] : memref<2000x128xf32, #tpu.memory_space<vmem>>, vector<2000x128xf32>
    %get3A_2 = arith.constant 0 : index
    %get3A_3 = arith.constant 0 : index
    %get3A_4 = vector.load %arg3[%get3A_2, %get3A_3] : memref<128x16xf32, #tpu.memory_space<vmem>>, vector<128x16xf32>
    %dot_general3A = arith.constant dense<0.000000e+00> : vector<2000x16xf32>
    %dot_general3A_5 = tpu.matmul %get3A_1, %get3A_4, %dot_general3A {dimension_numbers = #tpu.dot_dimension_numbers<[1], [0], [0], [1], [0, 0, 1, 1], [], []>, transpose_lhs_hint = false} : vector<2000x128xf32>, vector<128x16xf32>, vector<2000x16xf32> -> vector<2000x16xf32>
    %get3A_6 = arith.constant 0 : index
    %get3A_7 = arith.constant 0 : index
    %get3A_8 = vector.load %arg2[%get3A_6, %get3A_7] : memref<2000x128xf32, #tpu.memory_space<vmem>>, vector<2000x128xf32>
    %get3A_9 = arith.constant 0 : index
    %get3A_10 = arith.constant 0 : index
    %get3A_11 = vector.load %arg4[%get3A_9, %get3A_10] : memref<128x16xf32, #tpu.memory_space<vmem>>, vector<128x16xf32>
    %dot_general3A_12 = arith.constant dense<0.000000e+00> : vector<2000x16xf32>
    %dot_general3A_13 = tpu.matmul %get3A_8, %get3A_11, %dot_general3A_12 {dimension_numbers = #tpu.dot_dimension_numbers<[1], [0], [0], [1], [0, 0, 1, 1], [], []>, transpose_lhs_hint = false} : vector<2000x128xf32>, vector<128x16xf32>, vector<2000x16xf32> -> vector<2000x16xf32>
    %add3A = arith.addf %dot_general3A_5, %dot_general3A_13 : vector<2000x16xf32>
    %swap3A = arith.constant 0 : index
    %swap3A_14 = arith.constant 0 : index
    %swap3A_15 = vector.load %arg7[%swap3A, %swap3A_14] : memref<2000x16xf32, #tpu.memory_space<vmem>>, vector<2000x16xf32>
    tpu.vector_store %arg7[%swap3A, %swap3A_14], %add3A {strides = array<i32>} : memref<2000x16xf32, #tpu.memory_space<vmem>>, vector<2000x16xf32>,
    %get3A_16 = arith.constant 0 : index
    %get3A_17 = arith.constant 0 : index
    %get3A_18 = vector.load %arg2[%get3A_16, %get3A_17] : memref<2000x128xf32, #tpu.memory_space<vmem>>, vector<2000x128xf32>
    %get3A_19 = arith.constant 0 : index
    %get3A_20 = arith.constant 0 : index
    %get3A_21 = vector.load %arg5[%get3A_19, %get3A_20] : memref<128x16xf32, #tpu.memory_space<vmem>>, vector<128x16xf32>
    %dot_general3A_22 = arith.constant dense<0.000000e+00> : vector<2000x16xf32>
    %dot_general3A_23 = tpu.matmul %get3A_18, %get3A_21, %dot_general3A_22 {dimension_numbers = #tpu.dot_dimension_numbers<[1], [0], [0], [1], [0, 0, 1, 1], [], []>, transpose_lhs_hint = false} : vector<2000x128xf32>, vector<128x16xf32>, vector<2000x16xf32> -> vector<2000x16xf32>
    %add3A_24 = arith.addf %dot_general3A_5, %dot_general3A_23 : vector<2000x16xf32>
    %get3A_25 = arith.constant 0 : index
    %get3A_26 = arith.constant 0 : index
    %get3A_27 = vector.load %arg6[%get3A_25, %get3A_26] : memref<1x16xf32, #tpu.memory_space<vmem>>, vector<1x16xf32>
    %add3A_28 = vector.broadcast %get3A_27 : vector<1x16xf32> to vector<2000x16xf32>
    %add3A_29 = arith.addf %add3A_24, %add3A_28 : vector<2000x16xf32>
    %swap3A_30 = arith.constant 0 : index
    %swap3A_31 = arith.constant 0 : index
    %swap3A_32 = vector.load %arg8[%swap3A_30, %swap3A_31] : memref<2000x16xf32, #tpu.memory_space<vmem>>, vector<2000x16xf32>
    tpu.vector_store %arg8[%swap3A_30, %swap3A_31], %add3A_29 {strides = array<i32>} : memref<2000x16xf32, #tpu.memory_space<vmem>>, vector<2000x16xf32>,
    return
  }
  func.func @transform_0(%arg0: i32) -> (i32, i32) {
    %c0_i32 = arith.constant 0 : i32
    %c0_i32_0 = arith.constant 0 : i32
    return %arg0, %c0_i32 : i32, i32
  }
  func.func @transform_1(%arg0: i32) -> (i32, i32) {
    %c0_i32 = arith.constant 0 : i32
    %c0_i32_0 = arith.constant 0 : i32
    return %arg0, %c0_i32 : i32, i32
  }
  func.func @transform_2(%arg0: i32) -> (i32, i32) {
    %c0_i32 = arith.constant 0 : i32
    %c0_i32_0 = arith.constant 0 : i32
    %c0_i32_1 = arith.constant 0 : i32
    return %c0_i32, %c0_i32_0 : i32, i32
  }
  func.func @transform_3(%arg0: i32) -> (i32, i32) {
    %c0_i32 = arith.constant 0 : i32
    %c0_i32_0 = arith.constant 0 : i32
    %c0_i32_1 = arith.constant 0 : i32
    return %c0_i32, %c0_i32_0 : i32, i32
  }
  func.func @transform_4(%arg0: i32) -> (i32, i32) {
    %c0_i32 = arith.constant 0 : i32
    %c0_i32_0 = arith.constant 0 : i32
    %c0_i32_1 = arith.constant 0 : i32
    return %c0_i32, %c0_i32_0 : i32, i32
  }
  func.func @transform_5(%arg0: i32) -> (i32, i32) {
    %c0_i32 = arith.constant 0 : i32
    %c0_i32_0 = arith.constant 0 : i32
    %c0_i32_1 = arith.constant 0 : i32
    return %c0_i32, %c0_i32_0 : i32, i32
  }
  func.func @transform_6(%arg0: i32) -> (i32, i32) {
    %c0_i32 = arith.constant 0 : i32
    %c0_i32_0 = arith.constant 0 : i32
    return %arg0, %c0_i32 : i32, i32
  }
  func.func @transform_7(%arg0: i32) -> (i32, i32) {
    %c0_i32 = arith.constant 0 : i32
    %c0_i32_0 = arith.constant 0 : i32
    return %arg0, %c0_i32 : i32, i32
  }
}

module attributes {stable_mosaic.version = 14 : i64} {
  func.func @_combine_body(%arg0: i32, %arg1: memref<16x25600xf32, #tpu.memory_space<vmem>>, %arg2: memref<3200x128xf32, #tpu.memory_space<vmem>>, %arg3: memref<16x16xf32, #tpu.memory_space<vmem>>, %arg4: memref<16x25600xf32, #tpu.memory_space<vmem>>) attributes {dimension_semantics = [#tpu.dimension_semantics<arbitrary>], iteration_bounds = array<i64: 25>, scalar_prefetch = 0 : i64, scratch_operands = 0 : i64, tpu.core_type = #tpu.core_type<tc>, window_params = [{transform_indices = @transform_0, window_bounds = array<i64: 16, 25600>}, {transform_indices = @transform_1, window_bounds = array<i64: 3200, 128>}, {pipeline_mode = #tpu.pipeline_mode<synchronous>, transform_indices = @transform_2, window_bounds = array<i64: 16, 16>}, {transform_indices = @transform_3, window_bounds = array<i64: 16, 25600>}]} {
    %get3A = arith.constant 0 : index
    %get3A_0 = arith.constant 0 : index
    %get3A_1 = vector.load %arg3[%get3A, %get3A_0] : memref<16x16xf32, #tpu.memory_space<vmem>>, vector<16x16xf32>
    %get3A_2 = arith.constant 0 : index
    %get3A_3 = arith.constant 0 : index
    %get3A_4 = vector.load %arg1[%get3A_2, %get3A_3] : memref<16x25600xf32, #tpu.memory_space<vmem>>, vector<16x25600xf32>
    %dot_general3A = arith.constant dense<0.000000e+00> : vector<16x25600xf32>
    %dot_general3A_5 = tpu.matmul %get3A_1, %get3A_4, %dot_general3A {dimension_numbers = #tpu.dot_dimension_numbers<[1], [0], [0], [1], [0, 0, 1, 1], [], []>, transpose_lhs_hint = false} : vector<16x16xf32>, vector<16x25600xf32>, vector<16x25600xf32> -> vector<16x25600xf32>
    %iota3A = tpu.iota {dimensions = array<i32: 0>} : vector<128x128xi32>
    %iota3A_6 = tpu.iota {dimensions = array<i32: 1>} : vector<128x128xi32>
    %add3A = arith.constant 0 : i32
    %add3A_7 = vector.broadcast %add3A : i32 to vector<128x128xi32>
    %add3A_8 = arith.addi %iota3A, %add3A_7 : vector<128x128xi32>
    %eq3A = arith.cmpi eq, %add3A_8, %iota3A_6 : vector<128x128xi32>
    %convert_element_type3A = arith.extui %eq3A : vector<128x128xi1> to vector<128x128xi32>
    %convert_element_type3A_9 = arith.sitofp %convert_element_type3A : vector<128x128xi32> to vector<128x128xf32>
    %get3A_10 = arith.constant 0 : index
    %get3A_11 = arith.constant 0 : index
    %get3A_12 = vector.load %arg2[%get3A_10, %get3A_11] : memref<3200x128xf32, #tpu.memory_space<vmem>>, vector<3200x128xf32>
    %dot_general3A_13 = arith.constant dense<0.000000e+00> : vector<128x3200xf32>
    %dot_general3A_14 = tpu.matmul %convert_element_type3A_9, %get3A_12, %dot_general3A_13 {dimension_numbers = #tpu.dot_dimension_numbers<[1], [1], [0], [0], [0, 0, 1, 0], [], []>, transpose_lhs_hint = false} : vector<128x128xf32>, vector<3200x128xf32>, vector<128x3200xf32> -> vector<128x3200xf32>
    %slice3A = vector.extract_strided_slice %dot_general3A_5 {offsets = [0, 0], sizes = [16, 128], strides = [1, 1]} : vector<16x25600xf32> to vector<16x128xf32>
    %slice3A_15 = vector.extract_strided_slice %dot_general3A_14 {offsets = [0, 0], sizes = [16, 128], strides = [1, 1]} : vector<128x3200xf32> to vector<16x128xf32>
    %add3A_16 = arith.addf %slice3A, %slice3A_15 : vector<16x128xf32>
    %swap3A = arith.constant 0 : index
    %swap3A_17 = arith.constant 0 : index
    %swap3A_18 = vector.load %arg4[%swap3A, %swap3A_17] : memref<16x25600xf32, #tpu.memory_space<vmem>>, vector<16x128xf32>
    tpu.vector_store %arg4[%swap3A, %swap3A_17], %add3A_16 {strides = array<i32>} : memref<16x25600xf32, #tpu.memory_space<vmem>>, vector<16x128xf32>,
    %slice3A_19 = vector.extract_strided_slice %dot_general3A_5 {offsets = [0, 128], sizes = [16, 128], strides = [1, 1]} : vector<16x25600xf32> to vector<16x128xf32>
    %slice3A_20 = vector.extract_strided_slice %dot_general3A_14 {offsets = [16, 0], sizes = [16, 128], strides = [1, 1]} : vector<128x3200xf32> to vector<16x128xf32>
    %add3A_21 = arith.addf %slice3A_19, %slice3A_20 : vector<16x128xf32>
    %swap3A_22 = arith.constant 0 : index
    %swap3A_23 = arith.constant 128 : index
    %swap3A_24 = vector.load %arg4[%swap3A_22, %swap3A_23] : memref<16x25600xf32, #tpu.memory_space<vmem>>, vector<16x128xf32>
    tpu.vector_store %arg4[%swap3A_22, %swap3A_23], %add3A_21 {strides = array<i32>} : memref<16x25600xf32, #tpu.memory_space<vmem>>, vector<16x128xf32>,
    %slice3A_25 = vector.extract_strided_slice %dot_general3A_5 {offsets = [0, 256], sizes = [16, 128], strides = [1, 1]} : vector<16x25600xf32> to vector<16x128xf32>
    %slice3A_26 = vector.extract_strided_slice %dot_general3A_14 {offsets = [32, 0], sizes = [16, 128], strides = [1, 1]} : vector<128x3200xf32> to vector<16x128xf32>
    %add3A_27 = arith.addf %slice3A_25, %slice3A_26 : vector<16x128xf32>
    %swap3A_28 = arith.constant 0 : index
    %swap3A_29 = arith.constant 256 : index
    %swap3A_30 = vector.load %arg4[%swap3A_28, %swap3A_29] : memref<16x25600xf32, #tpu.memory_space<vmem>>, vector<16x128xf32>
    tpu.vector_store %arg4[%swap3A_28, %swap3A_29], %add3A_27 {strides = array<i32>} : memref<16x25600xf32, #tpu.memory_space<vmem>>, vector<16x128xf32>,
    %slice3A_31 = vector.extract_strided_slice %dot_general3A_5 {offsets = [0, 384], sizes = [16, 128], strides = [1, 1]} : vector<16x25600xf32> to vector<16x128xf32>
    %slice3A_32 = vector.extract_strided_slice %dot_general3A_14 {offsets = [48, 0], sizes = [16, 128], strides = [1, 1]} : vector<128x3200xf32> to vector<16x128xf32>
    %add3A_33 = arith.addf %slice3A_31, %slice3A_32 : vector<16x128xf32>
    %swap3A_34 = arith.constant 0 : index
    %swap3A_35 = arith.constant 384 : index
    %swap3A_36 = vector.load %arg4[%swap3A_34, %swap3A_35] : memref<16x25600xf32, #tpu.memory_space<vmem>>, vector<16x128xf32>
    tpu.vector_store %arg4[%swap3A_34, %swap3A_35], %add3A_33 {strides = array<i32>} : memref<16x25600xf32, #tpu.memory_space<vmem>>, vector<16x128xf32>,
    %slice3A_37 = vector.extract_strided_slice %dot_general3A_5 {offsets = [0, 512], sizes = [16, 128], strides = [1, 1]} : vector<16x25600xf32> to vector<16x128xf32>
    %slice3A_38 = vector.extract_strided_slice %dot_general3A_14 {offsets = [64, 0], sizes = [16, 128], strides = [1, 1]} : vector<128x3200xf32> to vector<16x128xf32>
    %add3A_39 = arith.addf %slice3A_37, %slice3A_38 : vector<16x128xf32>
    %swap3A_40 = arith.constant 0 : index
    %swap3A_41 = arith.constant 512 : index
    %swap3A_42 = vector.load %arg4[%swap3A_40, %swap3A_41] : memref<16x25600xf32, #tpu.memory_space<vmem>>, vector<16x128xf32>
    tpu.vector_store %arg4[%swap3A_40, %swap3A_41], %add3A_39 {strides = array<i32>} : memref<16x25600xf32, #tpu.memory_space<vmem>>, vector<16x128xf32>,
    %slice3A_43 = vector.extract_strided_slice %dot_general3A_5 {offsets = [0, 640], sizes = [16, 128], strides = [1, 1]} : vector<16x25600xf32> to vector<16x128xf32>
    %slice3A_44 = vector.extract_strided_slice %dot_general3A_14 {offsets = [80, 0], sizes = [16, 128], strides = [1, 1]} : vector<128x3200xf32> to vector<16x128xf32>
    %add3A_45 = arith.addf %slice3A_43, %slice3A_44 : vector<16x128xf32>
    %swap3A_46 = arith.constant 0 : index
    %swap3A_47 = arith.constant 640 : index
    %swap3A_48 = vector.load %arg4[%swap3A_46, %swap3A_47] : memref<16x25600xf32, #tpu.memory_space<vmem>>, vector<16x128xf32>
    tpu.vector_store %arg4[%swap3A_46, %swap3A_47], %add3A_45 {strides = array<i32>} : memref<16x25600xf32, #tpu.memory_space<vmem>>, vector<16x128xf32>,
    %slice3A_49 = vector.extract_strided_slice %dot_general3A_5 {offsets = [0, 768], sizes = [16, 128], strides = [1, 1]} : vector<16x25600xf32> to vector<16x128xf32>
    %slice3A_50 = vector.extract_strided_slice %dot_general3A_14 {offsets = [96, 0], sizes = [16, 128], strides = [1, 1]} : vector<128x3200xf32> to vector<16x128xf32>
    %add3A_51 = arith.addf %slice3A_49, %slice3A_50 : vector<16x128xf32>
    %swap3A_52 = arith.constant 0 : index
    %swap3A_53 = arith.constant 768 : index
    %swap3A_54 = vector.load %arg4[%swap3A_52, %swap3A_53] : memref<16x25600xf32, #tpu.memory_space<vmem>>, vector<16x128xf32>
    tpu.vector_store %arg4[%swap3A_52, %swap3A_53], %add3A_51 {strides = array<i32>} : memref<16x25600xf32, #tpu.memory_space<vmem>>, vector<16x128xf32>,
    %slice3A_55 = vector.extract_strided_slice %dot_general3A_5 {offsets = [0, 896], sizes = [16, 128], strides = [1, 1]} : vector<16x25600xf32> to vector<16x128xf32>
    %slice3A_56 = vector.extract_strided_slice %dot_general3A_14 {offsets = [112, 0], sizes = [16, 128], strides = [1, 1]} : vector<128x3200xf32> to vector<16x128xf32>
    %add3A_57 = arith.addf %slice3A_55, %slice3A_56 : vector<16x128xf32>
    %swap3A_58 = arith.constant 0 : index
    %swap3A_59 = arith.constant 896 : index
    %swap3A_60 = vector.load %arg4[%swap3A_58, %swap3A_59] : memref<16x25600xf32, #tpu.memory_space<vmem>>, vector<16x128xf32>
    tpu.vector_store %arg4[%swap3A_58, %swap3A_59], %add3A_57 {strides = array<i32>} : memref<16x25600xf32, #tpu.memory_space<vmem>>, vector<16x128xf32>,
    %slice3A_61 = vector.extract_strided_slice %dot_general3A_5 {offsets = [0, 1024], sizes = [16, 128], strides = [1, 1]} : vector<16x25600xf32> to vector<16x128xf32>
    %slice3A_62 = vector.extract_strided_slice %dot_general3A_14 {offsets = [0, 128], sizes = [16, 128], strides = [1, 1]} : vector<128x3200xf32> to vector<16x128xf32>
    %add3A_63 = arith.addf %slice3A_61, %slice3A_62 : vector<16x128xf32>
    %swap3A_64 = arith.constant 0 : index
    %swap3A_65 = arith.constant 1024 : index
    %swap3A_66 = vector.load %arg4[%swap3A_64, %swap3A_65] : memref<16x25600xf32, #tpu.memory_space<vmem>>, vector<16x128xf32>
    tpu.vector_store %arg4[%swap3A_64, %swap3A_65], %add3A_63 {strides = array<i32>} : memref<16x25600xf32, #tpu.memory_space<vmem>>, vector<16x128xf32>,
    %slice3A_67 = vector.extract_strided_slice %dot_general3A_5 {offsets = [0, 1152], sizes = [16, 128], strides = [1, 1]} : vector<16x25600xf32> to vector<16x128xf32>
    %slice3A_68 = vector.extract_strided_slice %dot_general3A_14 {offsets = [16, 128], sizes = [16, 128], strides = [1, 1]} : vector<128x3200xf32> to vector<16x128xf32>
    %add3A_69 = arith.addf %slice3A_67, %slice3A_68 : vector<16x128xf32>
    %swap3A_70 = arith.constant 0 : index
    %swap3A_71 = arith.constant 1152 : index
    %swap3A_72 = vector.load %arg4[%swap3A_70, %swap3A_71] : memref<16x25600xf32, #tpu.memory_space<vmem>>, vector<16x128xf32>
    tpu.vector_store %arg4[%swap3A_70, %swap3A_71], %add3A_69 {strides = array<i32>} : memref<16x25600xf32, #tpu.memory_space<vmem>>, vector<16x128xf32>,
    %slice3A_73 = vector.extract_strided_slice %dot_general3A_5 {offsets = [0, 1280], sizes = [16, 128], strides = [1, 1]} : vector<16x25600xf32> to vector<16x128xf32>
    %slice3A_74 = vector.extract_strided_slice %dot_general3A_14 {offsets = [32, 128], sizes = [16, 128], strides = [1, 1]} : vector<128x3200xf32> to vector<16x128xf32>
    %add3A_75 = arith.addf %slice3A_73, %slice3A_74 : vector<16x128xf32>
    %swap3A_76 = arith.constant 0 : index
    %swap3A_77 = arith.constant 1280 : index
    %swap3A_78 = vector.load %arg4[%swap3A_76, %swap3A_77] : memref<16x25600xf32, #tpu.memory_space<vmem>>, vector<16x128xf32>
    tpu.vector_store %arg4[%swap3A_76, %swap3A_77], %add3A_75 {strides = array<i32>} : memref<16x25600xf32, #tpu.memory_space<vmem>>, vector<16x128xf32>,
    %slice3A_79 = vector.extract_strided_slice %dot_general3A_5 {offsets = [0, 1408], sizes = [16, 128], strides = [1, 1]} : vector<16x25600xf32> to vector<16x128xf32>
    %slice3A_80 = vector.extract_strided_slice %dot_general3A_14 {offsets = [48, 128], sizes = [16, 128], strides = [1, 1]} : vector<128x3200xf32> to vector<16x128xf32>
    %add3A_81 = arith.addf %slice3A_79, %slice3A_80 : vector<16x128xf32>
    %swap3A_82 = arith.constant 0 : index
    %swap3A_83 = arith.constant 1408 : index
    %swap3A_84 = vector.load %arg4[%swap3A_82, %swap3A_83] : memref<16x25600xf32, #tpu.memory_space<vmem>>, vector<16x128xf32>
    tpu.vector_store %arg4[%swap3A_82, %swap3A_83], %add3A_81 {strides = array<i32>} : memref<16x25600xf32, #tpu.memory_space<vmem>>, vector<16x128xf32>,
    %slice3A_85 = vector.extract_strided_slice %dot_general3A_5 {offsets = [0, 1536], sizes = [16, 128], strides = [1, 1]} : vector<16x25600xf32> to vector<16x128xf32>
    %slice3A_86 = vector.extract_strided_slice %dot_general3A_14 {offsets = [64, 128], sizes = [16, 128], strides = [1, 1]} : vector<128x3200xf32> to vector<16x128xf32>
    %add3A_87 = arith.addf %slice3A_85, %slice3A_86 : vector<16x128xf32>
    %swap3A_88 = arith.constant 0 : index
    %swap3A_89 = arith.constant 1536 : index
    %swap3A_90 = vector.load %arg4[%swap3A_88, %swap3A_89] : memref<16x25600xf32, #tpu.memory_space<vmem>>, vector<16x128xf32>
    tpu.vector_store %arg4[%swap3A_88, %swap3A_89], %add3A_87 {strides = array<i32>} : memref<16x25600xf32, #tpu.memory_space<vmem>>, vector<16x128xf32>,
    %slice3A_91 = vector.extract_strided_slice %dot_general3A_5 {offsets = [0, 1664], sizes = [16, 128], strides = [1, 1]} : vector<16x25600xf32> to vector<16x128xf32>
    %slice3A_92 = vector.extract_strided_slice %dot_general3A_14 {offsets = [80, 128], sizes = [16, 128], strides = [1, 1]} : vector<128x3200xf32> to vector<16x128xf32>
    %add3A_93 = arith.addf %slice3A_91, %slice3A_92 : vector<16x128xf32>
    %swap3A_94 = arith.constant 0 : index
    %swap3A_95 = arith.constant 1664 : index
    %swap3A_96 = vector.load %arg4[%swap3A_94, %swap3A_95] : memref<16x25600xf32, #tpu.memory_space<vmem>>, vector<16x128xf32>
    tpu.vector_store %arg4[%swap3A_94, %swap3A_95], %add3A_93 {strides = array<i32>} : memref<16x25600xf32, #tpu.memory_space<vmem>>, vector<16x128xf32>,
    %slice3A_97 = vector.extract_strided_slice %dot_general3A_5 {offsets = [0, 1792], sizes = [16, 128], strides = [1, 1]} : vector<16x25600xf32> to vector<16x128xf32>
    %slice3A_98 = vector.extract_strided_slice %dot_general3A_14 {offsets = [96, 128], sizes = [16, 128], strides = [1, 1]} : vector<128x3200xf32> to vector<16x128xf32>
    %add3A_99 = arith.addf %slice3A_97, %slice3A_98 : vector<16x128xf32>
    %swap3A_100 = arith.constant 0 : index
    %swap3A_101 = arith.constant 1792 : index
    %swap3A_102 = vector.load %arg4[%swap3A_100, %swap3A_101] : memref<16x25600xf32, #tpu.memory_space<vmem>>, vector<16x128xf32>
    tpu.vector_store %arg4[%swap3A_100, %swap3A_101], %add3A_99 {strides = array<i32>} : memref<16x25600xf32, #tpu.memory_space<vmem>>, vector<16x128xf32>,
    %slice3A_103 = vector.extract_strided_slice %dot_general3A_5 {offsets = [0, 1920], sizes = [16, 128], strides = [1, 1]} : vector<16x25600xf32> to vector<16x128xf32>
    %slice3A_104 = vector.extract_strided_slice %dot_general3A_14 {offsets = [112, 128], sizes = [16, 128], strides = [1, 1]} : vector<128x3200xf32> to vector<16x128xf32>
    %add3A_105 = arith.addf %slice3A_103, %slice3A_104 : vector<16x128xf32>
    %swap3A_106 = arith.constant 0 : index
    %swap3A_107 = arith.constant 1920 : index
    %swap3A_108 = vector.load %arg4[%swap3A_106, %swap3A_107] : memref<16x25600xf32, #tpu.memory_space<vmem>>, vector<16x128xf32>
    tpu.vector_store %arg4[%swap3A_106, %swap3A_107], %add3A_105 {strides = array<i32>} : memref<16x25600xf32, #tpu.memory_space<vmem>>, vector<16x128xf32>,
    %slice3A_109 = vector.extract_strided_slice %dot_general3A_5 {offsets = [0, 2048], sizes = [16, 128], strides = [1, 1]} : vector<16x25600xf32> to vector<16x128xf32>
    %slice3A_110 = vector.extract_strided_slice %dot_general3A_14 {offsets = [0, 256], sizes = [16, 128], strides = [1, 1]} : vector<128x3200xf32> to vector<16x128xf32>
    %add3A_111 = arith.addf %slice3A_109, %slice3A_110 : vector<16x128xf32>
    %swap3A_112 = arith.constant 0 : index
    %swap3A_113 = arith.constant 2048 : index
    %swap3A_114 = vector.load %arg4[%swap3A_112, %swap3A_113] : memref<16x25600xf32, #tpu.memory_space<vmem>>, vector<16x128xf32>
    tpu.vector_store %arg4[%swap3A_112, %swap3A_113], %add3A_111 {strides = array<i32>} : memref<16x25600xf32, #tpu.memory_space<vmem>>, vector<16x128xf32>,
    %slice3A_115 = vector.extract_strided_slice %dot_general3A_5 {offsets = [0, 2176], sizes = [16, 128], strides = [1, 1]} : vector<16x25600xf32> to vector<16x128xf32>
    %slice3A_116 = vector.extract_strided_slice %dot_general3A_14 {offsets = [16, 256], sizes = [16, 128], strides = [1, 1]} : vector<128x3200xf32> to vector<16x128xf32>
    %add3A_117 = arith.addf %slice3A_115, %slice3A_116 : vector<16x128xf32>
    %swap3A_118 = arith.constant 0 : index
    %swap3A_119 = arith.constant 2176 : index
    %swap3A_120 = vector.load %arg4[%swap3A_118, %swap3A_119] : memref<16x25600xf32, #tpu.memory_space<vmem>>, vector<16x128xf32>
    tpu.vector_store %arg4[%swap3A_118, %swap3A_119], %add3A_117 {strides = array<i32>} : memref<16x25600xf32, #tpu.memory_space<vmem>>, vector<16x128xf32>,
    %slice3A_121 = vector.extract_strided_slice %dot_general3A_5 {offsets = [0, 2304], sizes = [16, 128], strides = [1, 1]} : vector<16x25600xf32> to vector<16x128xf32>
    %slice3A_122 = vector.extract_strided_slice %dot_general3A_14 {offsets = [32, 256], sizes = [16, 128], strides = [1, 1]} : vector<128x3200xf32> to vector<16x128xf32>
    %add3A_123 = arith.addf %slice3A_121, %slice3A_122 : vector<16x128xf32>
    %swap3A_124 = arith.constant 0 : index
    %swap3A_125 = arith.constant 2304 : index
    %swap3A_126 = vector.load %arg4[%swap3A_124, %swap3A_125] : memref<16x25600xf32, #tpu.memory_space<vmem>>, vector<16x128xf32>
    tpu.vector_store %arg4[%swap3A_124, %swap3A_125], %add3A_123 {strides = array<i32>} : memref<16x25600xf32, #tpu.memory_space<vmem>>, vector<16x128xf32>,
    %slice3A_127 = vector.extract_strided_slice %dot_general3A_5 {offsets = [0, 2432], sizes = [16, 128], strides = [1, 1]} : vector<16x25600xf32> to vector<16x128xf32>
    %slice3A_128 = vector.extract_strided_slice %dot_general3A_14 {offsets = [48, 256], sizes = [16, 128], strides = [1, 1]} : vector<128x3200xf32> to vector<16x128xf32>
    %add3A_129 = arith.addf %slice3A_127, %slice3A_128 : vector<16x128xf32>
    %swap3A_130 = arith.constant 0 : index
    %swap3A_131 = arith.constant 2432 : index
    %swap3A_132 = vector.load %arg4[%swap3A_130, %swap3A_131] : memref<16x25600xf32, #tpu.memory_space<vmem>>, vector<16x128xf32>
    tpu.vector_store %arg4[%swap3A_130, %swap3A_131], %add3A_129 {strides = array<i32>} : memref<16x25600xf32, #tpu.memory_space<vmem>>, vector<16x128xf32>,
    %slice3A_133 = vector.extract_strided_slice %dot_general3A_5 {offsets = [0, 2560], sizes = [16, 128], strides = [1, 1]} : vector<16x25600xf32> to vector<16x128xf32>
    %slice3A_134 = vector.extract_strided_slice %dot_general3A_14 {offsets = [64, 256], sizes = [16, 128], strides = [1, 1]} : vector<128x3200xf32> to vector<16x128xf32>
    %add3A_135 = arith.addf %slice3A_133, %slice3A_134 : vector<16x128xf32>
    %swap3A_136 = arith.constant 0 : index
    %swap3A_137 = arith.constant 2560 : index
    %swap3A_138 = vector.load %arg4[%swap3A_136, %swap3A_137] : memref<16x25600xf32, #tpu.memory_space<vmem>>, vector<16x128xf32>
    tpu.vector_store %arg4[%swap3A_136, %swap3A_137], %add3A_135 {strides = array<i32>} : memref<16x25600xf32, #tpu.memory_space<vmem>>, vector<16x128xf32>,
    %slice3A_139 = vector.extract_strided_slice %dot_general3A_5 {offsets = [0, 2688], sizes = [16, 128], strides = [1, 1]} : vector<16x25600xf32> to vector<16x128xf32>
    %slice3A_140 = vector.extract_strided_slice %dot_general3A_14 {offsets = [80, 256], sizes = [16, 128], strides = [1, 1]} : vector<128x3200xf32> to vector<16x128xf32>
    %add3A_141 = arith.addf %slice3A_139, %slice3A_140 : vector<16x128xf32>
    %swap3A_142 = arith.constant 0 : index
    %swap3A_143 = arith.constant 2688 : index
    %swap3A_144 = vector.load %arg4[%swap3A_142, %swap3A_143] : memref<16x25600xf32, #tpu.memory_space<vmem>>, vector<16x128xf32>
    tpu.vector_store %arg4[%swap3A_142, %swap3A_143], %add3A_141 {strides = array<i32>} : memref<16x25600xf32, #tpu.memory_space<vmem>>, vector<16x128xf32>,
    %slice3A_145 = vector.extract_strided_slice %dot_general3A_5 {offsets = [0, 2816], sizes = [16, 128], strides = [1, 1]} : vector<16x25600xf32> to vector<16x128xf32>
    %slice3A_146 = vector.extract_strided_slice %dot_general3A_14 {offsets = [96, 256], sizes = [16, 128], strides = [1, 1]} : vector<128x3200xf32> to vector<16x128xf32>
    %add3A_147 = arith.addf %slice3A_145, %slice3A_146 : vector<16x128xf32>
    %swap3A_148 = arith.constant 0 : index
    %swap3A_149 = arith.constant 2816 : index
    %swap3A_150 = vector.load %arg4[%swap3A_148, %swap3A_149] : memref<16x25600xf32, #tpu.memory_space<vmem>>, vector<16x128xf32>
    tpu.vector_store %arg4[%swap3A_148, %swap3A_149], %add3A_147 {strides = array<i32>} : memref<16x25600xf32, #tpu.memory_space<vmem>>, vector<16x128xf32>,
    %slice3A_151 = vector.extract_strided_slice %dot_general3A_5 {offsets = [0, 2944], sizes = [16, 128], strides = [1, 1]} : vector<16x25600xf32> to vector<16x128xf32>
    %slice3A_152 = vector.extract_strided_slice %dot_general3A_14 {offsets = [112, 256], sizes = [16, 128], strides = [1, 1]} : vector<128x3200xf32> to vector<16x128xf32>
    %add3A_153 = arith.addf %slice3A_151, %slice3A_152 : vector<16x128xf32>
    %swap3A_154 = arith.constant 0 : index
    %swap3A_155 = arith.constant 2944 : index
    %swap3A_156 = vector.load %arg4[%swap3A_154, %swap3A_155] : memref<16x25600xf32, #tpu.memory_space<vmem>>, vector<16x128xf32>
    tpu.vector_store %arg4[%swap3A_154, %swap3A_155], %add3A_153 {strides = array<i32>} : memref<16x25600xf32, #tpu.memory_space<vmem>>, vector<16x128xf32>,
    %slice3A_157 = vector.extract_strided_slice %dot_general3A_5 {offsets = [0, 3072], sizes = [16, 128], strides = [1, 1]} : vector<16x25600xf32> to vector<16x128xf32>
    %slice3A_158 = vector.extract_strided_slice %dot_general3A_14 {offsets = [0, 384], sizes = [16, 128], strides = [1, 1]} : vector<128x3200xf32> to vector<16x128xf32>
    %add3A_159 = arith.addf %slice3A_157, %slice3A_158 : vector<16x128xf32>
    %swap3A_160 = arith.constant 0 : index
    %swap3A_161 = arith.constant 3072 : index
    %swap3A_162 = vector.load %arg4[%swap3A_160, %swap3A_161] : memref<16x25600xf32, #tpu.memory_space<vmem>>, vector<16x128xf32>
    tpu.vector_store %arg4[%swap3A_160, %swap3A_161], %add3A_159 {strides = array<i32>} : memref<16x25600xf32, #tpu.memory_space<vmem>>, vector<16x128xf32>,
    %slice3A_163 = vector.extract_strided_slice %dot_general3A_5 {offsets = [0, 3200], sizes = [16, 128], strides = [1, 1]} : vector<16x25600xf32> to vector<16x128xf32>
    %slice3A_164 = vector.extract_strided_slice %dot_general3A_14 {offsets = [16, 384], sizes = [16, 128], strides = [1, 1]} : vector<128x3200xf32> to vector<16x128xf32>
    %add3A_165 = arith.addf %slice3A_163, %slice3A_164 : vector<16x128xf32>
    %swap3A_166 = arith.constant 0 : index
    %swap3A_167 = arith.constant 3200 : index
    %swap3A_168 = vector.load %arg4[%swap3A_166, %swap3A_167] : memref<16x25600xf32, #tpu.memory_space<vmem>>, vector<16x128xf32>
    tpu.vector_store %arg4[%swap3A_166, %swap3A_167], %add3A_165 {strides = array<i32>} : memref<16x25600xf32, #tpu.memory_space<vmem>>, vector<16x128xf32>,
    %slice3A_169 = vector.extract_strided_slice %dot_general3A_5 {offsets = [0, 3328], sizes = [16, 128], strides = [1, 1]} : vector<16x25600xf32> to vector<16x128xf32>
    %slice3A_170 = vector.extract_strided_slice %dot_general3A_14 {offsets = [32, 384], sizes = [16, 128], strides = [1, 1]} : vector<128x3200xf32> to vector<16x128xf32>
    %add3A_171 = arith.addf %slice3A_169, %slice3A_170 : vector<16x128xf32>
    %swap3A_172 = arith.constant 0 : index
    %swap3A_173 = arith.constant 3328 : index
    %swap3A_174 = vector.load %arg4[%swap3A_172, %swap3A_173] : memref<16x25600xf32, #tpu.memory_space<vmem>>, vector<16x128xf32>
    tpu.vector_store %arg4[%swap3A_172, %swap3A_173], %add3A_171 {strides = array<i32>} : memref<16x25600xf32, #tpu.memory_space<vmem>>, vector<16x128xf32>,
    %slice3A_175 = vector.extract_strided_slice %dot_general3A_5 {offsets = [0, 3456], sizes = [16, 128], strides = [1, 1]} : vector<16x25600xf32> to vector<16x128xf32>
    %slice3A_176 = vector.extract_strided_slice %dot_general3A_14 {offsets = [48, 384], sizes = [16, 128], strides = [1, 1]} : vector<128x3200xf32> to vector<16x128xf32>
    %add3A_177 = arith.addf %slice3A_175, %slice3A_176 : vector<16x128xf32>
    %swap3A_178 = arith.constant 0 : index
    %swap3A_179 = arith.constant 3456 : index
    %swap3A_180 = vector.load %arg4[%swap3A_178, %swap3A_179] : memref<16x25600xf32, #tpu.memory_space<vmem>>, vector<16x128xf32>
    tpu.vector_store %arg4[%swap3A_178, %swap3A_179], %add3A_177 {strides = array<i32>} : memref<16x25600xf32, #tpu.memory_space<vmem>>, vector<16x128xf32>,
    %slice3A_181 = vector.extract_strided_slice %dot_general3A_5 {offsets = [0, 3584], sizes = [16, 128], strides = [1, 1]} : vector<16x25600xf32> to vector<16x128xf32>
    %slice3A_182 = vector.extract_strided_slice %dot_general3A_14 {offsets = [64, 384], sizes = [16, 128], strides = [1, 1]} : vector<128x3200xf32> to vector<16x128xf32>
    %add3A_183 = arith.addf %slice3A_181, %slice3A_182 : vector<16x128xf32>
    %swap3A_184 = arith.constant 0 : index
    %swap3A_185 = arith.constant 3584 : index
    %swap3A_186 = vector.load %arg4[%swap3A_184, %swap3A_185] : memref<16x25600xf32, #tpu.memory_space<vmem>>, vector<16x128xf32>
    tpu.vector_store %arg4[%swap3A_184, %swap3A_185], %add3A_183 {strides = array<i32>} : memref<16x25600xf32, #tpu.memory_space<vmem>>, vector<16x128xf32>,
    %slice3A_187 = vector.extract_strided_slice %dot_general3A_5 {offsets = [0, 3712], sizes = [16, 128], strides = [1, 1]} : vector<16x25600xf32> to vector<16x128xf32>
    %slice3A_188 = vector.extract_strided_slice %dot_general3A_14 {offsets = [80, 384], sizes = [16, 128], strides = [1, 1]} : vector<128x3200xf32> to vector<16x128xf32>
    %add3A_189 = arith.addf %slice3A_187, %slice3A_188 : vector<16x128xf32>
    %swap3A_190 = arith.constant 0 : index
    %swap3A_191 = arith.constant 3712 : index
    %swap3A_192 = vector.load %arg4[%swap3A_190, %swap3A_191] : memref<16x25600xf32, #tpu.memory_space<vmem>>, vector<16x128xf32>
    tpu.vector_store %arg4[%swap3A_190, %swap3A_191], %add3A_189 {strides = array<i32>} : memref<16x25600xf32, #tpu.memory_space<vmem>>, vector<16x128xf32>,
    %slice3A_193 = vector.extract_strided_slice %dot_general3A_5 {offsets = [0, 3840], sizes = [16, 128], strides = [1, 1]} : vector<16x25600xf32> to vector<16x128xf32>
    %slice3A_194 = vector.extract_strided_slice %dot_general3A_14 {offsets = [96, 384], sizes = [16, 128], strides = [1, 1]} : vector<128x3200xf32> to vector<16x128xf32>
    %add3A_195 = arith.addf %slice3A_193, %slice3A_194 : vector<16x128xf32>
    %swap3A_196 = arith.constant 0 : index
    %swap3A_197 = arith.constant 3840 : index
    %swap3A_198 = vector.load %arg4[%swap3A_196, %swap3A_197] : memref<16x25600xf32, #tpu.memory_space<vmem>>, vector<16x128xf32>
    tpu.vector_store %arg4[%swap3A_196, %swap3A_197], %add3A_195 {strides = array<i32>} : memref<16x25600xf32, #tpu.memory_space<vmem>>, vector<16x128xf32>,
    %slice3A_199 = vector.extract_strided_slice %dot_general3A_5 {offsets = [0, 3968], sizes = [16, 128], strides = [1, 1]} : vector<16x25600xf32> to vector<16x128xf32>
    %slice3A_200 = vector.extract_strided_slice %dot_general3A_14 {offsets = [112, 384], sizes = [16, 128], strides = [1, 1]} : vector<128x3200xf32> to vector<16x128xf32>
    %add3A_201 = arith.addf %slice3A_199, %slice3A_200 : vector<16x128xf32>
    %swap3A_202 = arith.constant 0 : index
    %swap3A_203 = arith.constant 3968 : index
    %swap3A_204 = vector.load %arg4[%swap3A_202, %swap3A_203] : memref<16x25600xf32, #tpu.memory_space<vmem>>, vector<16x128xf32>
    tpu.vector_store %arg4[%swap3A_202, %swap3A_203], %add3A_201 {strides = array<i32>} : memref<16x25600xf32, #tpu.memory_space<vmem>>, vector<16x128xf32>,
    %slice3A_205 = vector.extract_strided_slice %dot_general3A_5 {offsets = [0, 4096], sizes = [16, 128], strides = [1, 1]} : vector<16x25600xf32> to vector<16x128xf32>
    %slice3A_206 = vector.extract_strided_slice %dot_general3A_14 {offsets = [0, 512], sizes = [16, 128], strides = [1, 1]} : vector<128x3200xf32> to vector<16x128xf32>
    %add3A_207 = arith.addf %slice3A_205, %slice3A_206 : vector<16x128xf32>
    %swap3A_208 = arith.constant 0 : index
    %swap3A_209 = arith.constant 4096 : index
    %swap3A_210 = vector.load %arg4[%swap3A_208, %swap3A_209] : memref<16x25600xf32, #tpu.memory_space<vmem>>, vector<16x128xf32>
    tpu.vector_store %arg4[%swap3A_208, %swap3A_209], %add3A_207 {strides = array<i32>} : memref<16x25600xf32, #tpu.memory_space<vmem>>, vector<16x128xf32>,
    %slice3A_211 = vector.extract_strided_slice %dot_general3A_5 {offsets = [0, 4224], sizes = [16, 128], strides = [1, 1]} : vector<16x25600xf32> to vector<16x128xf32>
    %slice3A_212 = vector.extract_strided_slice %dot_general3A_14 {offsets = [16, 512], sizes = [16, 128], strides = [1, 1]} : vector<128x3200xf32> to vector<16x128xf32>
    %add3A_213 = arith.addf %slice3A_211, %slice3A_212 : vector<16x128xf32>
    %swap3A_214 = arith.constant 0 : index
    %swap3A_215 = arith.constant 4224 : index
    %swap3A_216 = vector.load %arg4[%swap3A_214, %swap3A_215] : memref<16x25600xf32, #tpu.memory_space<vmem>>, vector<16x128xf32>
    tpu.vector_store %arg4[%swap3A_214, %swap3A_215], %add3A_213 {strides = array<i32>} : memref<16x25600xf32, #tpu.memory_space<vmem>>, vector<16x128xf32>,
    %slice3A_217 = vector.extract_strided_slice %dot_general3A_5 {offsets = [0, 4352], sizes = [16, 128], strides = [1, 1]} : vector<16x25600xf32> to vector<16x128xf32>
    %slice3A_218 = vector.extract_strided_slice %dot_general3A_14 {offsets = [32, 512], sizes = [16, 128], strides = [1, 1]} : vector<128x3200xf32> to vector<16x128xf32>
    %add3A_219 = arith.addf %slice3A_217, %slice3A_218 : vector<16x128xf32>
    %swap3A_220 = arith.constant 0 : index
    %swap3A_221 = arith.constant 4352 : index
    %swap3A_222 = vector.load %arg4[%swap3A_220, %swap3A_221] : memref<16x25600xf32, #tpu.memory_space<vmem>>, vector<16x128xf32>
    tpu.vector_store %arg4[%swap3A_220, %swap3A_221], %add3A_219 {strides = array<i32>} : memref<16x25600xf32, #tpu.memory_space<vmem>>, vector<16x128xf32>,
    %slice3A_223 = vector.extract_strided_slice %dot_general3A_5 {offsets = [0, 4480], sizes = [16, 128], strides = [1, 1]} : vector<16x25600xf32> to vector<16x128xf32>
    %slice3A_224 = vector.extract_strided_slice %dot_general3A_14 {offsets = [48, 512], sizes = [16, 128], strides = [1, 1]} : vector<128x3200xf32> to vector<16x128xf32>
    %add3A_225 = arith.addf %slice3A_223, %slice3A_224 : vector<16x128xf32>
    %swap3A_226 = arith.constant 0 : index
    %swap3A_227 = arith.constant 4480 : index
    %swap3A_228 = vector.load %arg4[%swap3A_226, %swap3A_227] : memref<16x25600xf32, #tpu.memory_space<vmem>>, vector<16x128xf32>
    tpu.vector_store %arg4[%swap3A_226, %swap3A_227], %add3A_225 {strides = array<i32>} : memref<16x25600xf32, #tpu.memory_space<vmem>>, vector<16x128xf32>,
    %slice3A_229 = vector.extract_strided_slice %dot_general3A_5 {offsets = [0, 4608], sizes = [16, 128], strides = [1, 1]} : vector<16x25600xf32> to vector<16x128xf32>
    %slice3A_230 = vector.extract_strided_slice %dot_general3A_14 {offsets = [64, 512], sizes = [16, 128], strides = [1, 1]} : vector<128x3200xf32> to vector<16x128xf32>
    %add3A_231 = arith.addf %slice3A_229, %slice3A_230 : vector<16x128xf32>
    %swap3A_232 = arith.constant 0 : index
    %swap3A_233 = arith.constant 4608 : index
    %swap3A_234 = vector.load %arg4[%swap3A_232, %swap3A_233] : memref<16x25600xf32, #tpu.memory_space<vmem>>, vector<16x128xf32>
    tpu.vector_store %arg4[%swap3A_232, %swap3A_233], %add3A_231 {strides = array<i32>} : memref<16x25600xf32, #tpu.memory_space<vmem>>, vector<16x128xf32>,
    %slice3A_235 = vector.extract_strided_slice %dot_general3A_5 {offsets = [0, 4736], sizes = [16, 128], strides = [1, 1]} : vector<16x25600xf32> to vector<16x128xf32>
    %slice3A_236 = vector.extract_strided_slice %dot_general3A_14 {offsets = [80, 512], sizes = [16, 128], strides = [1, 1]} : vector<128x3200xf32> to vector<16x128xf32>
    %add3A_237 = arith.addf %slice3A_235, %slice3A_236 : vector<16x128xf32>
    %swap3A_238 = arith.constant 0 : index
    %swap3A_239 = arith.constant 4736 : index
    %swap3A_240 = vector.load %arg4[%swap3A_238, %swap3A_239] : memref<16x25600xf32, #tpu.memory_space<vmem>>, vector<16x128xf32>
    tpu.vector_store %arg4[%swap3A_238, %swap3A_239], %add3A_237 {strides = array<i32>} : memref<16x25600xf32, #tpu.memory_space<vmem>>, vector<16x128xf32>,
    %slice3A_241 = vector.extract_strided_slice %dot_general3A_5 {offsets = [0, 4864], sizes = [16, 128], strides = [1, 1]} : vector<16x25600xf32> to vector<16x128xf32>
    %slice3A_242 = vector.extract_strided_slice %dot_general3A_14 {offsets = [96, 512], sizes = [16, 128], strides = [1, 1]} : vector<128x3200xf32> to vector<16x128xf32>
    %add3A_243 = arith.addf %slice3A_241, %slice3A_242 : vector<16x128xf32>
    %swap3A_244 = arith.constant 0 : index
    %swap3A_245 = arith.constant 4864 : index
    %swap3A_246 = vector.load %arg4[%swap3A_244, %swap3A_245] : memref<16x25600xf32, #tpu.memory_space<vmem>>, vector<16x128xf32>
    tpu.vector_store %arg4[%swap3A_244, %swap3A_245], %add3A_243 {strides = array<i32>} : memref<16x25600xf32, #tpu.memory_space<vmem>>, vector<16x128xf32>,
    %slice3A_247 = vector.extract_strided_slice %dot_general3A_5 {offsets = [0, 4992], sizes = [16, 128], strides = [1, 1]} : vector<16x25600xf32> to vector<16x128xf32>
    %slice3A_248 = vector.extract_strided_slice %dot_general3A_14 {offsets = [112, 512], sizes = [16, 128], strides = [1, 1]} : vector<128x3200xf32> to vector<16x128xf32>
    %add3A_249 = arith.addf %slice3A_247, %slice3A_248 : vector<16x128xf32>
    %swap3A_250 = arith.constant 0 : index
    %swap3A_251 = arith.constant 4992 : index
    %swap3A_252 = vector.load %arg4[%swap3A_250, %swap3A_251] : memref<16x25600xf32, #tpu.memory_space<vmem>>, vector<16x128xf32>
    tpu.vector_store %arg4[%swap3A_250, %swap3A_251], %add3A_249 {strides = array<i32>} : memref<16x25600xf32, #tpu.memory_space<vmem>>, vector<16x128xf32>,
    %slice3A_253 = vector.extract_strided_slice %dot_general3A_5 {offsets = [0, 5120], sizes = [16, 128], strides = [1, 1]} : vector<16x25600xf32> to vector<16x128xf32>
    %slice3A_254 = vector.extract_strided_slice %dot_general3A_14 {offsets = [0, 640], sizes = [16, 128], strides = [1, 1]} : vector<128x3200xf32> to vector<16x128xf32>
    %add3A_255 = arith.addf %slice3A_253, %slice3A_254 : vector<16x128xf32>
    %swap3A_256 = arith.constant 0 : index
    %swap3A_257 = arith.constant 5120 : index
    %swap3A_258 = vector.load %arg4[%swap3A_256, %swap3A_257] : memref<16x25600xf32, #tpu.memory_space<vmem>>, vector<16x128xf32>
    tpu.vector_store %arg4[%swap3A_256, %swap3A_257], %add3A_255 {strides = array<i32>} : memref<16x25600xf32, #tpu.memory_space<vmem>>, vector<16x128xf32>,
    %slice3A_259 = vector.extract_strided_slice %dot_general3A_5 {offsets = [0, 5248], sizes = [16, 128], strides = [1, 1]} : vector<16x25600xf32> to vector<16x128xf32>
    %slice3A_260 = vector.extract_strided_slice %dot_general3A_14 {offsets = [16, 640], sizes = [16, 128], strides = [1, 1]} : vector<128x3200xf32> to vector<16x128xf32>
    %add3A_261 = arith.addf %slice3A_259, %slice3A_260 : vector<16x128xf32>
    %swap3A_262 = arith.constant 0 : index
    %swap3A_263 = arith.constant 5248 : index
    %swap3A_264 = vector.load %arg4[%swap3A_262, %swap3A_263] : memref<16x25600xf32, #tpu.memory_space<vmem>>, vector<16x128xf32>
    tpu.vector_store %arg4[%swap3A_262, %swap3A_263], %add3A_261 {strides = array<i32>} : memref<16x25600xf32, #tpu.memory_space<vmem>>, vector<16x128xf32>,
    %slice3A_265 = vector.extract_strided_slice %dot_general3A_5 {offsets = [0, 5376], sizes = [16, 128], strides = [1, 1]} : vector<16x25600xf32> to vector<16x128xf32>
    %slice3A_266 = vector.extract_strided_slice %dot_general3A_14 {offsets = [32, 640], sizes = [16, 128], strides = [1, 1]} : vector<128x3200xf32> to vector<16x128xf32>
    %add3A_267 = arith.addf %slice3A_265, %slice3A_266 : vector<16x128xf32>
    %swap3A_268 = arith.constant 0 : index
    %swap3A_269 = arith.constant 5376 : index
    %swap3A_270 = vector.load %arg4[%swap3A_268, %swap3A_269] : memref<16x25600xf32, #tpu.memory_space<vmem>>, vector<16x128xf32>
    tpu.vector_store %arg4[%swap3A_268, %swap3A_269], %add3A_267 {strides = array<i32>} : memref<16x25600xf32, #tpu.memory_space<vmem>>, vector<16x128xf32>,
    %slice3A_271 = vector.extract_strided_slice %dot_general3A_5 {offsets = [0, 5504], sizes = [16, 128], strides = [1, 1]} : vector<16x25600xf32> to vector<16x128xf32>
    %slice3A_272 = vector.extract_strided_slice %dot_general3A_14 {offsets = [48, 640], sizes = [16, 128], strides = [1, 1]} : vector<128x3200xf32> to vector<16x128xf32>
    %add3A_273 = arith.addf %slice3A_271, %slice3A_272 : vector<16x128xf32>
    %swap3A_274 = arith.constant 0 : index
    %swap3A_275 = arith.constant 5504 : index
    %swap3A_276 = vector.load %arg4[%swap3A_274, %swap3A_275] : memref<16x25600xf32, #tpu.memory_space<vmem>>, vector<16x128xf32>
    tpu.vector_store %arg4[%swap3A_274, %swap3A_275], %add3A_273 {strides = array<i32>} : memref<16x25600xf32, #tpu.memory_space<vmem>>, vector<16x128xf32>,
    %slice3A_277 = vector.extract_strided_slice %dot_general3A_5 {offsets = [0, 5632], sizes = [16, 128], strides = [1, 1]} : vector<16x25600xf32> to vector<16x128xf32>
    %slice3A_278 = vector.extract_strided_slice %dot_general3A_14 {offsets = [64, 640], sizes = [16, 128], strides = [1, 1]} : vector<128x3200xf32> to vector<16x128xf32>
    %add3A_279 = arith.addf %slice3A_277, %slice3A_278 : vector<16x128xf32>
    %swap3A_280 = arith.constant 0 : index
    %swap3A_281 = arith.constant 5632 : index
    %swap3A_282 = vector.load %arg4[%swap3A_280, %swap3A_281] : memref<16x25600xf32, #tpu.memory_space<vmem>>, vector<16x128xf32>
    tpu.vector_store %arg4[%swap3A_280, %swap3A_281], %add3A_279 {strides = array<i32>} : memref<16x25600xf32, #tpu.memory_space<vmem>>, vector<16x128xf32>,
    %slice3A_283 = vector.extract_strided_slice %dot_general3A_5 {offsets = [0, 5760], sizes = [16, 128], strides = [1, 1]} : vector<16x25600xf32> to vector<16x128xf32>
    %slice3A_284 = vector.extract_strided_slice %dot_general3A_14 {offsets = [80, 640], sizes = [16, 128], strides = [1, 1]} : vector<128x3200xf32> to vector<16x128xf32>
    %add3A_285 = arith.addf %slice3A_283, %slice3A_284 : vector<16x128xf32>
    %swap3A_286 = arith.constant 0 : index
    %swap3A_287 = arith.constant 5760 : index
    %swap3A_288 = vector.load %arg4[%swap3A_286, %swap3A_287] : memref<16x25600xf32, #tpu.memory_space<vmem>>, vector<16x128xf32>
    tpu.vector_store %arg4[%swap3A_286, %swap3A_287], %add3A_285 {strides = array<i32>} : memref<16x25600xf32, #tpu.memory_space<vmem>>, vector<16x128xf32>,
    %slice3A_289 = vector.extract_strided_slice %dot_general3A_5 {offsets = [0, 5888], sizes = [16, 128], strides = [1, 1]} : vector<16x25600xf32> to vector<16x128xf32>
    %slice3A_290 = vector.extract_strided_slice %dot_general3A_14 {offsets = [96, 640], sizes = [16, 128], strides = [1, 1]} : vector<128x3200xf32> to vector<16x128xf32>
    %add3A_291 = arith.addf %slice3A_289, %slice3A_290 : vector<16x128xf32>
    %swap3A_292 = arith.constant 0 : index
    %swap3A_293 = arith.constant 5888 : index
    %swap3A_294 = vector.load %arg4[%swap3A_292, %swap3A_293] : memref<16x25600xf32, #tpu.memory_space<vmem>>, vector<16x128xf32>
    tpu.vector_store %arg4[%swap3A_292, %swap3A_293], %add3A_291 {strides = array<i32>} : memref<16x25600xf32, #tpu.memory_space<vmem>>, vector<16x128xf32>,
    %slice3A_295 = vector.extract_strided_slice %dot_general3A_5 {offsets = [0, 6016], sizes = [16, 128], strides = [1, 1]} : vector<16x25600xf32> to vector<16x128xf32>
    %slice3A_296 = vector.extract_strided_slice %dot_general3A_14 {offsets = [112, 640], sizes = [16, 128], strides = [1, 1]} : vector<128x3200xf32> to vector<16x128xf32>
    %add3A_297 = arith.addf %slice3A_295, %slice3A_296 : vector<16x128xf32>
    %swap3A_298 = arith.constant 0 : index
    %swap3A_299 = arith.constant 6016 : index
    %swap3A_300 = vector.load %arg4[%swap3A_298, %swap3A_299] : memref<16x25600xf32, #tpu.memory_space<vmem>>, vector<16x128xf32>
    tpu.vector_store %arg4[%swap3A_298, %swap3A_299], %add3A_297 {strides = array<i32>} : memref<16x25600xf32, #tpu.memory_space<vmem>>, vector<16x128xf32>,
    %slice3A_301 = vector.extract_strided_slice %dot_general3A_5 {offsets = [0, 6144], sizes = [16, 128], strides = [1, 1]} : vector<16x25600xf32> to vector<16x128xf32>
    %slice3A_302 = vector.extract_strided_slice %dot_general3A_14 {offsets = [0, 768], sizes = [16, 128], strides = [1, 1]} : vector<128x3200xf32> to vector<16x128xf32>
    %add3A_303 = arith.addf %slice3A_301, %slice3A_302 : vector<16x128xf32>
    %swap3A_304 = arith.constant 0 : index
    %swap3A_305 = arith.constant 6144 : index
    %swap3A_306 = vector.load %arg4[%swap3A_304, %swap3A_305] : memref<16x25600xf32, #tpu.memory_space<vmem>>, vector<16x128xf32>
    tpu.vector_store %arg4[%swap3A_304, %swap3A_305], %add3A_303 {strides = array<i32>} : memref<16x25600xf32, #tpu.memory_space<vmem>>, vector<16x128xf32>,
    %slice3A_307 = vector.extract_strided_slice %dot_general3A_5 {offsets = [0, 6272], sizes = [16, 128], strides = [1, 1]} : vector<16x25600xf32> to vector<16x128xf32>
    %slice3A_308 = vector.extract_strided_slice %dot_general3A_14 {offsets = [16, 768], sizes = [16, 128], strides = [1, 1]} : vector<128x3200xf32> to vector<16x128xf32>
    %add3A_309 = arith.addf %slice3A_307, %slice3A_308 : vector<16x128xf32>
    %swap3A_310 = arith.constant 0 : index
    %swap3A_311 = arith.constant 6272 : index
    %swap3A_312 = vector.load %arg4[%swap3A_310, %swap3A_311] : memref<16x25600xf32, #tpu.memory_space<vmem>>, vector<16x128xf32>
    tpu.vector_store %arg4[%swap3A_310, %swap3A_311], %add3A_309 {strides = array<i32>} : memref<16x25600xf32, #tpu.memory_space<vmem>>, vector<16x128xf32>,
    %slice3A_313 = vector.extract_strided_slice %dot_general3A_5 {offsets = [0, 6400], sizes = [16, 128], strides = [1, 1]} : vector<16x25600xf32> to vector<16x128xf32>
    %slice3A_314 = vector.extract_strided_slice %dot_general3A_14 {offsets = [32, 768], sizes = [16, 128], strides = [1, 1]} : vector<128x3200xf32> to vector<16x128xf32>
    %add3A_315 = arith.addf %slice3A_313, %slice3A_314 : vector<16x128xf32>
    %swap3A_316 = arith.constant 0 : index
    %swap3A_317 = arith.constant 6400 : index
    %swap3A_318 = vector.load %arg4[%swap3A_316, %swap3A_317] : memref<16x25600xf32, #tpu.memory_space<vmem>>, vector<16x128xf32>
    tpu.vector_store %arg4[%swap3A_316, %swap3A_317], %add3A_315 {strides = array<i32>} : memref<16x25600xf32, #tpu.memory_space<vmem>>, vector<16x128xf32>,
    %slice3A_319 = vector.extract_strided_slice %dot_general3A_5 {offsets = [0, 6528], sizes = [16, 128], strides = [1, 1]} : vector<16x25600xf32> to vector<16x128xf32>
    %slice3A_320 = vector.extract_strided_slice %dot_general3A_14 {offsets = [48, 768], sizes = [16, 128], strides = [1, 1]} : vector<128x3200xf32> to vector<16x128xf32>
    %add3A_321 = arith.addf %slice3A_319, %slice3A_320 : vector<16x128xf32>
    %swap3A_322 = arith.constant 0 : index
    %swap3A_323 = arith.constant 6528 : index
    %swap3A_324 = vector.load %arg4[%swap3A_322, %swap3A_323] : memref<16x25600xf32, #tpu.memory_space<vmem>>, vector<16x128xf32>
    tpu.vector_store %arg4[%swap3A_322, %swap3A_323], %add3A_321 {strides = array<i32>} : memref<16x25600xf32, #tpu.memory_space<vmem>>, vector<16x128xf32>,
    %slice3A_325 = vector.extract_strided_slice %dot_general3A_5 {offsets = [0, 6656], sizes = [16, 128], strides = [1, 1]} : vector<16x25600xf32> to vector<16x128xf32>
    %slice3A_326 = vector.extract_strided_slice %dot_general3A_14 {offsets = [64, 768], sizes = [16, 128], strides = [1, 1]} : vector<128x3200xf32> to vector<16x128xf32>
    %add3A_327 = arith.addf %slice3A_325, %slice3A_326 : vector<16x128xf32>
    %swap3A_328 = arith.constant 0 : index
    %swap3A_329 = arith.constant 6656 : index
    %swap3A_330 = vector.load %arg4[%swap3A_328, %swap3A_329] : memref<16x25600xf32, #tpu.memory_space<vmem>>, vector<16x128xf32>
    tpu.vector_store %arg4[%swap3A_328, %swap3A_329], %add3A_327 {strides = array<i32>} : memref<16x25600xf32, #tpu.memory_space<vmem>>, vector<16x128xf32>,
    %slice3A_331 = vector.extract_strided_slice %dot_general3A_5 {offsets = [0, 6784], sizes = [16, 128], strides = [1, 1]} : vector<16x25600xf32> to vector<16x128xf32>
    %slice3A_332 = vector.extract_strided_slice %dot_general3A_14 {offsets = [80, 768], sizes = [16, 128], strides = [1, 1]} : vector<128x3200xf32> to vector<16x128xf32>
    %add3A_333 = arith.addf %slice3A_331, %slice3A_332 : vector<16x128xf32>
    %swap3A_334 = arith.constant 0 : index
    %swap3A_335 = arith.constant 6784 : index
    %swap3A_336 = vector.load %arg4[%swap3A_334, %swap3A_335] : memref<16x25600xf32, #tpu.memory_space<vmem>>, vector<16x128xf32>
    tpu.vector_store %arg4[%swap3A_334, %swap3A_335], %add3A_333 {strides = array<i32>} : memref<16x25600xf32, #tpu.memory_space<vmem>>, vector<16x128xf32>,
    %slice3A_337 = vector.extract_strided_slice %dot_general3A_5 {offsets = [0, 6912], sizes = [16, 128], strides = [1, 1]} : vector<16x25600xf32> to vector<16x128xf32>
    %slice3A_338 = vector.extract_strided_slice %dot_general3A_14 {offsets = [96, 768], sizes = [16, 128], strides = [1, 1]} : vector<128x3200xf32> to vector<16x128xf32>
    %add3A_339 = arith.addf %slice3A_337, %slice3A_338 : vector<16x128xf32>
    %swap3A_340 = arith.constant 0 : index
    %swap3A_341 = arith.constant 6912 : index
    %swap3A_342 = vector.load %arg4[%swap3A_340, %swap3A_341] : memref<16x25600xf32, #tpu.memory_space<vmem>>, vector<16x128xf32>
    tpu.vector_store %arg4[%swap3A_340, %swap3A_341], %add3A_339 {strides = array<i32>} : memref<16x25600xf32, #tpu.memory_space<vmem>>, vector<16x128xf32>,
    %slice3A_343 = vector.extract_strided_slice %dot_general3A_5 {offsets = [0, 7040], sizes = [16, 128], strides = [1, 1]} : vector<16x25600xf32> to vector<16x128xf32>
    %slice3A_344 = vector.extract_strided_slice %dot_general3A_14 {offsets = [112, 768], sizes = [16, 128], strides = [1, 1]} : vector<128x3200xf32> to vector<16x128xf32>
    %add3A_345 = arith.addf %slice3A_343, %slice3A_344 : vector<16x128xf32>
    %swap3A_346 = arith.constant 0 : index
    %swap3A_347 = arith.constant 7040 : index
    %swap3A_348 = vector.load %arg4[%swap3A_346, %swap3A_347] : memref<16x25600xf32, #tpu.memory_space<vmem>>, vector<16x128xf32>
    tpu.vector_store %arg4[%swap3A_346, %swap3A_347], %add3A_345 {strides = array<i32>} : memref<16x25600xf32, #tpu.memory_space<vmem>>, vector<16x128xf32>,
    %slice3A_349 = vector.extract_strided_slice %dot_general3A_5 {offsets = [0, 7168], sizes = [16, 128], strides = [1, 1]} : vector<16x25600xf32> to vector<16x128xf32>
    %slice3A_350 = vector.extract_strided_slice %dot_general3A_14 {offsets = [0, 896], sizes = [16, 128], strides = [1, 1]} : vector<128x3200xf32> to vector<16x128xf32>
    %add3A_351 = arith.addf %slice3A_349, %slice3A_350 : vector<16x128xf32>
    %swap3A_352 = arith.constant 0 : index
    %swap3A_353 = arith.constant 7168 : index
    %swap3A_354 = vector.load %arg4[%swap3A_352, %swap3A_353] : memref<16x25600xf32, #tpu.memory_space<vmem>>, vector<16x128xf32>
    tpu.vector_store %arg4[%swap3A_352, %swap3A_353], %add3A_351 {strides = array<i32>} : memref<16x25600xf32, #tpu.memory_space<vmem>>, vector<16x128xf32>,
    %slice3A_355 = vector.extract_strided_slice %dot_general3A_5 {offsets = [0, 7296], sizes = [16, 128], strides = [1, 1]} : vector<16x25600xf32> to vector<16x128xf32>
    %slice3A_356 = vector.extract_strided_slice %dot_general3A_14 {offsets = [16, 896], sizes = [16, 128], strides = [1, 1]} : vector<128x3200xf32> to vector<16x128xf32>
    %add3A_357 = arith.addf %slice3A_355, %slice3A_356 : vector<16x128xf32>
    %swap3A_358 = arith.constant 0 : index
    %swap3A_359 = arith.constant 7296 : index
    %swap3A_360 = vector.load %arg4[%swap3A_358, %swap3A_359] : memref<16x25600xf32, #tpu.memory_space<vmem>>, vector<16x128xf32>
    tpu.vector_store %arg4[%swap3A_358, %swap3A_359], %add3A_357 {strides = array<i32>} : memref<16x25600xf32, #tpu.memory_space<vmem>>, vector<16x128xf32>,
    %slice3A_361 = vector.extract_strided_slice %dot_general3A_5 {offsets = [0, 7424], sizes = [16, 128], strides = [1, 1]} : vector<16x25600xf32> to vector<16x128xf32>
    %slice3A_362 = vector.extract_strided_slice %dot_general3A_14 {offsets = [32, 896], sizes = [16, 128], strides = [1, 1]} : vector<128x3200xf32> to vector<16x128xf32>
    %add3A_363 = arith.addf %slice3A_361, %slice3A_362 : vector<16x128xf32>
    %swap3A_364 = arith.constant 0 : index
    %swap3A_365 = arith.constant 7424 : index
    %swap3A_366 = vector.load %arg4[%swap3A_364, %swap3A_365] : memref<16x25600xf32, #tpu.memory_space<vmem>>, vector<16x128xf32>
    tpu.vector_store %arg4[%swap3A_364, %swap3A_365], %add3A_363 {strides = array<i32>} : memref<16x25600xf32, #tpu.memory_space<vmem>>, vector<16x128xf32>,
    %slice3A_367 = vector.extract_strided_slice %dot_general3A_5 {offsets = [0, 7552], sizes = [16, 128], strides = [1, 1]} : vector<16x25600xf32> to vector<16x128xf32>
    %slice3A_368 = vector.extract_strided_slice %dot_general3A_14 {offsets = [48, 896], sizes = [16, 128], strides = [1, 1]} : vector<128x3200xf32> to vector<16x128xf32>
    %add3A_369 = arith.addf %slice3A_367, %slice3A_368 : vector<16x128xf32>
    %swap3A_370 = arith.constant 0 : index
    %swap3A_371 = arith.constant 7552 : index
    %swap3A_372 = vector.load %arg4[%swap3A_370, %swap3A_371] : memref<16x25600xf32, #tpu.memory_space<vmem>>, vector<16x128xf32>
    tpu.vector_store %arg4[%swap3A_370, %swap3A_371], %add3A_369 {strides = array<i32>} : memref<16x25600xf32, #tpu.memory_space<vmem>>, vector<16x128xf32>,
    %slice3A_373 = vector.extract_strided_slice %dot_general3A_5 {offsets = [0, 7680], sizes = [16, 128], strides = [1, 1]} : vector<16x25600xf32> to vector<16x128xf32>
    %slice3A_374 = vector.extract_strided_slice %dot_general3A_14 {offsets = [64, 896], sizes = [16, 128], strides = [1, 1]} : vector<128x3200xf32> to vector<16x128xf32>
    %add3A_375 = arith.addf %slice3A_373, %slice3A_374 : vector<16x128xf32>
    %swap3A_376 = arith.constant 0 : index
    %swap3A_377 = arith.constant 7680 : index
    %swap3A_378 = vector.load %arg4[%swap3A_376, %swap3A_377] : memref<16x25600xf32, #tpu.memory_space<vmem>>, vector<16x128xf32>
    tpu.vector_store %arg4[%swap3A_376, %swap3A_377], %add3A_375 {strides = array<i32>} : memref<16x25600xf32, #tpu.memory_space<vmem>>, vector<16x128xf32>,
    %slice3A_379 = vector.extract_strided_slice %dot_general3A_5 {offsets = [0, 7808], sizes = [16, 128], strides = [1, 1]} : vector<16x25600xf32> to vector<16x128xf32>
    %slice3A_380 = vector.extract_strided_slice %dot_general3A_14 {offsets = [80, 896], sizes = [16, 128], strides = [1, 1]} : vector<128x3200xf32> to vector<16x128xf32>
    %add3A_381 = arith.addf %slice3A_379, %slice3A_380 : vector<16x128xf32>
    %swap3A_382 = arith.constant 0 : index
    %swap3A_383 = arith.constant 7808 : index
    %swap3A_384 = vector.load %arg4[%swap3A_382, %swap3A_383] : memref<16x25600xf32, #tpu.memory_space<vmem>>, vector<16x128xf32>
    tpu.vector_store %arg4[%swap3A_382, %swap3A_383], %add3A_381 {strides = array<i32>} : memref<16x25600xf32, #tpu.memory_space<vmem>>, vector<16x128xf32>,
    %slice3A_385 = vector.extract_strided_slice %dot_general3A_5 {offsets = [0, 7936], sizes = [16, 128], strides = [1, 1]} : vector<16x25600xf32> to vector<16x128xf32>
    %slice3A_386 = vector.extract_strided_slice %dot_general3A_14 {offsets = [96, 896], sizes = [16, 128], strides = [1, 1]} : vector<128x3200xf32> to vector<16x128xf32>
    %add3A_387 = arith.addf %slice3A_385, %slice3A_386 : vector<16x128xf32>
    %swap3A_388 = arith.constant 0 : index
    %swap3A_389 = arith.constant 7936 : index
    %swap3A_390 = vector.load %arg4[%swap3A_388, %swap3A_389] : memref<16x25600xf32, #tpu.memory_space<vmem>>, vector<16x128xf32>
    tpu.vector_store %arg4[%swap3A_388, %swap3A_389], %add3A_387 {strides = array<i32>} : memref<16x25600xf32, #tpu.memory_space<vmem>>, vector<16x128xf32>,
    %slice3A_391 = vector.extract_strided_slice %dot_general3A_5 {offsets = [0, 8064], sizes = [16, 128], strides = [1, 1]} : vector<16x25600xf32> to vector<16x128xf32>
    %slice3A_392 = vector.extract_strided_slice %dot_general3A_14 {offsets = [112, 896], sizes = [16, 128], strides = [1, 1]} : vector<128x3200xf32> to vector<16x128xf32>
    %add3A_393 = arith.addf %slice3A_391, %slice3A_392 : vector<16x128xf32>
    %swap3A_394 = arith.constant 0 : index
    %swap3A_395 = arith.constant 8064 : index
    %swap3A_396 = vector.load %arg4[%swap3A_394, %swap3A_395] : memref<16x25600xf32, #tpu.memory_space<vmem>>, vector<16x128xf32>
    tpu.vector_store %arg4[%swap3A_394, %swap3A_395], %add3A_393 {strides = array<i32>} : memref<16x25600xf32, #tpu.memory_space<vmem>>, vector<16x128xf32>,
    %slice3A_397 = vector.extract_strided_slice %dot_general3A_5 {offsets = [0, 8192], sizes = [16, 128], strides = [1, 1]} : vector<16x25600xf32> to vector<16x128xf32>
    %slice3A_398 = vector.extract_strided_slice %dot_general3A_14 {offsets = [0, 1024], sizes = [16, 128], strides = [1, 1]} : vector<128x3200xf32> to vector<16x128xf32>
    %add3A_399 = arith.addf %slice3A_397, %slice3A_398 : vector<16x128xf32>
    %swap3A_400 = arith.constant 0 : index
    %swap3A_401 = arith.constant 8192 : index
    %swap3A_402 = vector.load %arg4[%swap3A_400, %swap3A_401] : memref<16x25600xf32, #tpu.memory_space<vmem>>, vector<16x128xf32>
    tpu.vector_store %arg4[%swap3A_400, %swap3A_401], %add3A_399 {strides = array<i32>} : memref<16x25600xf32, #tpu.memory_space<vmem>>, vector<16x128xf32>,
    %slice3A_403 = vector.extract_strided_slice %dot_general3A_5 {offsets = [0, 8320], sizes = [16, 128], strides = [1, 1]} : vector<16x25600xf32> to vector<16x128xf32>
    %slice3A_404 = vector.extract_strided_slice %dot_general3A_14 {offsets = [16, 1024], sizes = [16, 128], strides = [1, 1]} : vector<128x3200xf32> to vector<16x128xf32>
    %add3A_405 = arith.addf %slice3A_403, %slice3A_404 : vector<16x128xf32>
    %swap3A_406 = arith.constant 0 : index
    %swap3A_407 = arith.constant 8320 : index
    %swap3A_408 = vector.load %arg4[%swap3A_406, %swap3A_407] : memref<16x25600xf32, #tpu.memory_space<vmem>>, vector<16x128xf32>
    tpu.vector_store %arg4[%swap3A_406, %swap3A_407], %add3A_405 {strides = array<i32>} : memref<16x25600xf32, #tpu.memory_space<vmem>>, vector<16x128xf32>,
    %slice3A_409 = vector.extract_strided_slice %dot_general3A_5 {offsets = [0, 8448], sizes = [16, 128], strides = [1, 1]} : vector<16x25600xf32> to vector<16x128xf32>
    %slice3A_410 = vector.extract_strided_slice %dot_general3A_14 {offsets = [32, 1024], sizes = [16, 128], strides = [1, 1]} : vector<128x3200xf32> to vector<16x128xf32>
    %add3A_411 = arith.addf %slice3A_409, %slice3A_410 : vector<16x128xf32>
    %swap3A_412 = arith.constant 0 : index
    %swap3A_413 = arith.constant 8448 : index
    %swap3A_414 = vector.load %arg4[%swap3A_412, %swap3A_413] : memref<16x25600xf32, #tpu.memory_space<vmem>>, vector<16x128xf32>
    tpu.vector_store %arg4[%swap3A_412, %swap3A_413], %add3A_411 {strides = array<i32>} : memref<16x25600xf32, #tpu.memory_space<vmem>>, vector<16x128xf32>,
    %slice3A_415 = vector.extract_strided_slice %dot_general3A_5 {offsets = [0, 8576], sizes = [16, 128], strides = [1, 1]} : vector<16x25600xf32> to vector<16x128xf32>
    %slice3A_416 = vector.extract_strided_slice %dot_general3A_14 {offsets = [48, 1024], sizes = [16, 128], strides = [1, 1]} : vector<128x3200xf32> to vector<16x128xf32>
    %add3A_417 = arith.addf %slice3A_415, %slice3A_416 : vector<16x128xf32>
    %swap3A_418 = arith.constant 0 : index
    %swap3A_419 = arith.constant 8576 : index
    %swap3A_420 = vector.load %arg4[%swap3A_418, %swap3A_419] : memref<16x25600xf32, #tpu.memory_space<vmem>>, vector<16x128xf32>
    tpu.vector_store %arg4[%swap3A_418, %swap3A_419], %add3A_417 {strides = array<i32>} : memref<16x25600xf32, #tpu.memory_space<vmem>>, vector<16x128xf32>,
    %slice3A_421 = vector.extract_strided_slice %dot_general3A_5 {offsets = [0, 8704], sizes = [16, 128], strides = [1, 1]} : vector<16x25600xf32> to vector<16x128xf32>
    %slice3A_422 = vector.extract_strided_slice %dot_general3A_14 {offsets = [64, 1024], sizes = [16, 128], strides = [1, 1]} : vector<128x3200xf32> to vector<16x128xf32>
    %add3A_423 = arith.addf %slice3A_421, %slice3A_422 : vector<16x128xf32>
    %swap3A_424 = arith.constant 0 : index
    %swap3A_425 = arith.constant 8704 : index
    %swap3A_426 = vector.load %arg4[%swap3A_424, %swap3A_425] : memref<16x25600xf32, #tpu.memory_space<vmem>>, vector<16x128xf32>
    tpu.vector_store %arg4[%swap3A_424, %swap3A_425], %add3A_423 {strides = array<i32>} : memref<16x25600xf32, #tpu.memory_space<vmem>>, vector<16x128xf32>,
    %slice3A_427 = vector.extract_strided_slice %dot_general3A_5 {offsets = [0, 8832], sizes = [16, 128], strides = [1, 1]} : vector<16x25600xf32> to vector<16x128xf32>
    %slice3A_428 = vector.extract_strided_slice %dot_general3A_14 {offsets = [80, 1024], sizes = [16, 128], strides = [1, 1]} : vector<128x3200xf32> to vector<16x128xf32>
    %add3A_429 = arith.addf %slice3A_427, %slice3A_428 : vector<16x128xf32>
    %swap3A_430 = arith.constant 0 : index
    %swap3A_431 = arith.constant 8832 : index
    %swap3A_432 = vector.load %arg4[%swap3A_430, %swap3A_431] : memref<16x25600xf32, #tpu.memory_space<vmem>>, vector<16x128xf32>
    tpu.vector_store %arg4[%swap3A_430, %swap3A_431], %add3A_429 {strides = array<i32>} : memref<16x25600xf32, #tpu.memory_space<vmem>>, vector<16x128xf32>,
    %slice3A_433 = vector.extract_strided_slice %dot_general3A_5 {offsets = [0, 8960], sizes = [16, 128], strides = [1, 1]} : vector<16x25600xf32> to vector<16x128xf32>
    %slice3A_434 = vector.extract_strided_slice %dot_general3A_14 {offsets = [96, 1024], sizes = [16, 128], strides = [1, 1]} : vector<128x3200xf32> to vector<16x128xf32>
    %add3A_435 = arith.addf %slice3A_433, %slice3A_434 : vector<16x128xf32>
    %swap3A_436 = arith.constant 0 : index
    %swap3A_437 = arith.constant 8960 : index
    %swap3A_438 = vector.load %arg4[%swap3A_436, %swap3A_437] : memref<16x25600xf32, #tpu.memory_space<vmem>>, vector<16x128xf32>
    tpu.vector_store %arg4[%swap3A_436, %swap3A_437], %add3A_435 {strides = array<i32>} : memref<16x25600xf32, #tpu.memory_space<vmem>>, vector<16x128xf32>,
    %slice3A_439 = vector.extract_strided_slice %dot_general3A_5 {offsets = [0, 9088], sizes = [16, 128], strides = [1, 1]} : vector<16x25600xf32> to vector<16x128xf32>
    %slice3A_440 = vector.extract_strided_slice %dot_general3A_14 {offsets = [112, 1024], sizes = [16, 128], strides = [1, 1]} : vector<128x3200xf32> to vector<16x128xf32>
    %add3A_441 = arith.addf %slice3A_439, %slice3A_440 : vector<16x128xf32>
    %swap3A_442 = arith.constant 0 : index
    %swap3A_443 = arith.constant 9088 : index
    %swap3A_444 = vector.load %arg4[%swap3A_442, %swap3A_443] : memref<16x25600xf32, #tpu.memory_space<vmem>>, vector<16x128xf32>
    tpu.vector_store %arg4[%swap3A_442, %swap3A_443], %add3A_441 {strides = array<i32>} : memref<16x25600xf32, #tpu.memory_space<vmem>>, vector<16x128xf32>,
    %slice3A_445 = vector.extract_strided_slice %dot_general3A_5 {offsets = [0, 9216], sizes = [16, 128], strides = [1, 1]} : vector<16x25600xf32> to vector<16x128xf32>
    %slice3A_446 = vector.extract_strided_slice %dot_general3A_14 {offsets = [0, 1152], sizes = [16, 128], strides = [1, 1]} : vector<128x3200xf32> to vector<16x128xf32>
    %add3A_447 = arith.addf %slice3A_445, %slice3A_446 : vector<16x128xf32>
    %swap3A_448 = arith.constant 0 : index
    %swap3A_449 = arith.constant 9216 : index
    %swap3A_450 = vector.load %arg4[%swap3A_448, %swap3A_449] : memref<16x25600xf32, #tpu.memory_space<vmem>>, vector<16x128xf32>
    tpu.vector_store %arg4[%swap3A_448, %swap3A_449], %add3A_447 {strides = array<i32>} : memref<16x25600xf32, #tpu.memory_space<vmem>>, vector<16x128xf32>,
    %slice3A_451 = vector.extract_strided_slice %dot_general3A_5 {offsets = [0, 9344], sizes = [16, 128], strides = [1, 1]} : vector<16x25600xf32> to vector<16x128xf32>
    %slice3A_452 = vector.extract_strided_slice %dot_general3A_14 {offsets = [16, 1152], sizes = [16, 128], strides = [1, 1]} : vector<128x3200xf32> to vector<16x128xf32>
    %add3A_453 = arith.addf %slice3A_451, %slice3A_452 : vector<16x128xf32>
    %swap3A_454 = arith.constant 0 : index
    %swap3A_455 = arith.constant 9344 : index
    %swap3A_456 = vector.load %arg4[%swap3A_454, %swap3A_455] : memref<16x25600xf32, #tpu.memory_space<vmem>>, vector<16x128xf32>
    tpu.vector_store %arg4[%swap3A_454, %swap3A_455], %add3A_453 {strides = array<i32>} : memref<16x25600xf32, #tpu.memory_space<vmem>>, vector<16x128xf32>,
    %slice3A_457 = vector.extract_strided_slice %dot_general3A_5 {offsets = [0, 9472], sizes = [16, 128], strides = [1, 1]} : vector<16x25600xf32> to vector<16x128xf32>
    %slice3A_458 = vector.extract_strided_slice %dot_general3A_14 {offsets = [32, 1152], sizes = [16, 128], strides = [1, 1]} : vector<128x3200xf32> to vector<16x128xf32>
    %add3A_459 = arith.addf %slice3A_457, %slice3A_458 : vector<16x128xf32>
    %swap3A_460 = arith.constant 0 : index
    %swap3A_461 = arith.constant 9472 : index
    %swap3A_462 = vector.load %arg4[%swap3A_460, %swap3A_461] : memref<16x25600xf32, #tpu.memory_space<vmem>>, vector<16x128xf32>
    tpu.vector_store %arg4[%swap3A_460, %swap3A_461], %add3A_459 {strides = array<i32>} : memref<16x25600xf32, #tpu.memory_space<vmem>>, vector<16x128xf32>,
    %slice3A_463 = vector.extract_strided_slice %dot_general3A_5 {offsets = [0, 9600], sizes = [16, 128], strides = [1, 1]} : vector<16x25600xf32> to vector<16x128xf32>
    %slice3A_464 = vector.extract_strided_slice %dot_general3A_14 {offsets = [48, 1152], sizes = [16, 128], strides = [1, 1]} : vector<128x3200xf32> to vector<16x128xf32>
    %add3A_465 = arith.addf %slice3A_463, %slice3A_464 : vector<16x128xf32>
    %swap3A_466 = arith.constant 0 : index
    %swap3A_467 = arith.constant 9600 : index
    %swap3A_468 = vector.load %arg4[%swap3A_466, %swap3A_467] : memref<16x25600xf32, #tpu.memory_space<vmem>>, vector<16x128xf32>
    tpu.vector_store %arg4[%swap3A_466, %swap3A_467], %add3A_465 {strides = array<i32>} : memref<16x25600xf32, #tpu.memory_space<vmem>>, vector<16x128xf32>,
    %slice3A_469 = vector.extract_strided_slice %dot_general3A_5 {offsets = [0, 9728], sizes = [16, 128], strides = [1, 1]} : vector<16x25600xf32> to vector<16x128xf32>
    %slice3A_470 = vector.extract_strided_slice %dot_general3A_14 {offsets = [64, 1152], sizes = [16, 128], strides = [1, 1]} : vector<128x3200xf32> to vector<16x128xf32>
    %add3A_471 = arith.addf %slice3A_469, %slice3A_470 : vector<16x128xf32>
    %swap3A_472 = arith.constant 0 : index
    %swap3A_473 = arith.constant 9728 : index
    %swap3A_474 = vector.load %arg4[%swap3A_472, %swap3A_473] : memref<16x25600xf32, #tpu.memory_space<vmem>>, vector<16x128xf32>
    tpu.vector_store %arg4[%swap3A_472, %swap3A_473], %add3A_471 {strides = array<i32>} : memref<16x25600xf32, #tpu.memory_space<vmem>>, vector<16x128xf32>,
    %slice3A_475 = vector.extract_strided_slice %dot_general3A_5 {offsets = [0, 9856], sizes = [16, 128], strides = [1, 1]} : vector<16x25600xf32> to vector<16x128xf32>
    %slice3A_476 = vector.extract_strided_slice %dot_general3A_14 {offsets = [80, 1152], sizes = [16, 128], strides = [1, 1]} : vector<128x3200xf32> to vector<16x128xf32>
    %add3A_477 = arith.addf %slice3A_475, %slice3A_476 : vector<16x128xf32>
    %swap3A_478 = arith.constant 0 : index
    %swap3A_479 = arith.constant 9856 : index
    %swap3A_480 = vector.load %arg4[%swap3A_478, %swap3A_479] : memref<16x25600xf32, #tpu.memory_space<vmem>>, vector<16x128xf32>
    tpu.vector_store %arg4[%swap3A_478, %swap3A_479], %add3A_477 {strides = array<i32>} : memref<16x25600xf32, #tpu.memory_space<vmem>>, vector<16x128xf32>,
    %slice3A_481 = vector.extract_strided_slice %dot_general3A_5 {offsets = [0, 9984], sizes = [16, 128], strides = [1, 1]} : vector<16x25600xf32> to vector<16x128xf32>
    %slice3A_482 = vector.extract_strided_slice %dot_general3A_14 {offsets = [96, 1152], sizes = [16, 128], strides = [1, 1]} : vector<128x3200xf32> to vector<16x128xf32>
    %add3A_483 = arith.addf %slice3A_481, %slice3A_482 : vector<16x128xf32>
    %swap3A_484 = arith.constant 0 : index
    %swap3A_485 = arith.constant 9984 : index
    %swap3A_486 = vector.load %arg4[%swap3A_484, %swap3A_485] : memref<16x25600xf32, #tpu.memory_space<vmem>>, vector<16x128xf32>
    tpu.vector_store %arg4[%swap3A_484, %swap3A_485], %add3A_483 {strides = array<i32>} : memref<16x25600xf32, #tpu.memory_space<vmem>>, vector<16x128xf32>,
    %slice3A_487 = vector.extract_strided_slice %dot_general3A_5 {offsets = [0, 10112], sizes = [16, 128], strides = [1, 1]} : vector<16x25600xf32> to vector<16x128xf32>
    %slice3A_488 = vector.extract_strided_slice %dot_general3A_14 {offsets = [112, 1152], sizes = [16, 128], strides = [1, 1]} : vector<128x3200xf32> to vector<16x128xf32>
    %add3A_489 = arith.addf %slice3A_487, %slice3A_488 : vector<16x128xf32>
    %swap3A_490 = arith.constant 0 : index
    %swap3A_491 = arith.constant 10112 : index
    %swap3A_492 = vector.load %arg4[%swap3A_490, %swap3A_491] : memref<16x25600xf32, #tpu.memory_space<vmem>>, vector<16x128xf32>
    tpu.vector_store %arg4[%swap3A_490, %swap3A_491], %add3A_489 {strides = array<i32>} : memref<16x25600xf32, #tpu.memory_space<vmem>>, vector<16x128xf32>,
    %slice3A_493 = vector.extract_strided_slice %dot_general3A_5 {offsets = [0, 10240], sizes = [16, 128], strides = [1, 1]} : vector<16x25600xf32> to vector<16x128xf32>
    %slice3A_494 = vector.extract_strided_slice %dot_general3A_14 {offsets = [0, 1280], sizes = [16, 128], strides = [1, 1]} : vector<128x3200xf32> to vector<16x128xf32>
    %add3A_495 = arith.addf %slice3A_493, %slice3A_494 : vector<16x128xf32>
    %swap3A_496 = arith.constant 0 : index
    %swap3A_497 = arith.constant 10240 : index
    %swap3A_498 = vector.load %arg4[%swap3A_496, %swap3A_497] : memref<16x25600xf32, #tpu.memory_space<vmem>>, vector<16x128xf32>
    tpu.vector_store %arg4[%swap3A_496, %swap3A_497], %add3A_495 {strides = array<i32>} : memref<16x25600xf32, #tpu.memory_space<vmem>>, vector<16x128xf32>,
    %slice3A_499 = vector.extract_strided_slice %dot_general3A_5 {offsets = [0, 10368], sizes = [16, 128], strides = [1, 1]} : vector<16x25600xf32> to vector<16x128xf32>
    %slice3A_500 = vector.extract_strided_slice %dot_general3A_14 {offsets = [16, 1280], sizes = [16, 128], strides = [1, 1]} : vector<128x3200xf32> to vector<16x128xf32>
    %add3A_501 = arith.addf %slice3A_499, %slice3A_500 : vector<16x128xf32>
    %swap3A_502 = arith.constant 0 : index
    %swap3A_503 = arith.constant 10368 : index
    %swap3A_504 = vector.load %arg4[%swap3A_502, %swap3A_503] : memref<16x25600xf32, #tpu.memory_space<vmem>>, vector<16x128xf32>
    tpu.vector_store %arg4[%swap3A_502, %swap3A_503], %add3A_501 {strides = array<i32>} : memref<16x25600xf32, #tpu.memory_space<vmem>>, vector<16x128xf32>,
    %slice3A_505 = vector.extract_strided_slice %dot_general3A_5 {offsets = [0, 10496], sizes = [16, 128], strides = [1, 1]} : vector<16x25600xf32> to vector<16x128xf32>
    %slice3A_506 = vector.extract_strided_slice %dot_general3A_14 {offsets = [32, 1280], sizes = [16, 128], strides = [1, 1]} : vector<128x3200xf32> to vector<16x128xf32>
    %add3A_507 = arith.addf %slice3A_505, %slice3A_506 : vector<16x128xf32>
    %swap3A_508 = arith.constant 0 : index
    %swap3A_509 = arith.constant 10496 : index
    %swap3A_510 = vector.load %arg4[%swap3A_508, %swap3A_509] : memref<16x25600xf32, #tpu.memory_space<vmem>>, vector<16x128xf32>
    tpu.vector_store %arg4[%swap3A_508, %swap3A_509], %add3A_507 {strides = array<i32>} : memref<16x25600xf32, #tpu.memory_space<vmem>>, vector<16x128xf32>,
    %slice3A_511 = vector.extract_strided_slice %dot_general3A_5 {offsets = [0, 10624], sizes = [16, 128], strides = [1, 1]} : vector<16x25600xf32> to vector<16x128xf32>
    %slice3A_512 = vector.extract_strided_slice %dot_general3A_14 {offsets = [48, 1280], sizes = [16, 128], strides = [1, 1]} : vector<128x3200xf32> to vector<16x128xf32>
    %add3A_513 = arith.addf %slice3A_511, %slice3A_512 : vector<16x128xf32>
    %swap3A_514 = arith.constant 0 : index
    %swap3A_515 = arith.constant 10624 : index
    %swap3A_516 = vector.load %arg4[%swap3A_514, %swap3A_515] : memref<16x25600xf32, #tpu.memory_space<vmem>>, vector<16x128xf32>
    tpu.vector_store %arg4[%swap3A_514, %swap3A_515], %add3A_513 {strides = array<i32>} : memref<16x25600xf32, #tpu.memory_space<vmem>>, vector<16x128xf32>,
    %slice3A_517 = vector.extract_strided_slice %dot_general3A_5 {offsets = [0, 10752], sizes = [16, 128], strides = [1, 1]} : vector<16x25600xf32> to vector<16x128xf32>
    %slice3A_518 = vector.extract_strided_slice %dot_general3A_14 {offsets = [64, 1280], sizes = [16, 128], strides = [1, 1]} : vector<128x3200xf32> to vector<16x128xf32>
    %add3A_519 = arith.addf %slice3A_517, %slice3A_518 : vector<16x128xf32>
    %swap3A_520 = arith.constant 0 : index
    %swap3A_521 = arith.constant 10752 : index
    %swap3A_522 = vector.load %arg4[%swap3A_520, %swap3A_521] : memref<16x25600xf32, #tpu.memory_space<vmem>>, vector<16x128xf32>
    tpu.vector_store %arg4[%swap3A_520, %swap3A_521], %add3A_519 {strides = array<i32>} : memref<16x25600xf32, #tpu.memory_space<vmem>>, vector<16x128xf32>,
    %slice3A_523 = vector.extract_strided_slice %dot_general3A_5 {offsets = [0, 10880], sizes = [16, 128], strides = [1, 1]} : vector<16x25600xf32> to vector<16x128xf32>
    %slice3A_524 = vector.extract_strided_slice %dot_general3A_14 {offsets = [80, 1280], sizes = [16, 128], strides = [1, 1]} : vector<128x3200xf32> to vector<16x128xf32>
    %add3A_525 = arith.addf %slice3A_523, %slice3A_524 : vector<16x128xf32>
    %swap3A_526 = arith.constant 0 : index
    %swap3A_527 = arith.constant 10880 : index
    %swap3A_528 = vector.load %arg4[%swap3A_526, %swap3A_527] : memref<16x25600xf32, #tpu.memory_space<vmem>>, vector<16x128xf32>
    tpu.vector_store %arg4[%swap3A_526, %swap3A_527], %add3A_525 {strides = array<i32>} : memref<16x25600xf32, #tpu.memory_space<vmem>>, vector<16x128xf32>,
    %slice3A_529 = vector.extract_strided_slice %dot_general3A_5 {offsets = [0, 11008], sizes = [16, 128], strides = [1, 1]} : vector<16x25600xf32> to vector<16x128xf32>
    %slice3A_530 = vector.extract_strided_slice %dot_general3A_14 {offsets = [96, 1280], sizes = [16, 128], strides = [1, 1]} : vector<128x3200xf32> to vector<16x128xf32>
    %add3A_531 = arith.addf %slice3A_529, %slice3A_530 : vector<16x128xf32>
    %swap3A_532 = arith.constant 0 : index
    %swap3A_533 = arith.constant 11008 : index
    %swap3A_534 = vector.load %arg4[%swap3A_532, %swap3A_533] : memref<16x25600xf32, #tpu.memory_space<vmem>>, vector<16x128xf32>
    tpu.vector_store %arg4[%swap3A_532, %swap3A_533], %add3A_531 {strides = array<i32>} : memref<16x25600xf32, #tpu.memory_space<vmem>>, vector<16x128xf32>,
    %slice3A_535 = vector.extract_strided_slice %dot_general3A_5 {offsets = [0, 11136], sizes = [16, 128], strides = [1, 1]} : vector<16x25600xf32> to vector<16x128xf32>
    %slice3A_536 = vector.extract_strided_slice %dot_general3A_14 {offsets = [112, 1280], sizes = [16, 128], strides = [1, 1]} : vector<128x3200xf32> to vector<16x128xf32>
    %add3A_537 = arith.addf %slice3A_535, %slice3A_536 : vector<16x128xf32>
    %swap3A_538 = arith.constant 0 : index
    %swap3A_539 = arith.constant 11136 : index
    %swap3A_540 = vector.load %arg4[%swap3A_538, %swap3A_539] : memref<16x25600xf32, #tpu.memory_space<vmem>>, vector<16x128xf32>
    tpu.vector_store %arg4[%swap3A_538, %swap3A_539], %add3A_537 {strides = array<i32>} : memref<16x25600xf32, #tpu.memory_space<vmem>>, vector<16x128xf32>,
    %slice3A_541 = vector.extract_strided_slice %dot_general3A_5 {offsets = [0, 11264], sizes = [16, 128], strides = [1, 1]} : vector<16x25600xf32> to vector<16x128xf32>
    %slice3A_542 = vector.extract_strided_slice %dot_general3A_14 {offsets = [0, 1408], sizes = [16, 128], strides = [1, 1]} : vector<128x3200xf32> to vector<16x128xf32>
    %add3A_543 = arith.addf %slice3A_541, %slice3A_542 : vector<16x128xf32>
    %swap3A_544 = arith.constant 0 : index
    %swap3A_545 = arith.constant 11264 : index
    %swap3A_546 = vector.load %arg4[%swap3A_544, %swap3A_545] : memref<16x25600xf32, #tpu.memory_space<vmem>>, vector<16x128xf32>
    tpu.vector_store %arg4[%swap3A_544, %swap3A_545], %add3A_543 {strides = array<i32>} : memref<16x25600xf32, #tpu.memory_space<vmem>>, vector<16x128xf32>,
    %slice3A_547 = vector.extract_strided_slice %dot_general3A_5 {offsets = [0, 11392], sizes = [16, 128], strides = [1, 1]} : vector<16x25600xf32> to vector<16x128xf32>
    %slice3A_548 = vector.extract_strided_slice %dot_general3A_14 {offsets = [16, 1408], sizes = [16, 128], strides = [1, 1]} : vector<128x3200xf32> to vector<16x128xf32>
    %add3A_549 = arith.addf %slice3A_547, %slice3A_548 : vector<16x128xf32>
    %swap3A_550 = arith.constant 0 : index
    %swap3A_551 = arith.constant 11392 : index
    %swap3A_552 = vector.load %arg4[%swap3A_550, %swap3A_551] : memref<16x25600xf32, #tpu.memory_space<vmem>>, vector<16x128xf32>
    tpu.vector_store %arg4[%swap3A_550, %swap3A_551], %add3A_549 {strides = array<i32>} : memref<16x25600xf32, #tpu.memory_space<vmem>>, vector<16x128xf32>,
    %slice3A_553 = vector.extract_strided_slice %dot_general3A_5 {offsets = [0, 11520], sizes = [16, 128], strides = [1, 1]} : vector<16x25600xf32> to vector<16x128xf32>
    %slice3A_554 = vector.extract_strided_slice %dot_general3A_14 {offsets = [32, 1408], sizes = [16, 128], strides = [1, 1]} : vector<128x3200xf32> to vector<16x128xf32>
    %add3A_555 = arith.addf %slice3A_553, %slice3A_554 : vector<16x128xf32>
    %swap3A_556 = arith.constant 0 : index
    %swap3A_557 = arith.constant 11520 : index
    %swap3A_558 = vector.load %arg4[%swap3A_556, %swap3A_557] : memref<16x25600xf32, #tpu.memory_space<vmem>>, vector<16x128xf32>
    tpu.vector_store %arg4[%swap3A_556, %swap3A_557], %add3A_555 {strides = array<i32>} : memref<16x25600xf32, #tpu.memory_space<vmem>>, vector<16x128xf32>,
    %slice3A_559 = vector.extract_strided_slice %dot_general3A_5 {offsets = [0, 11648], sizes = [16, 128], strides = [1, 1]} : vector<16x25600xf32> to vector<16x128xf32>
    %slice3A_560 = vector.extract_strided_slice %dot_general3A_14 {offsets = [48, 1408], sizes = [16, 128], strides = [1, 1]} : vector<128x3200xf32> to vector<16x128xf32>
    %add3A_561 = arith.addf %slice3A_559, %slice3A_560 : vector<16x128xf32>
    %swap3A_562 = arith.constant 0 : index
    %swap3A_563 = arith.constant 11648 : index
    %swap3A_564 = vector.load %arg4[%swap3A_562, %swap3A_563] : memref<16x25600xf32, #tpu.memory_space<vmem>>, vector<16x128xf32>
    tpu.vector_store %arg4[%swap3A_562, %swap3A_563], %add3A_561 {strides = array<i32>} : memref<16x25600xf32, #tpu.memory_space<vmem>>, vector<16x128xf32>,
    %slice3A_565 = vector.extract_strided_slice %dot_general3A_5 {offsets = [0, 11776], sizes = [16, 128], strides = [1, 1]} : vector<16x25600xf32> to vector<16x128xf32>
    %slice3A_566 = vector.extract_strided_slice %dot_general3A_14 {offsets = [64, 1408], sizes = [16, 128], strides = [1, 1]} : vector<128x3200xf32> to vector<16x128xf32>
    %add3A_567 = arith.addf %slice3A_565, %slice3A_566 : vector<16x128xf32>
    %swap3A_568 = arith.constant 0 : index
    %swap3A_569 = arith.constant 11776 : index
    %swap3A_570 = vector.load %arg4[%swap3A_568, %swap3A_569] : memref<16x25600xf32, #tpu.memory_space<vmem>>, vector<16x128xf32>
    tpu.vector_store %arg4[%swap3A_568, %swap3A_569], %add3A_567 {strides = array<i32>} : memref<16x25600xf32, #tpu.memory_space<vmem>>, vector<16x128xf32>,
    %slice3A_571 = vector.extract_strided_slice %dot_general3A_5 {offsets = [0, 11904], sizes = [16, 128], strides = [1, 1]} : vector<16x25600xf32> to vector<16x128xf32>
    %slice3A_572 = vector.extract_strided_slice %dot_general3A_14 {offsets = [80, 1408], sizes = [16, 128], strides = [1, 1]} : vector<128x3200xf32> to vector<16x128xf32>
    %add3A_573 = arith.addf %slice3A_571, %slice3A_572 : vector<16x128xf32>
    %swap3A_574 = arith.constant 0 : index
    %swap3A_575 = arith.constant 11904 : index
    %swap3A_576 = vector.load %arg4[%swap3A_574, %swap3A_575] : memref<16x25600xf32, #tpu.memory_space<vmem>>, vector<16x128xf32>
    tpu.vector_store %arg4[%swap3A_574, %swap3A_575], %add3A_573 {strides = array<i32>} : memref<16x25600xf32, #tpu.memory_space<vmem>>, vector<16x128xf32>,
    %slice3A_577 = vector.extract_strided_slice %dot_general3A_5 {offsets = [0, 12032], sizes = [16, 128], strides = [1, 1]} : vector<16x25600xf32> to vector<16x128xf32>
    %slice3A_578 = vector.extract_strided_slice %dot_general3A_14 {offsets = [96, 1408], sizes = [16, 128], strides = [1, 1]} : vector<128x3200xf32> to vector<16x128xf32>
    %add3A_579 = arith.addf %slice3A_577, %slice3A_578 : vector<16x128xf32>
    %swap3A_580 = arith.constant 0 : index
    %swap3A_581 = arith.constant 12032 : index
    %swap3A_582 = vector.load %arg4[%swap3A_580, %swap3A_581] : memref<16x25600xf32, #tpu.memory_space<vmem>>, vector<16x128xf32>
    tpu.vector_store %arg4[%swap3A_580, %swap3A_581], %add3A_579 {strides = array<i32>} : memref<16x25600xf32, #tpu.memory_space<vmem>>, vector<16x128xf32>,
    %slice3A_583 = vector.extract_strided_slice %dot_general3A_5 {offsets = [0, 12160], sizes = [16, 128], strides = [1, 1]} : vector<16x25600xf32> to vector<16x128xf32>
    %slice3A_584 = vector.extract_strided_slice %dot_general3A_14 {offsets = [112, 1408], sizes = [16, 128], strides = [1, 1]} : vector<128x3200xf32> to vector<16x128xf32>
    %add3A_585 = arith.addf %slice3A_583, %slice3A_584 : vector<16x128xf32>
    %swap3A_586 = arith.constant 0 : index
    %swap3A_587 = arith.constant 12160 : index
    %swap3A_588 = vector.load %arg4[%swap3A_586, %swap3A_587] : memref<16x25600xf32, #tpu.memory_space<vmem>>, vector<16x128xf32>
    tpu.vector_store %arg4[%swap3A_586, %swap3A_587], %add3A_585 {strides = array<i32>} : memref<16x25600xf32, #tpu.memory_space<vmem>>, vector<16x128xf32>,
    %slice3A_589 = vector.extract_strided_slice %dot_general3A_5 {offsets = [0, 12288], sizes = [16, 128], strides = [1, 1]} : vector<16x25600xf32> to vector<16x128xf32>
    %slice3A_590 = vector.extract_strided_slice %dot_general3A_14 {offsets = [0, 1536], sizes = [16, 128], strides = [1, 1]} : vector<128x3200xf32> to vector<16x128xf32>
    %add3A_591 = arith.addf %slice3A_589, %slice3A_590 : vector<16x128xf32>
    %swap3A_592 = arith.constant 0 : index
    %swap3A_593 = arith.constant 12288 : index
    %swap3A_594 = vector.load %arg4[%swap3A_592, %swap3A_593] : memref<16x25600xf32, #tpu.memory_space<vmem>>, vector<16x128xf32>
    tpu.vector_store %arg4[%swap3A_592, %swap3A_593], %add3A_591 {strides = array<i32>} : memref<16x25600xf32, #tpu.memory_space<vmem>>, vector<16x128xf32>,
    %slice3A_595 = vector.extract_strided_slice %dot_general3A_5 {offsets = [0, 12416], sizes = [16, 128], strides = [1, 1]} : vector<16x25600xf32> to vector<16x128xf32>
    %slice3A_596 = vector.extract_strided_slice %dot_general3A_14 {offsets = [16, 1536], sizes = [16, 128], strides = [1, 1]} : vector<128x3200xf32> to vector<16x128xf32>
    %add3A_597 = arith.addf %slice3A_595, %slice3A_596 : vector<16x128xf32>
    %swap3A_598 = arith.constant 0 : index
    %swap3A_599 = arith.constant 12416 : index
    %swap3A_600 = vector.load %arg4[%swap3A_598, %swap3A_599] : memref<16x25600xf32, #tpu.memory_space<vmem>>, vector<16x128xf32>
    tpu.vector_store %arg4[%swap3A_598, %swap3A_599], %add3A_597 {strides = array<i32>} : memref<16x25600xf32, #tpu.memory_space<vmem>>, vector<16x128xf32>,
    %slice3A_601 = vector.extract_strided_slice %dot_general3A_5 {offsets = [0, 12544], sizes = [16, 128], strides = [1, 1]} : vector<16x25600xf32> to vector<16x128xf32>
    %slice3A_602 = vector.extract_strided_slice %dot_general3A_14 {offsets = [32, 1536], sizes = [16, 128], strides = [1, 1]} : vector<128x3200xf32> to vector<16x128xf32>
    %add3A_603 = arith.addf %slice3A_601, %slice3A_602 : vector<16x128xf32>
    %swap3A_604 = arith.constant 0 : index
    %swap3A_605 = arith.constant 12544 : index
    %swap3A_606 = vector.load %arg4[%swap3A_604, %swap3A_605] : memref<16x25600xf32, #tpu.memory_space<vmem>>, vector<16x128xf32>
    tpu.vector_store %arg4[%swap3A_604, %swap3A_605], %add3A_603 {strides = array<i32>} : memref<16x25600xf32, #tpu.memory_space<vmem>>, vector<16x128xf32>,
    %slice3A_607 = vector.extract_strided_slice %dot_general3A_5 {offsets = [0, 12672], sizes = [16, 128], strides = [1, 1]} : vector<16x25600xf32> to vector<16x128xf32>
    %slice3A_608 = vector.extract_strided_slice %dot_general3A_14 {offsets = [48, 1536], sizes = [16, 128], strides = [1, 1]} : vector<128x3200xf32> to vector<16x128xf32>
    %add3A_609 = arith.addf %slice3A_607, %slice3A_608 : vector<16x128xf32>
    %swap3A_610 = arith.constant 0 : index
    %swap3A_611 = arith.constant 12672 : index
    %swap3A_612 = vector.load %arg4[%swap3A_610, %swap3A_611] : memref<16x25600xf32, #tpu.memory_space<vmem>>, vector<16x128xf32>
    tpu.vector_store %arg4[%swap3A_610, %swap3A_611], %add3A_609 {strides = array<i32>} : memref<16x25600xf32, #tpu.memory_space<vmem>>, vector<16x128xf32>,
    %slice3A_613 = vector.extract_strided_slice %dot_general3A_5 {offsets = [0, 12800], sizes = [16, 128], strides = [1, 1]} : vector<16x25600xf32> to vector<16x128xf32>
    %slice3A_614 = vector.extract_strided_slice %dot_general3A_14 {offsets = [64, 1536], sizes = [16, 128], strides = [1, 1]} : vector<128x3200xf32> to vector<16x128xf32>
    %add3A_615 = arith.addf %slice3A_613, %slice3A_614 : vector<16x128xf32>
    %swap3A_616 = arith.constant 0 : index
    %swap3A_617 = arith.constant 12800 : index
    %swap3A_618 = vector.load %arg4[%swap3A_616, %swap3A_617] : memref<16x25600xf32, #tpu.memory_space<vmem>>, vector<16x128xf32>
    tpu.vector_store %arg4[%swap3A_616, %swap3A_617], %add3A_615 {strides = array<i32>} : memref<16x25600xf32, #tpu.memory_space<vmem>>, vector<16x128xf32>,
    %slice3A_619 = vector.extract_strided_slice %dot_general3A_5 {offsets = [0, 12928], sizes = [16, 128], strides = [1, 1]} : vector<16x25600xf32> to vector<16x128xf32>
    %slice3A_620 = vector.extract_strided_slice %dot_general3A_14 {offsets = [80, 1536], sizes = [16, 128], strides = [1, 1]} : vector<128x3200xf32> to vector<16x128xf32>
    %add3A_621 = arith.addf %slice3A_619, %slice3A_620 : vector<16x128xf32>
    %swap3A_622 = arith.constant 0 : index
    %swap3A_623 = arith.constant 12928 : index
    %swap3A_624 = vector.load %arg4[%swap3A_622, %swap3A_623] : memref<16x25600xf32, #tpu.memory_space<vmem>>, vector<16x128xf32>
    tpu.vector_store %arg4[%swap3A_622, %swap3A_623], %add3A_621 {strides = array<i32>} : memref<16x25600xf32, #tpu.memory_space<vmem>>, vector<16x128xf32>,
    %slice3A_625 = vector.extract_strided_slice %dot_general3A_5 {offsets = [0, 13056], sizes = [16, 128], strides = [1, 1]} : vector<16x25600xf32> to vector<16x128xf32>
    %slice3A_626 = vector.extract_strided_slice %dot_general3A_14 {offsets = [96, 1536], sizes = [16, 128], strides = [1, 1]} : vector<128x3200xf32> to vector<16x128xf32>
    %add3A_627 = arith.addf %slice3A_625, %slice3A_626 : vector<16x128xf32>
    %swap3A_628 = arith.constant 0 : index
    %swap3A_629 = arith.constant 13056 : index
    %swap3A_630 = vector.load %arg4[%swap3A_628, %swap3A_629] : memref<16x25600xf32, #tpu.memory_space<vmem>>, vector<16x128xf32>
    tpu.vector_store %arg4[%swap3A_628, %swap3A_629], %add3A_627 {strides = array<i32>} : memref<16x25600xf32, #tpu.memory_space<vmem>>, vector<16x128xf32>,
    %slice3A_631 = vector.extract_strided_slice %dot_general3A_5 {offsets = [0, 13184], sizes = [16, 128], strides = [1, 1]} : vector<16x25600xf32> to vector<16x128xf32>
    %slice3A_632 = vector.extract_strided_slice %dot_general3A_14 {offsets = [112, 1536], sizes = [16, 128], strides = [1, 1]} : vector<128x3200xf32> to vector<16x128xf32>
    %add3A_633 = arith.addf %slice3A_631, %slice3A_632 : vector<16x128xf32>
    %swap3A_634 = arith.constant 0 : index
    %swap3A_635 = arith.constant 13184 : index
    %swap3A_636 = vector.load %arg4[%swap3A_634, %swap3A_635] : memref<16x25600xf32, #tpu.memory_space<vmem>>, vector<16x128xf32>
    tpu.vector_store %arg4[%swap3A_634, %swap3A_635], %add3A_633 {strides = array<i32>} : memref<16x25600xf32, #tpu.memory_space<vmem>>, vector<16x128xf32>,
    %slice3A_637 = vector.extract_strided_slice %dot_general3A_5 {offsets = [0, 13312], sizes = [16, 128], strides = [1, 1]} : vector<16x25600xf32> to vector<16x128xf32>
    %slice3A_638 = vector.extract_strided_slice %dot_general3A_14 {offsets = [0, 1664], sizes = [16, 128], strides = [1, 1]} : vector<128x3200xf32> to vector<16x128xf32>
    %add3A_639 = arith.addf %slice3A_637, %slice3A_638 : vector<16x128xf32>
    %swap3A_640 = arith.constant 0 : index
    %swap3A_641 = arith.constant 13312 : index
    %swap3A_642 = vector.load %arg4[%swap3A_640, %swap3A_641] : memref<16x25600xf32, #tpu.memory_space<vmem>>, vector<16x128xf32>
    tpu.vector_store %arg4[%swap3A_640, %swap3A_641], %add3A_639 {strides = array<i32>} : memref<16x25600xf32, #tpu.memory_space<vmem>>, vector<16x128xf32>,
    %slice3A_643 = vector.extract_strided_slice %dot_general3A_5 {offsets = [0, 13440], sizes = [16, 128], strides = [1, 1]} : vector<16x25600xf32> to vector<16x128xf32>
    %slice3A_644 = vector.extract_strided_slice %dot_general3A_14 {offsets = [16, 1664], sizes = [16, 128], strides = [1, 1]} : vector<128x3200xf32> to vector<16x128xf32>
    %add3A_645 = arith.addf %slice3A_643, %slice3A_644 : vector<16x128xf32>
    %swap3A_646 = arith.constant 0 : index
    %swap3A_647 = arith.constant 13440 : index
    %swap3A_648 = vector.load %arg4[%swap3A_646, %swap3A_647] : memref<16x25600xf32, #tpu.memory_space<vmem>>, vector<16x128xf32>
    tpu.vector_store %arg4[%swap3A_646, %swap3A_647], %add3A_645 {strides = array<i32>} : memref<16x25600xf32, #tpu.memory_space<vmem>>, vector<16x128xf32>,
    %slice3A_649 = vector.extract_strided_slice %dot_general3A_5 {offsets = [0, 13568], sizes = [16, 128], strides = [1, 1]} : vector<16x25600xf32> to vector<16x128xf32>
    %slice3A_650 = vector.extract_strided_slice %dot_general3A_14 {offsets = [32, 1664], sizes = [16, 128], strides = [1, 1]} : vector<128x3200xf32> to vector<16x128xf32>
    %add3A_651 = arith.addf %slice3A_649, %slice3A_650 : vector<16x128xf32>
    %swap3A_652 = arith.constant 0 : index
    %swap3A_653 = arith.constant 13568 : index
    %swap3A_654 = vector.load %arg4[%swap3A_652, %swap3A_653] : memref<16x25600xf32, #tpu.memory_space<vmem>>, vector<16x128xf32>
    tpu.vector_store %arg4[%swap3A_652, %swap3A_653], %add3A_651 {strides = array<i32>} : memref<16x25600xf32, #tpu.memory_space<vmem>>, vector<16x128xf32>,
    %slice3A_655 = vector.extract_strided_slice %dot_general3A_5 {offsets = [0, 13696], sizes = [16, 128], strides = [1, 1]} : vector<16x25600xf32> to vector<16x128xf32>
    %slice3A_656 = vector.extract_strided_slice %dot_general3A_14 {offsets = [48, 1664], sizes = [16, 128], strides = [1, 1]} : vector<128x3200xf32> to vector<16x128xf32>
    %add3A_657 = arith.addf %slice3A_655, %slice3A_656 : vector<16x128xf32>
    %swap3A_658 = arith.constant 0 : index
    %swap3A_659 = arith.constant 13696 : index
    %swap3A_660 = vector.load %arg4[%swap3A_658, %swap3A_659] : memref<16x25600xf32, #tpu.memory_space<vmem>>, vector<16x128xf32>
    tpu.vector_store %arg4[%swap3A_658, %swap3A_659], %add3A_657 {strides = array<i32>} : memref<16x25600xf32, #tpu.memory_space<vmem>>, vector<16x128xf32>,
    %slice3A_661 = vector.extract_strided_slice %dot_general3A_5 {offsets = [0, 13824], sizes = [16, 128], strides = [1, 1]} : vector<16x25600xf32> to vector<16x128xf32>
    %slice3A_662 = vector.extract_strided_slice %dot_general3A_14 {offsets = [64, 1664], sizes = [16, 128], strides = [1, 1]} : vector<128x3200xf32> to vector<16x128xf32>
    %add3A_663 = arith.addf %slice3A_661, %slice3A_662 : vector<16x128xf32>
    %swap3A_664 = arith.constant 0 : index
    %swap3A_665 = arith.constant 13824 : index
    %swap3A_666 = vector.load %arg4[%swap3A_664, %swap3A_665] : memref<16x25600xf32, #tpu.memory_space<vmem>>, vector<16x128xf32>
    tpu.vector_store %arg4[%swap3A_664, %swap3A_665], %add3A_663 {strides = array<i32>} : memref<16x25600xf32, #tpu.memory_space<vmem>>, vector<16x128xf32>,
    %slice3A_667 = vector.extract_strided_slice %dot_general3A_5 {offsets = [0, 13952], sizes = [16, 128], strides = [1, 1]} : vector<16x25600xf32> to vector<16x128xf32>
    %slice3A_668 = vector.extract_strided_slice %dot_general3A_14 {offsets = [80, 1664], sizes = [16, 128], strides = [1, 1]} : vector<128x3200xf32> to vector<16x128xf32>
    %add3A_669 = arith.addf %slice3A_667, %slice3A_668 : vector<16x128xf32>
    %swap3A_670 = arith.constant 0 : index
    %swap3A_671 = arith.constant 13952 : index
    %swap3A_672 = vector.load %arg4[%swap3A_670, %swap3A_671] : memref<16x25600xf32, #tpu.memory_space<vmem>>, vector<16x128xf32>
    tpu.vector_store %arg4[%swap3A_670, %swap3A_671], %add3A_669 {strides = array<i32>} : memref<16x25600xf32, #tpu.memory_space<vmem>>, vector<16x128xf32>,
    %slice3A_673 = vector.extract_strided_slice %dot_general3A_5 {offsets = [0, 14080], sizes = [16, 128], strides = [1, 1]} : vector<16x25600xf32> to vector<16x128xf32>
    %slice3A_674 = vector.extract_strided_slice %dot_general3A_14 {offsets = [96, 1664], sizes = [16, 128], strides = [1, 1]} : vector<128x3200xf32> to vector<16x128xf32>
    %add3A_675 = arith.addf %slice3A_673, %slice3A_674 : vector<16x128xf32>
    %swap3A_676 = arith.constant 0 : index
    %swap3A_677 = arith.constant 14080 : index
    %swap3A_678 = vector.load %arg4[%swap3A_676, %swap3A_677] : memref<16x25600xf32, #tpu.memory_space<vmem>>, vector<16x128xf32>
    tpu.vector_store %arg4[%swap3A_676, %swap3A_677], %add3A_675 {strides = array<i32>} : memref<16x25600xf32, #tpu.memory_space<vmem>>, vector<16x128xf32>,
    %slice3A_679 = vector.extract_strided_slice %dot_general3A_5 {offsets = [0, 14208], sizes = [16, 128], strides = [1, 1]} : vector<16x25600xf32> to vector<16x128xf32>
    %slice3A_680 = vector.extract_strided_slice %dot_general3A_14 {offsets = [112, 1664], sizes = [16, 128], strides = [1, 1]} : vector<128x3200xf32> to vector<16x128xf32>
    %add3A_681 = arith.addf %slice3A_679, %slice3A_680 : vector<16x128xf32>
    %swap3A_682 = arith.constant 0 : index
    %swap3A_683 = arith.constant 14208 : index
    %swap3A_684 = vector.load %arg4[%swap3A_682, %swap3A_683] : memref<16x25600xf32, #tpu.memory_space<vmem>>, vector<16x128xf32>
    tpu.vector_store %arg4[%swap3A_682, %swap3A_683], %add3A_681 {strides = array<i32>} : memref<16x25600xf32, #tpu.memory_space<vmem>>, vector<16x128xf32>,
    %slice3A_685 = vector.extract_strided_slice %dot_general3A_5 {offsets = [0, 14336], sizes = [16, 128], strides = [1, 1]} : vector<16x25600xf32> to vector<16x128xf32>
    %slice3A_686 = vector.extract_strided_slice %dot_general3A_14 {offsets = [0, 1792], sizes = [16, 128], strides = [1, 1]} : vector<128x3200xf32> to vector<16x128xf32>
    %add3A_687 = arith.addf %slice3A_685, %slice3A_686 : vector<16x128xf32>
    %swap3A_688 = arith.constant 0 : index
    %swap3A_689 = arith.constant 14336 : index
    %swap3A_690 = vector.load %arg4[%swap3A_688, %swap3A_689] : memref<16x25600xf32, #tpu.memory_space<vmem>>, vector<16x128xf32>
    tpu.vector_store %arg4[%swap3A_688, %swap3A_689], %add3A_687 {strides = array<i32>} : memref<16x25600xf32, #tpu.memory_space<vmem>>, vector<16x128xf32>,
    %slice3A_691 = vector.extract_strided_slice %dot_general3A_5 {offsets = [0, 14464], sizes = [16, 128], strides = [1, 1]} : vector<16x25600xf32> to vector<16x128xf32>
    %slice3A_692 = vector.extract_strided_slice %dot_general3A_14 {offsets = [16, 1792], sizes = [16, 128], strides = [1, 1]} : vector<128x3200xf32> to vector<16x128xf32>
    %add3A_693 = arith.addf %slice3A_691, %slice3A_692 : vector<16x128xf32>
    %swap3A_694 = arith.constant 0 : index
    %swap3A_695 = arith.constant 14464 : index
    %swap3A_696 = vector.load %arg4[%swap3A_694, %swap3A_695] : memref<16x25600xf32, #tpu.memory_space<vmem>>, vector<16x128xf32>
    tpu.vector_store %arg4[%swap3A_694, %swap3A_695], %add3A_693 {strides = array<i32>} : memref<16x25600xf32, #tpu.memory_space<vmem>>, vector<16x128xf32>,
    %slice3A_697 = vector.extract_strided_slice %dot_general3A_5 {offsets = [0, 14592], sizes = [16, 128], strides = [1, 1]} : vector<16x25600xf32> to vector<16x128xf32>
    %slice3A_698 = vector.extract_strided_slice %dot_general3A_14 {offsets = [32, 1792], sizes = [16, 128], strides = [1, 1]} : vector<128x3200xf32> to vector<16x128xf32>
    %add3A_699 = arith.addf %slice3A_697, %slice3A_698 : vector<16x128xf32>
    %swap3A_700 = arith.constant 0 : index
    %swap3A_701 = arith.constant 14592 : index
    %swap3A_702 = vector.load %arg4[%swap3A_700, %swap3A_701] : memref<16x25600xf32, #tpu.memory_space<vmem>>, vector<16x128xf32>
    tpu.vector_store %arg4[%swap3A_700, %swap3A_701], %add3A_699 {strides = array<i32>} : memref<16x25600xf32, #tpu.memory_space<vmem>>, vector<16x128xf32>,
    %slice3A_703 = vector.extract_strided_slice %dot_general3A_5 {offsets = [0, 14720], sizes = [16, 128], strides = [1, 1]} : vector<16x25600xf32> to vector<16x128xf32>
    %slice3A_704 = vector.extract_strided_slice %dot_general3A_14 {offsets = [48, 1792], sizes = [16, 128], strides = [1, 1]} : vector<128x3200xf32> to vector<16x128xf32>
    %add3A_705 = arith.addf %slice3A_703, %slice3A_704 : vector<16x128xf32>
    %swap3A_706 = arith.constant 0 : index
    %swap3A_707 = arith.constant 14720 : index
    %swap3A_708 = vector.load %arg4[%swap3A_706, %swap3A_707] : memref<16x25600xf32, #tpu.memory_space<vmem>>, vector<16x128xf32>
    tpu.vector_store %arg4[%swap3A_706, %swap3A_707], %add3A_705 {strides = array<i32>} : memref<16x25600xf32, #tpu.memory_space<vmem>>, vector<16x128xf32>,
    %slice3A_709 = vector.extract_strided_slice %dot_general3A_5 {offsets = [0, 14848], sizes = [16, 128], strides = [1, 1]} : vector<16x25600xf32> to vector<16x128xf32>
    %slice3A_710 = vector.extract_strided_slice %dot_general3A_14 {offsets = [64, 1792], sizes = [16, 128], strides = [1, 1]} : vector<128x3200xf32> to vector<16x128xf32>
    %add3A_711 = arith.addf %slice3A_709, %slice3A_710 : vector<16x128xf32>
    %swap3A_712 = arith.constant 0 : index
    %swap3A_713 = arith.constant 14848 : index
    %swap3A_714 = vector.load %arg4[%swap3A_712, %swap3A_713] : memref<16x25600xf32, #tpu.memory_space<vmem>>, vector<16x128xf32>
    tpu.vector_store %arg4[%swap3A_712, %swap3A_713], %add3A_711 {strides = array<i32>} : memref<16x25600xf32, #tpu.memory_space<vmem>>, vector<16x128xf32>,
    %slice3A_715 = vector.extract_strided_slice %dot_general3A_5 {offsets = [0, 14976], sizes = [16, 128], strides = [1, 1]} : vector<16x25600xf32> to vector<16x128xf32>
    %slice3A_716 = vector.extract_strided_slice %dot_general3A_14 {offsets = [80, 1792], sizes = [16, 128], strides = [1, 1]} : vector<128x3200xf32> to vector<16x128xf32>
    %add3A_717 = arith.addf %slice3A_715, %slice3A_716 : vector<16x128xf32>
    %swap3A_718 = arith.constant 0 : index
    %swap3A_719 = arith.constant 14976 : index
    %swap3A_720 = vector.load %arg4[%swap3A_718, %swap3A_719] : memref<16x25600xf32, #tpu.memory_space<vmem>>, vector<16x128xf32>
    tpu.vector_store %arg4[%swap3A_718, %swap3A_719], %add3A_717 {strides = array<i32>} : memref<16x25600xf32, #tpu.memory_space<vmem>>, vector<16x128xf32>,
    %slice3A_721 = vector.extract_strided_slice %dot_general3A_5 {offsets = [0, 15104], sizes = [16, 128], strides = [1, 1]} : vector<16x25600xf32> to vector<16x128xf32>
    %slice3A_722 = vector.extract_strided_slice %dot_general3A_14 {offsets = [96, 1792], sizes = [16, 128], strides = [1, 1]} : vector<128x3200xf32> to vector<16x128xf32>
    %add3A_723 = arith.addf %slice3A_721, %slice3A_722 : vector<16x128xf32>
    %swap3A_724 = arith.constant 0 : index
    %swap3A_725 = arith.constant 15104 : index
    %swap3A_726 = vector.load %arg4[%swap3A_724, %swap3A_725] : memref<16x25600xf32, #tpu.memory_space<vmem>>, vector<16x128xf32>
    tpu.vector_store %arg4[%swap3A_724, %swap3A_725], %add3A_723 {strides = array<i32>} : memref<16x25600xf32, #tpu.memory_space<vmem>>, vector<16x128xf32>,
    %slice3A_727 = vector.extract_strided_slice %dot_general3A_5 {offsets = [0, 15232], sizes = [16, 128], strides = [1, 1]} : vector<16x25600xf32> to vector<16x128xf32>
    %slice3A_728 = vector.extract_strided_slice %dot_general3A_14 {offsets = [112, 1792], sizes = [16, 128], strides = [1, 1]} : vector<128x3200xf32> to vector<16x128xf32>
    %add3A_729 = arith.addf %slice3A_727, %slice3A_728 : vector<16x128xf32>
    %swap3A_730 = arith.constant 0 : index
    %swap3A_731 = arith.constant 15232 : index
    %swap3A_732 = vector.load %arg4[%swap3A_730, %swap3A_731] : memref<16x25600xf32, #tpu.memory_space<vmem>>, vector<16x128xf32>
    tpu.vector_store %arg4[%swap3A_730, %swap3A_731], %add3A_729 {strides = array<i32>} : memref<16x25600xf32, #tpu.memory_space<vmem>>, vector<16x128xf32>,
    %slice3A_733 = vector.extract_strided_slice %dot_general3A_5 {offsets = [0, 15360], sizes = [16, 128], strides = [1, 1]} : vector<16x25600xf32> to vector<16x128xf32>
    %slice3A_734 = vector.extract_strided_slice %dot_general3A_14 {offsets = [0, 1920], sizes = [16, 128], strides = [1, 1]} : vector<128x3200xf32> to vector<16x128xf32>
    %add3A_735 = arith.addf %slice3A_733, %slice3A_734 : vector<16x128xf32>
    %swap3A_736 = arith.constant 0 : index
    %swap3A_737 = arith.constant 15360 : index
    %swap3A_738 = vector.load %arg4[%swap3A_736, %swap3A_737] : memref<16x25600xf32, #tpu.memory_space<vmem>>, vector<16x128xf32>
    tpu.vector_store %arg4[%swap3A_736, %swap3A_737], %add3A_735 {strides = array<i32>} : memref<16x25600xf32, #tpu.memory_space<vmem>>, vector<16x128xf32>,
    %slice3A_739 = vector.extract_strided_slice %dot_general3A_5 {offsets = [0, 15488], sizes = [16, 128], strides = [1, 1]} : vector<16x25600xf32> to vector<16x128xf32>
    %slice3A_740 = vector.extract_strided_slice %dot_general3A_14 {offsets = [16, 1920], sizes = [16, 128], strides = [1, 1]} : vector<128x3200xf32> to vector<16x128xf32>
    %add3A_741 = arith.addf %slice3A_739, %slice3A_740 : vector<16x128xf32>
    %swap3A_742 = arith.constant 0 : index
    %swap3A_743 = arith.constant 15488 : index
    %swap3A_744 = vector.load %arg4[%swap3A_742, %swap3A_743] : memref<16x25600xf32, #tpu.memory_space<vmem>>, vector<16x128xf32>
    tpu.vector_store %arg4[%swap3A_742, %swap3A_743], %add3A_741 {strides = array<i32>} : memref<16x25600xf32, #tpu.memory_space<vmem>>, vector<16x128xf32>,
    %slice3A_745 = vector.extract_strided_slice %dot_general3A_5 {offsets = [0, 15616], sizes = [16, 128], strides = [1, 1]} : vector<16x25600xf32> to vector<16x128xf32>
    %slice3A_746 = vector.extract_strided_slice %dot_general3A_14 {offsets = [32, 1920], sizes = [16, 128], strides = [1, 1]} : vector<128x3200xf32> to vector<16x128xf32>
    %add3A_747 = arith.addf %slice3A_745, %slice3A_746 : vector<16x128xf32>
    %swap3A_748 = arith.constant 0 : index
    %swap3A_749 = arith.constant 15616 : index
    %swap3A_750 = vector.load %arg4[%swap3A_748, %swap3A_749] : memref<16x25600xf32, #tpu.memory_space<vmem>>, vector<16x128xf32>
    tpu.vector_store %arg4[%swap3A_748, %swap3A_749], %add3A_747 {strides = array<i32>} : memref<16x25600xf32, #tpu.memory_space<vmem>>, vector<16x128xf32>,
    %slice3A_751 = vector.extract_strided_slice %dot_general3A_5 {offsets = [0, 15744], sizes = [16, 128], strides = [1, 1]} : vector<16x25600xf32> to vector<16x128xf32>
    %slice3A_752 = vector.extract_strided_slice %dot_general3A_14 {offsets = [48, 1920], sizes = [16, 128], strides = [1, 1]} : vector<128x3200xf32> to vector<16x128xf32>
    %add3A_753 = arith.addf %slice3A_751, %slice3A_752 : vector<16x128xf32>
    %swap3A_754 = arith.constant 0 : index
    %swap3A_755 = arith.constant 15744 : index
    %swap3A_756 = vector.load %arg4[%swap3A_754, %swap3A_755] : memref<16x25600xf32, #tpu.memory_space<vmem>>, vector<16x128xf32>
    tpu.vector_store %arg4[%swap3A_754, %swap3A_755], %add3A_753 {strides = array<i32>} : memref<16x25600xf32, #tpu.memory_space<vmem>>, vector<16x128xf32>,
    %slice3A_757 = vector.extract_strided_slice %dot_general3A_5 {offsets = [0, 15872], sizes = [16, 128], strides = [1, 1]} : vector<16x25600xf32> to vector<16x128xf32>
    %slice3A_758 = vector.extract_strided_slice %dot_general3A_14 {offsets = [64, 1920], sizes = [16, 128], strides = [1, 1]} : vector<128x3200xf32> to vector<16x128xf32>
    %add3A_759 = arith.addf %slice3A_757, %slice3A_758 : vector<16x128xf32>
    %swap3A_760 = arith.constant 0 : index
    %swap3A_761 = arith.constant 15872 : index
    %swap3A_762 = vector.load %arg4[%swap3A_760, %swap3A_761] : memref<16x25600xf32, #tpu.memory_space<vmem>>, vector<16x128xf32>
    tpu.vector_store %arg4[%swap3A_760, %swap3A_761], %add3A_759 {strides = array<i32>} : memref<16x25600xf32, #tpu.memory_space<vmem>>, vector<16x128xf32>,
    %slice3A_763 = vector.extract_strided_slice %dot_general3A_5 {offsets = [0, 16000], sizes = [16, 128], strides = [1, 1]} : vector<16x25600xf32> to vector<16x128xf32>
    %slice3A_764 = vector.extract_strided_slice %dot_general3A_14 {offsets = [80, 1920], sizes = [16, 128], strides = [1, 1]} : vector<128x3200xf32> to vector<16x128xf32>
    %add3A_765 = arith.addf %slice3A_763, %slice3A_764 : vector<16x128xf32>
    %swap3A_766 = arith.constant 0 : index
    %swap3A_767 = arith.constant 16000 : index
    %swap3A_768 = vector.load %arg4[%swap3A_766, %swap3A_767] : memref<16x25600xf32, #tpu.memory_space<vmem>>, vector<16x128xf32>
    tpu.vector_store %arg4[%swap3A_766, %swap3A_767], %add3A_765 {strides = array<i32>} : memref<16x25600xf32, #tpu.memory_space<vmem>>, vector<16x128xf32>,
    %slice3A_769 = vector.extract_strided_slice %dot_general3A_5 {offsets = [0, 16128], sizes = [16, 128], strides = [1, 1]} : vector<16x25600xf32> to vector<16x128xf32>
    %slice3A_770 = vector.extract_strided_slice %dot_general3A_14 {offsets = [96, 1920], sizes = [16, 128], strides = [1, 1]} : vector<128x3200xf32> to vector<16x128xf32>
    %add3A_771 = arith.addf %slice3A_769, %slice3A_770 : vector<16x128xf32>
    %swap3A_772 = arith.constant 0 : index
    %swap3A_773 = arith.constant 16128 : index
    %swap3A_774 = vector.load %arg4[%swap3A_772, %swap3A_773] : memref<16x25600xf32, #tpu.memory_space<vmem>>, vector<16x128xf32>
    tpu.vector_store %arg4[%swap3A_772, %swap3A_773], %add3A_771 {strides = array<i32>} : memref<16x25600xf32, #tpu.memory_space<vmem>>, vector<16x128xf32>,
    %slice3A_775 = vector.extract_strided_slice %dot_general3A_5 {offsets = [0, 16256], sizes = [16, 128], strides = [1, 1]} : vector<16x25600xf32> to vector<16x128xf32>
    %slice3A_776 = vector.extract_strided_slice %dot_general3A_14 {offsets = [112, 1920], sizes = [16, 128], strides = [1, 1]} : vector<128x3200xf32> to vector<16x128xf32>
    %add3A_777 = arith.addf %slice3A_775, %slice3A_776 : vector<16x128xf32>
    %swap3A_778 = arith.constant 0 : index
    %swap3A_779 = arith.constant 16256 : index
    %swap3A_780 = vector.load %arg4[%swap3A_778, %swap3A_779] : memref<16x25600xf32, #tpu.memory_space<vmem>>, vector<16x128xf32>
    tpu.vector_store %arg4[%swap3A_778, %swap3A_779], %add3A_777 {strides = array<i32>} : memref<16x25600xf32, #tpu.memory_space<vmem>>, vector<16x128xf32>,
    %slice3A_781 = vector.extract_strided_slice %dot_general3A_5 {offsets = [0, 16384], sizes = [16, 128], strides = [1, 1]} : vector<16x25600xf32> to vector<16x128xf32>
    %slice3A_782 = vector.extract_strided_slice %dot_general3A_14 {offsets = [0, 2048], sizes = [16, 128], strides = [1, 1]} : vector<128x3200xf32> to vector<16x128xf32>
    %add3A_783 = arith.addf %slice3A_781, %slice3A_782 : vector<16x128xf32>
    %swap3A_784 = arith.constant 0 : index
    %swap3A_785 = arith.constant 16384 : index
    %swap3A_786 = vector.load %arg4[%swap3A_784, %swap3A_785] : memref<16x25600xf32, #tpu.memory_space<vmem>>, vector<16x128xf32>
    tpu.vector_store %arg4[%swap3A_784, %swap3A_785], %add3A_783 {strides = array<i32>} : memref<16x25600xf32, #tpu.memory_space<vmem>>, vector<16x128xf32>,
    %slice3A_787 = vector.extract_strided_slice %dot_general3A_5 {offsets = [0, 16512], sizes = [16, 128], strides = [1, 1]} : vector<16x25600xf32> to vector<16x128xf32>
    %slice3A_788 = vector.extract_strided_slice %dot_general3A_14 {offsets = [16, 2048], sizes = [16, 128], strides = [1, 1]} : vector<128x3200xf32> to vector<16x128xf32>
    %add3A_789 = arith.addf %slice3A_787, %slice3A_788 : vector<16x128xf32>
    %swap3A_790 = arith.constant 0 : index
    %swap3A_791 = arith.constant 16512 : index
    %swap3A_792 = vector.load %arg4[%swap3A_790, %swap3A_791] : memref<16x25600xf32, #tpu.memory_space<vmem>>, vector<16x128xf32>
    tpu.vector_store %arg4[%swap3A_790, %swap3A_791], %add3A_789 {strides = array<i32>} : memref<16x25600xf32, #tpu.memory_space<vmem>>, vector<16x128xf32>,
    %slice3A_793 = vector.extract_strided_slice %dot_general3A_5 {offsets = [0, 16640], sizes = [16, 128], strides = [1, 1]} : vector<16x25600xf32> to vector<16x128xf32>
    %slice3A_794 = vector.extract_strided_slice %dot_general3A_14 {offsets = [32, 2048], sizes = [16, 128], strides = [1, 1]} : vector<128x3200xf32> to vector<16x128xf32>
    %add3A_795 = arith.addf %slice3A_793, %slice3A_794 : vector<16x128xf32>
    %swap3A_796 = arith.constant 0 : index
    %swap3A_797 = arith.constant 16640 : index
    %swap3A_798 = vector.load %arg4[%swap3A_796, %swap3A_797] : memref<16x25600xf32, #tpu.memory_space<vmem>>, vector<16x128xf32>
    tpu.vector_store %arg4[%swap3A_796, %swap3A_797], %add3A_795 {strides = array<i32>} : memref<16x25600xf32, #tpu.memory_space<vmem>>, vector<16x128xf32>,
    %slice3A_799 = vector.extract_strided_slice %dot_general3A_5 {offsets = [0, 16768], sizes = [16, 128], strides = [1, 1]} : vector<16x25600xf32> to vector<16x128xf32>
    %slice3A_800 = vector.extract_strided_slice %dot_general3A_14 {offsets = [48, 2048], sizes = [16, 128], strides = [1, 1]} : vector<128x3200xf32> to vector<16x128xf32>
    %add3A_801 = arith.addf %slice3A_799, %slice3A_800 : vector<16x128xf32>
    %swap3A_802 = arith.constant 0 : index
    %swap3A_803 = arith.constant 16768 : index
    %swap3A_804 = vector.load %arg4[%swap3A_802, %swap3A_803] : memref<16x25600xf32, #tpu.memory_space<vmem>>, vector<16x128xf32>
    tpu.vector_store %arg4[%swap3A_802, %swap3A_803], %add3A_801 {strides = array<i32>} : memref<16x25600xf32, #tpu.memory_space<vmem>>, vector<16x128xf32>,
    %slice3A_805 = vector.extract_strided_slice %dot_general3A_5 {offsets = [0, 16896], sizes = [16, 128], strides = [1, 1]} : vector<16x25600xf32> to vector<16x128xf32>
    %slice3A_806 = vector.extract_strided_slice %dot_general3A_14 {offsets = [64, 2048], sizes = [16, 128], strides = [1, 1]} : vector<128x3200xf32> to vector<16x128xf32>
    %add3A_807 = arith.addf %slice3A_805, %slice3A_806 : vector<16x128xf32>
    %swap3A_808 = arith.constant 0 : index
    %swap3A_809 = arith.constant 16896 : index
    %swap3A_810 = vector.load %arg4[%swap3A_808, %swap3A_809] : memref<16x25600xf32, #tpu.memory_space<vmem>>, vector<16x128xf32>
    tpu.vector_store %arg4[%swap3A_808, %swap3A_809], %add3A_807 {strides = array<i32>} : memref<16x25600xf32, #tpu.memory_space<vmem>>, vector<16x128xf32>,
    %slice3A_811 = vector.extract_strided_slice %dot_general3A_5 {offsets = [0, 17024], sizes = [16, 128], strides = [1, 1]} : vector<16x25600xf32> to vector<16x128xf32>
    %slice3A_812 = vector.extract_strided_slice %dot_general3A_14 {offsets = [80, 2048], sizes = [16, 128], strides = [1, 1]} : vector<128x3200xf32> to vector<16x128xf32>
    %add3A_813 = arith.addf %slice3A_811, %slice3A_812 : vector<16x128xf32>
    %swap3A_814 = arith.constant 0 : index
    %swap3A_815 = arith.constant 17024 : index
    %swap3A_816 = vector.load %arg4[%swap3A_814, %swap3A_815] : memref<16x25600xf32, #tpu.memory_space<vmem>>, vector<16x128xf32>
    tpu.vector_store %arg4[%swap3A_814, %swap3A_815], %add3A_813 {strides = array<i32>} : memref<16x25600xf32, #tpu.memory_space<vmem>>, vector<16x128xf32>,
    %slice3A_817 = vector.extract_strided_slice %dot_general3A_5 {offsets = [0, 17152], sizes = [16, 128], strides = [1, 1]} : vector<16x25600xf32> to vector<16x128xf32>
    %slice3A_818 = vector.extract_strided_slice %dot_general3A_14 {offsets = [96, 2048], sizes = [16, 128], strides = [1, 1]} : vector<128x3200xf32> to vector<16x128xf32>
    %add3A_819 = arith.addf %slice3A_817, %slice3A_818 : vector<16x128xf32>
    %swap3A_820 = arith.constant 0 : index
    %swap3A_821 = arith.constant 17152 : index
    %swap3A_822 = vector.load %arg4[%swap3A_820, %swap3A_821] : memref<16x25600xf32, #tpu.memory_space<vmem>>, vector<16x128xf32>
    tpu.vector_store %arg4[%swap3A_820, %swap3A_821], %add3A_819 {strides = array<i32>} : memref<16x25600xf32, #tpu.memory_space<vmem>>, vector<16x128xf32>,
    %slice3A_823 = vector.extract_strided_slice %dot_general3A_5 {offsets = [0, 17280], sizes = [16, 128], strides = [1, 1]} : vector<16x25600xf32> to vector<16x128xf32>
    %slice3A_824 = vector.extract_strided_slice %dot_general3A_14 {offsets = [112, 2048], sizes = [16, 128], strides = [1, 1]} : vector<128x3200xf32> to vector<16x128xf32>
    %add3A_825 = arith.addf %slice3A_823, %slice3A_824 : vector<16x128xf32>
    %swap3A_826 = arith.constant 0 : index
    %swap3A_827 = arith.constant 17280 : index
    %swap3A_828 = vector.load %arg4[%swap3A_826, %swap3A_827] : memref<16x25600xf32, #tpu.memory_space<vmem>>, vector<16x128xf32>
    tpu.vector_store %arg4[%swap3A_826, %swap3A_827], %add3A_825 {strides = array<i32>} : memref<16x25600xf32, #tpu.memory_space<vmem>>, vector<16x128xf32>,
    %slice3A_829 = vector.extract_strided_slice %dot_general3A_5 {offsets = [0, 17408], sizes = [16, 128], strides = [1, 1]} : vector<16x25600xf32> to vector<16x128xf32>
    %slice3A_830 = vector.extract_strided_slice %dot_general3A_14 {offsets = [0, 2176], sizes = [16, 128], strides = [1, 1]} : vector<128x3200xf32> to vector<16x128xf32>
    %add3A_831 = arith.addf %slice3A_829, %slice3A_830 : vector<16x128xf32>
    %swap3A_832 = arith.constant 0 : index
    %swap3A_833 = arith.constant 17408 : index
    %swap3A_834 = vector.load %arg4[%swap3A_832, %swap3A_833] : memref<16x25600xf32, #tpu.memory_space<vmem>>, vector<16x128xf32>
    tpu.vector_store %arg4[%swap3A_832, %swap3A_833], %add3A_831 {strides = array<i32>} : memref<16x25600xf32, #tpu.memory_space<vmem>>, vector<16x128xf32>,
    %slice3A_835 = vector.extract_strided_slice %dot_general3A_5 {offsets = [0, 17536], sizes = [16, 128], strides = [1, 1]} : vector<16x25600xf32> to vector<16x128xf32>
    %slice3A_836 = vector.extract_strided_slice %dot_general3A_14 {offsets = [16, 2176], sizes = [16, 128], strides = [1, 1]} : vector<128x3200xf32> to vector<16x128xf32>
    %add3A_837 = arith.addf %slice3A_835, %slice3A_836 : vector<16x128xf32>
    %swap3A_838 = arith.constant 0 : index
    %swap3A_839 = arith.constant 17536 : index
    %swap3A_840 = vector.load %arg4[%swap3A_838, %swap3A_839] : memref<16x25600xf32, #tpu.memory_space<vmem>>, vector<16x128xf32>
    tpu.vector_store %arg4[%swap3A_838, %swap3A_839], %add3A_837 {strides = array<i32>} : memref<16x25600xf32, #tpu.memory_space<vmem>>, vector<16x128xf32>,
    %slice3A_841 = vector.extract_strided_slice %dot_general3A_5 {offsets = [0, 17664], sizes = [16, 128], strides = [1, 1]} : vector<16x25600xf32> to vector<16x128xf32>
    %slice3A_842 = vector.extract_strided_slice %dot_general3A_14 {offsets = [32, 2176], sizes = [16, 128], strides = [1, 1]} : vector<128x3200xf32> to vector<16x128xf32>
    %add3A_843 = arith.addf %slice3A_841, %slice3A_842 : vector<16x128xf32>
    %swap3A_844 = arith.constant 0 : index
    %swap3A_845 = arith.constant 17664 : index
    %swap3A_846 = vector.load %arg4[%swap3A_844, %swap3A_845] : memref<16x25600xf32, #tpu.memory_space<vmem>>, vector<16x128xf32>
    tpu.vector_store %arg4[%swap3A_844, %swap3A_845], %add3A_843 {strides = array<i32>} : memref<16x25600xf32, #tpu.memory_space<vmem>>, vector<16x128xf32>,
    %slice3A_847 = vector.extract_strided_slice %dot_general3A_5 {offsets = [0, 17792], sizes = [16, 128], strides = [1, 1]} : vector<16x25600xf32> to vector<16x128xf32>
    %slice3A_848 = vector.extract_strided_slice %dot_general3A_14 {offsets = [48, 2176], sizes = [16, 128], strides = [1, 1]} : vector<128x3200xf32> to vector<16x128xf32>
    %add3A_849 = arith.addf %slice3A_847, %slice3A_848 : vector<16x128xf32>
    %swap3A_850 = arith.constant 0 : index
    %swap3A_851 = arith.constant 17792 : index
    %swap3A_852 = vector.load %arg4[%swap3A_850, %swap3A_851] : memref<16x25600xf32, #tpu.memory_space<vmem>>, vector<16x128xf32>
    tpu.vector_store %arg4[%swap3A_850, %swap3A_851], %add3A_849 {strides = array<i32>} : memref<16x25600xf32, #tpu.memory_space<vmem>>, vector<16x128xf32>,
    %slice3A_853 = vector.extract_strided_slice %dot_general3A_5 {offsets = [0, 17920], sizes = [16, 128], strides = [1, 1]} : vector<16x25600xf32> to vector<16x128xf32>
    %slice3A_854 = vector.extract_strided_slice %dot_general3A_14 {offsets = [64, 2176], sizes = [16, 128], strides = [1, 1]} : vector<128x3200xf32> to vector<16x128xf32>
    %add3A_855 = arith.addf %slice3A_853, %slice3A_854 : vector<16x128xf32>
    %swap3A_856 = arith.constant 0 : index
    %swap3A_857 = arith.constant 17920 : index
    %swap3A_858 = vector.load %arg4[%swap3A_856, %swap3A_857] : memref<16x25600xf32, #tpu.memory_space<vmem>>, vector<16x128xf32>
    tpu.vector_store %arg4[%swap3A_856, %swap3A_857], %add3A_855 {strides = array<i32>} : memref<16x25600xf32, #tpu.memory_space<vmem>>, vector<16x128xf32>,
    %slice3A_859 = vector.extract_strided_slice %dot_general3A_5 {offsets = [0, 18048], sizes = [16, 128], strides = [1, 1]} : vector<16x25600xf32> to vector<16x128xf32>
    %slice3A_860 = vector.extract_strided_slice %dot_general3A_14 {offsets = [80, 2176], sizes = [16, 128], strides = [1, 1]} : vector<128x3200xf32> to vector<16x128xf32>
    %add3A_861 = arith.addf %slice3A_859, %slice3A_860 : vector<16x128xf32>
    %swap3A_862 = arith.constant 0 : index
    %swap3A_863 = arith.constant 18048 : index
    %swap3A_864 = vector.load %arg4[%swap3A_862, %swap3A_863] : memref<16x25600xf32, #tpu.memory_space<vmem>>, vector<16x128xf32>
    tpu.vector_store %arg4[%swap3A_862, %swap3A_863], %add3A_861 {strides = array<i32>} : memref<16x25600xf32, #tpu.memory_space<vmem>>, vector<16x128xf32>,
    %slice3A_865 = vector.extract_strided_slice %dot_general3A_5 {offsets = [0, 18176], sizes = [16, 128], strides = [1, 1]} : vector<16x25600xf32> to vector<16x128xf32>
    %slice3A_866 = vector.extract_strided_slice %dot_general3A_14 {offsets = [96, 2176], sizes = [16, 128], strides = [1, 1]} : vector<128x3200xf32> to vector<16x128xf32>
    %add3A_867 = arith.addf %slice3A_865, %slice3A_866 : vector<16x128xf32>
    %swap3A_868 = arith.constant 0 : index
    %swap3A_869 = arith.constant 18176 : index
    %swap3A_870 = vector.load %arg4[%swap3A_868, %swap3A_869] : memref<16x25600xf32, #tpu.memory_space<vmem>>, vector<16x128xf32>
    tpu.vector_store %arg4[%swap3A_868, %swap3A_869], %add3A_867 {strides = array<i32>} : memref<16x25600xf32, #tpu.memory_space<vmem>>, vector<16x128xf32>,
    %slice3A_871 = vector.extract_strided_slice %dot_general3A_5 {offsets = [0, 18304], sizes = [16, 128], strides = [1, 1]} : vector<16x25600xf32> to vector<16x128xf32>
    %slice3A_872 = vector.extract_strided_slice %dot_general3A_14 {offsets = [112, 2176], sizes = [16, 128], strides = [1, 1]} : vector<128x3200xf32> to vector<16x128xf32>
    %add3A_873 = arith.addf %slice3A_871, %slice3A_872 : vector<16x128xf32>
    %swap3A_874 = arith.constant 0 : index
    %swap3A_875 = arith.constant 18304 : index
    %swap3A_876 = vector.load %arg4[%swap3A_874, %swap3A_875] : memref<16x25600xf32, #tpu.memory_space<vmem>>, vector<16x128xf32>
    tpu.vector_store %arg4[%swap3A_874, %swap3A_875], %add3A_873 {strides = array<i32>} : memref<16x25600xf32, #tpu.memory_space<vmem>>, vector<16x128xf32>,
    %slice3A_877 = vector.extract_strided_slice %dot_general3A_5 {offsets = [0, 18432], sizes = [16, 128], strides = [1, 1]} : vector<16x25600xf32> to vector<16x128xf32>
    %slice3A_878 = vector.extract_strided_slice %dot_general3A_14 {offsets = [0, 2304], sizes = [16, 128], strides = [1, 1]} : vector<128x3200xf32> to vector<16x128xf32>
    %add3A_879 = arith.addf %slice3A_877, %slice3A_878 : vector<16x128xf32>
    %swap3A_880 = arith.constant 0 : index
    %swap3A_881 = arith.constant 18432 : index
    %swap3A_882 = vector.load %arg4[%swap3A_880, %swap3A_881] : memref<16x25600xf32, #tpu.memory_space<vmem>>, vector<16x128xf32>
    tpu.vector_store %arg4[%swap3A_880, %swap3A_881], %add3A_879 {strides = array<i32>} : memref<16x25600xf32, #tpu.memory_space<vmem>>, vector<16x128xf32>,
    %slice3A_883 = vector.extract_strided_slice %dot_general3A_5 {offsets = [0, 18560], sizes = [16, 128], strides = [1, 1]} : vector<16x25600xf32> to vector<16x128xf32>
    %slice3A_884 = vector.extract_strided_slice %dot_general3A_14 {offsets = [16, 2304], sizes = [16, 128], strides = [1, 1]} : vector<128x3200xf32> to vector<16x128xf32>
    %add3A_885 = arith.addf %slice3A_883, %slice3A_884 : vector<16x128xf32>
    %swap3A_886 = arith.constant 0 : index
    %swap3A_887 = arith.constant 18560 : index
    %swap3A_888 = vector.load %arg4[%swap3A_886, %swap3A_887] : memref<16x25600xf32, #tpu.memory_space<vmem>>, vector<16x128xf32>
    tpu.vector_store %arg4[%swap3A_886, %swap3A_887], %add3A_885 {strides = array<i32>} : memref<16x25600xf32, #tpu.memory_space<vmem>>, vector<16x128xf32>,
    %slice3A_889 = vector.extract_strided_slice %dot_general3A_5 {offsets = [0, 18688], sizes = [16, 128], strides = [1, 1]} : vector<16x25600xf32> to vector<16x128xf32>
    %slice3A_890 = vector.extract_strided_slice %dot_general3A_14 {offsets = [32, 2304], sizes = [16, 128], strides = [1, 1]} : vector<128x3200xf32> to vector<16x128xf32>
    %add3A_891 = arith.addf %slice3A_889, %slice3A_890 : vector<16x128xf32>
    %swap3A_892 = arith.constant 0 : index
    %swap3A_893 = arith.constant 18688 : index
    %swap3A_894 = vector.load %arg4[%swap3A_892, %swap3A_893] : memref<16x25600xf32, #tpu.memory_space<vmem>>, vector<16x128xf32>
    tpu.vector_store %arg4[%swap3A_892, %swap3A_893], %add3A_891 {strides = array<i32>} : memref<16x25600xf32, #tpu.memory_space<vmem>>, vector<16x128xf32>,
    %slice3A_895 = vector.extract_strided_slice %dot_general3A_5 {offsets = [0, 18816], sizes = [16, 128], strides = [1, 1]} : vector<16x25600xf32> to vector<16x128xf32>
    %slice3A_896 = vector.extract_strided_slice %dot_general3A_14 {offsets = [48, 2304], sizes = [16, 128], strides = [1, 1]} : vector<128x3200xf32> to vector<16x128xf32>
    %add3A_897 = arith.addf %slice3A_895, %slice3A_896 : vector<16x128xf32>
    %swap3A_898 = arith.constant 0 : index
    %swap3A_899 = arith.constant 18816 : index
    %swap3A_900 = vector.load %arg4[%swap3A_898, %swap3A_899] : memref<16x25600xf32, #tpu.memory_space<vmem>>, vector<16x128xf32>
    tpu.vector_store %arg4[%swap3A_898, %swap3A_899], %add3A_897 {strides = array<i32>} : memref<16x25600xf32, #tpu.memory_space<vmem>>, vector<16x128xf32>,
    %slice3A_901 = vector.extract_strided_slice %dot_general3A_5 {offsets = [0, 18944], sizes = [16, 128], strides = [1, 1]} : vector<16x25600xf32> to vector<16x128xf32>
    %slice3A_902 = vector.extract_strided_slice %dot_general3A_14 {offsets = [64, 2304], sizes = [16, 128], strides = [1, 1]} : vector<128x3200xf32> to vector<16x128xf32>
    %add3A_903 = arith.addf %slice3A_901, %slice3A_902 : vector<16x128xf32>
    %swap3A_904 = arith.constant 0 : index
    %swap3A_905 = arith.constant 18944 : index
    %swap3A_906 = vector.load %arg4[%swap3A_904, %swap3A_905] : memref<16x25600xf32, #tpu.memory_space<vmem>>, vector<16x128xf32>
    tpu.vector_store %arg4[%swap3A_904, %swap3A_905], %add3A_903 {strides = array<i32>} : memref<16x25600xf32, #tpu.memory_space<vmem>>, vector<16x128xf32>,
    %slice3A_907 = vector.extract_strided_slice %dot_general3A_5 {offsets = [0, 19072], sizes = [16, 128], strides = [1, 1]} : vector<16x25600xf32> to vector<16x128xf32>
    %slice3A_908 = vector.extract_strided_slice %dot_general3A_14 {offsets = [80, 2304], sizes = [16, 128], strides = [1, 1]} : vector<128x3200xf32> to vector<16x128xf32>
    %add3A_909 = arith.addf %slice3A_907, %slice3A_908 : vector<16x128xf32>
    %swap3A_910 = arith.constant 0 : index
    %swap3A_911 = arith.constant 19072 : index
    %swap3A_912 = vector.load %arg4[%swap3A_910, %swap3A_911] : memref<16x25600xf32, #tpu.memory_space<vmem>>, vector<16x128xf32>
    tpu.vector_store %arg4[%swap3A_910, %swap3A_911], %add3A_909 {strides = array<i32>} : memref<16x25600xf32, #tpu.memory_space<vmem>>, vector<16x128xf32>,
    %slice3A_913 = vector.extract_strided_slice %dot_general3A_5 {offsets = [0, 19200], sizes = [16, 128], strides = [1, 1]} : vector<16x25600xf32> to vector<16x128xf32>
    %slice3A_914 = vector.extract_strided_slice %dot_general3A_14 {offsets = [96, 2304], sizes = [16, 128], strides = [1, 1]} : vector<128x3200xf32> to vector<16x128xf32>
    %add3A_915 = arith.addf %slice3A_913, %slice3A_914 : vector<16x128xf32>
    %swap3A_916 = arith.constant 0 : index
    %swap3A_917 = arith.constant 19200 : index
    %swap3A_918 = vector.load %arg4[%swap3A_916, %swap3A_917] : memref<16x25600xf32, #tpu.memory_space<vmem>>, vector<16x128xf32>
    tpu.vector_store %arg4[%swap3A_916, %swap3A_917], %add3A_915 {strides = array<i32>} : memref<16x25600xf32, #tpu.memory_space<vmem>>, vector<16x128xf32>,
    %slice3A_919 = vector.extract_strided_slice %dot_general3A_5 {offsets = [0, 19328], sizes = [16, 128], strides = [1, 1]} : vector<16x25600xf32> to vector<16x128xf32>
    %slice3A_920 = vector.extract_strided_slice %dot_general3A_14 {offsets = [112, 2304], sizes = [16, 128], strides = [1, 1]} : vector<128x3200xf32> to vector<16x128xf32>
    %add3A_921 = arith.addf %slice3A_919, %slice3A_920 : vector<16x128xf32>
    %swap3A_922 = arith.constant 0 : index
    %swap3A_923 = arith.constant 19328 : index
    %swap3A_924 = vector.load %arg4[%swap3A_922, %swap3A_923] : memref<16x25600xf32, #tpu.memory_space<vmem>>, vector<16x128xf32>
    tpu.vector_store %arg4[%swap3A_922, %swap3A_923], %add3A_921 {strides = array<i32>} : memref<16x25600xf32, #tpu.memory_space<vmem>>, vector<16x128xf32>,
    %slice3A_925 = vector.extract_strided_slice %dot_general3A_5 {offsets = [0, 19456], sizes = [16, 128], strides = [1, 1]} : vector<16x25600xf32> to vector<16x128xf32>
    %slice3A_926 = vector.extract_strided_slice %dot_general3A_14 {offsets = [0, 2432], sizes = [16, 128], strides = [1, 1]} : vector<128x3200xf32> to vector<16x128xf32>
    %add3A_927 = arith.addf %slice3A_925, %slice3A_926 : vector<16x128xf32>
    %swap3A_928 = arith.constant 0 : index
    %swap3A_929 = arith.constant 19456 : index
    %swap3A_930 = vector.load %arg4[%swap3A_928, %swap3A_929] : memref<16x25600xf32, #tpu.memory_space<vmem>>, vector<16x128xf32>
    tpu.vector_store %arg4[%swap3A_928, %swap3A_929], %add3A_927 {strides = array<i32>} : memref<16x25600xf32, #tpu.memory_space<vmem>>, vector<16x128xf32>,
    %slice3A_931 = vector.extract_strided_slice %dot_general3A_5 {offsets = [0, 19584], sizes = [16, 128], strides = [1, 1]} : vector<16x25600xf32> to vector<16x128xf32>
    %slice3A_932 = vector.extract_strided_slice %dot_general3A_14 {offsets = [16, 2432], sizes = [16, 128], strides = [1, 1]} : vector<128x3200xf32> to vector<16x128xf32>
    %add3A_933 = arith.addf %slice3A_931, %slice3A_932 : vector<16x128xf32>
    %swap3A_934 = arith.constant 0 : index
    %swap3A_935 = arith.constant 19584 : index
    %swap3A_936 = vector.load %arg4[%swap3A_934, %swap3A_935] : memref<16x25600xf32, #tpu.memory_space<vmem>>, vector<16x128xf32>
    tpu.vector_store %arg4[%swap3A_934, %swap3A_935], %add3A_933 {strides = array<i32>} : memref<16x25600xf32, #tpu.memory_space<vmem>>, vector<16x128xf32>,
    %slice3A_937 = vector.extract_strided_slice %dot_general3A_5 {offsets = [0, 19712], sizes = [16, 128], strides = [1, 1]} : vector<16x25600xf32> to vector<16x128xf32>
    %slice3A_938 = vector.extract_strided_slice %dot_general3A_14 {offsets = [32, 2432], sizes = [16, 128], strides = [1, 1]} : vector<128x3200xf32> to vector<16x128xf32>
    %add3A_939 = arith.addf %slice3A_937, %slice3A_938 : vector<16x128xf32>
    %swap3A_940 = arith.constant 0 : index
    %swap3A_941 = arith.constant 19712 : index
    %swap3A_942 = vector.load %arg4[%swap3A_940, %swap3A_941] : memref<16x25600xf32, #tpu.memory_space<vmem>>, vector<16x128xf32>
    tpu.vector_store %arg4[%swap3A_940, %swap3A_941], %add3A_939 {strides = array<i32>} : memref<16x25600xf32, #tpu.memory_space<vmem>>, vector<16x128xf32>,
    %slice3A_943 = vector.extract_strided_slice %dot_general3A_5 {offsets = [0, 19840], sizes = [16, 128], strides = [1, 1]} : vector<16x25600xf32> to vector<16x128xf32>
    %slice3A_944 = vector.extract_strided_slice %dot_general3A_14 {offsets = [48, 2432], sizes = [16, 128], strides = [1, 1]} : vector<128x3200xf32> to vector<16x128xf32>
    %add3A_945 = arith.addf %slice3A_943, %slice3A_944 : vector<16x128xf32>
    %swap3A_946 = arith.constant 0 : index
    %swap3A_947 = arith.constant 19840 : index
    %swap3A_948 = vector.load %arg4[%swap3A_946, %swap3A_947] : memref<16x25600xf32, #tpu.memory_space<vmem>>, vector<16x128xf32>
    tpu.vector_store %arg4[%swap3A_946, %swap3A_947], %add3A_945 {strides = array<i32>} : memref<16x25600xf32, #tpu.memory_space<vmem>>, vector<16x128xf32>,
    %slice3A_949 = vector.extract_strided_slice %dot_general3A_5 {offsets = [0, 19968], sizes = [16, 128], strides = [1, 1]} : vector<16x25600xf32> to vector<16x128xf32>
    %slice3A_950 = vector.extract_strided_slice %dot_general3A_14 {offsets = [64, 2432], sizes = [16, 128], strides = [1, 1]} : vector<128x3200xf32> to vector<16x128xf32>
    %add3A_951 = arith.addf %slice3A_949, %slice3A_950 : vector<16x128xf32>
    %swap3A_952 = arith.constant 0 : index
    %swap3A_953 = arith.constant 19968 : index
    %swap3A_954 = vector.load %arg4[%swap3A_952, %swap3A_953] : memref<16x25600xf32, #tpu.memory_space<vmem>>, vector<16x128xf32>
    tpu.vector_store %arg4[%swap3A_952, %swap3A_953], %add3A_951 {strides = array<i32>} : memref<16x25600xf32, #tpu.memory_space<vmem>>, vector<16x128xf32>,
    %slice3A_955 = vector.extract_strided_slice %dot_general3A_5 {offsets = [0, 20096], sizes = [16, 128], strides = [1, 1]} : vector<16x25600xf32> to vector<16x128xf32>
    %slice3A_956 = vector.extract_strided_slice %dot_general3A_14 {offsets = [80, 2432], sizes = [16, 128], strides = [1, 1]} : vector<128x3200xf32> to vector<16x128xf32>
    %add3A_957 = arith.addf %slice3A_955, %slice3A_956 : vector<16x128xf32>
    %swap3A_958 = arith.constant 0 : index
    %swap3A_959 = arith.constant 20096 : index
    %swap3A_960 = vector.load %arg4[%swap3A_958, %swap3A_959] : memref<16x25600xf32, #tpu.memory_space<vmem>>, vector<16x128xf32>
    tpu.vector_store %arg4[%swap3A_958, %swap3A_959], %add3A_957 {strides = array<i32>} : memref<16x25600xf32, #tpu.memory_space<vmem>>, vector<16x128xf32>,
    %slice3A_961 = vector.extract_strided_slice %dot_general3A_5 {offsets = [0, 20224], sizes = [16, 128], strides = [1, 1]} : vector<16x25600xf32> to vector<16x128xf32>
    %slice3A_962 = vector.extract_strided_slice %dot_general3A_14 {offsets = [96, 2432], sizes = [16, 128], strides = [1, 1]} : vector<128x3200xf32> to vector<16x128xf32>
    %add3A_963 = arith.addf %slice3A_961, %slice3A_962 : vector<16x128xf32>
    %swap3A_964 = arith.constant 0 : index
    %swap3A_965 = arith.constant 20224 : index
    %swap3A_966 = vector.load %arg4[%swap3A_964, %swap3A_965] : memref<16x25600xf32, #tpu.memory_space<vmem>>, vector<16x128xf32>
    tpu.vector_store %arg4[%swap3A_964, %swap3A_965], %add3A_963 {strides = array<i32>} : memref<16x25600xf32, #tpu.memory_space<vmem>>, vector<16x128xf32>,
    %slice3A_967 = vector.extract_strided_slice %dot_general3A_5 {offsets = [0, 20352], sizes = [16, 128], strides = [1, 1]} : vector<16x25600xf32> to vector<16x128xf32>
    %slice3A_968 = vector.extract_strided_slice %dot_general3A_14 {offsets = [112, 2432], sizes = [16, 128], strides = [1, 1]} : vector<128x3200xf32> to vector<16x128xf32>
    %add3A_969 = arith.addf %slice3A_967, %slice3A_968 : vector<16x128xf32>
    %swap3A_970 = arith.constant 0 : index
    %swap3A_971 = arith.constant 20352 : index
    %swap3A_972 = vector.load %arg4[%swap3A_970, %swap3A_971] : memref<16x25600xf32, #tpu.memory_space<vmem>>, vector<16x128xf32>
    tpu.vector_store %arg4[%swap3A_970, %swap3A_971], %add3A_969 {strides = array<i32>} : memref<16x25600xf32, #tpu.memory_space<vmem>>, vector<16x128xf32>,
    %slice3A_973 = vector.extract_strided_slice %dot_general3A_5 {offsets = [0, 20480], sizes = [16, 128], strides = [1, 1]} : vector<16x25600xf32> to vector<16x128xf32>
    %slice3A_974 = vector.extract_strided_slice %dot_general3A_14 {offsets = [0, 2560], sizes = [16, 128], strides = [1, 1]} : vector<128x3200xf32> to vector<16x128xf32>
    %add3A_975 = arith.addf %slice3A_973, %slice3A_974 : vector<16x128xf32>
    %swap3A_976 = arith.constant 0 : index
    %swap3A_977 = arith.constant 20480 : index
    %swap3A_978 = vector.load %arg4[%swap3A_976, %swap3A_977] : memref<16x25600xf32, #tpu.memory_space<vmem>>, vector<16x128xf32>
    tpu.vector_store %arg4[%swap3A_976, %swap3A_977], %add3A_975 {strides = array<i32>} : memref<16x25600xf32, #tpu.memory_space<vmem>>, vector<16x128xf32>,
    %slice3A_979 = vector.extract_strided_slice %dot_general3A_5 {offsets = [0, 20608], sizes = [16, 128], strides = [1, 1]} : vector<16x25600xf32> to vector<16x128xf32>
    %slice3A_980 = vector.extract_strided_slice %dot_general3A_14 {offsets = [16, 2560], sizes = [16, 128], strides = [1, 1]} : vector<128x3200xf32> to vector<16x128xf32>
    %add3A_981 = arith.addf %slice3A_979, %slice3A_980 : vector<16x128xf32>
    %swap3A_982 = arith.constant 0 : index
    %swap3A_983 = arith.constant 20608 : index
    %swap3A_984 = vector.load %arg4[%swap3A_982, %swap3A_983] : memref<16x25600xf32, #tpu.memory_space<vmem>>, vector<16x128xf32>
    tpu.vector_store %arg4[%swap3A_982, %swap3A_983], %add3A_981 {strides = array<i32>} : memref<16x25600xf32, #tpu.memory_space<vmem>>, vector<16x128xf32>,
    %slice3A_985 = vector.extract_strided_slice %dot_general3A_5 {offsets = [0, 20736], sizes = [16, 128], strides = [1, 1]} : vector<16x25600xf32> to vector<16x128xf32>
    %slice3A_986 = vector.extract_strided_slice %dot_general3A_14 {offsets = [32, 2560], sizes = [16, 128], strides = [1, 1]} : vector<128x3200xf32> to vector<16x128xf32>
    %add3A_987 = arith.addf %slice3A_985, %slice3A_986 : vector<16x128xf32>
    %swap3A_988 = arith.constant 0 : index
    %swap3A_989 = arith.constant 20736 : index
    %swap3A_990 = vector.load %arg4[%swap3A_988, %swap3A_989] : memref<16x25600xf32, #tpu.memory_space<vmem>>, vector<16x128xf32>
    tpu.vector_store %arg4[%swap3A_988, %swap3A_989], %add3A_987 {strides = array<i32>} : memref<16x25600xf32, #tpu.memory_space<vmem>>, vector<16x128xf32>,
    %slice3A_991 = vector.extract_strided_slice %dot_general3A_5 {offsets = [0, 20864], sizes = [16, 128], strides = [1, 1]} : vector<16x25600xf32> to vector<16x128xf32>
    %slice3A_992 = vector.extract_strided_slice %dot_general3A_14 {offsets = [48, 2560], sizes = [16, 128], strides = [1, 1]} : vector<128x3200xf32> to vector<16x128xf32>
    %add3A_993 = arith.addf %slice3A_991, %slice3A_992 : vector<16x128xf32>
    %swap3A_994 = arith.constant 0 : index
    %swap3A_995 = arith.constant 20864 : index
    %swap3A_996 = vector.load %arg4[%swap3A_994, %swap3A_995] : memref<16x25600xf32, #tpu.memory_space<vmem>>, vector<16x128xf32>
    tpu.vector_store %arg4[%swap3A_994, %swap3A_995], %add3A_993 {strides = array<i32>} : memref<16x25600xf32, #tpu.memory_space<vmem>>, vector<16x128xf32>,
    %slice3A_997 = vector.extract_strided_slice %dot_general3A_5 {offsets = [0, 20992], sizes = [16, 128], strides = [1, 1]} : vector<16x25600xf32> to vector<16x128xf32>
    %slice3A_998 = vector.extract_strided_slice %dot_general3A_14 {offsets = [64, 2560], sizes = [16, 128], strides = [1, 1]} : vector<128x3200xf32> to vector<16x128xf32>
    %add3A_999 = arith.addf %slice3A_997, %slice3A_998 : vector<16x128xf32>
    %swap3A_1000 = arith.constant 0 : index
    %swap3A_1001 = arith.constant 20992 : index
    %swap3A_1002 = vector.load %arg4[%swap3A_1000, %swap3A_1001] : memref<16x25600xf32, #tpu.memory_space<vmem>>, vector<16x128xf32>
    tpu.vector_store %arg4[%swap3A_1000, %swap3A_1001], %add3A_999 {strides = array<i32>} : memref<16x25600xf32, #tpu.memory_space<vmem>>, vector<16x128xf32>,
    %slice3A_1003 = vector.extract_strided_slice %dot_general3A_5 {offsets = [0, 21120], sizes = [16, 128], strides = [1, 1]} : vector<16x25600xf32> to vector<16x128xf32>
    %slice3A_1004 = vector.extract_strided_slice %dot_general3A_14 {offsets = [80, 2560], sizes = [16, 128], strides = [1, 1]} : vector<128x3200xf32> to vector<16x128xf32>
    %add3A_1005 = arith.addf %slice3A_1003, %slice3A_1004 : vector<16x128xf32>
    %swap3A_1006 = arith.constant 0 : index
    %swap3A_1007 = arith.constant 21120 : index
    %swap3A_1008 = vector.load %arg4[%swap3A_1006, %swap3A_1007] : memref<16x25600xf32, #tpu.memory_space<vmem>>, vector<16x128xf32>
    tpu.vector_store %arg4[%swap3A_1006, %swap3A_1007], %add3A_1005 {strides = array<i32>} : memref<16x25600xf32, #tpu.memory_space<vmem>>, vector<16x128xf32>,
    %slice3A_1009 = vector.extract_strided_slice %dot_general3A_5 {offsets = [0, 21248], sizes = [16, 128], strides = [1, 1]} : vector<16x25600xf32> to vector<16x128xf32>
    %slice3A_1010 = vector.extract_strided_slice %dot_general3A_14 {offsets = [96, 2560], sizes = [16, 128], strides = [1, 1]} : vector<128x3200xf32> to vector<16x128xf32>
    %add3A_1011 = arith.addf %slice3A_1009, %slice3A_1010 : vector<16x128xf32>
    %swap3A_1012 = arith.constant 0 : index
    %swap3A_1013 = arith.constant 21248 : index
    %swap3A_1014 = vector.load %arg4[%swap3A_1012, %swap3A_1013] : memref<16x25600xf32, #tpu.memory_space<vmem>>, vector<16x128xf32>
    tpu.vector_store %arg4[%swap3A_1012, %swap3A_1013], %add3A_1011 {strides = array<i32>} : memref<16x25600xf32, #tpu.memory_space<vmem>>, vector<16x128xf32>,
    %slice3A_1015 = vector.extract_strided_slice %dot_general3A_5 {offsets = [0, 21376], sizes = [16, 128], strides = [1, 1]} : vector<16x25600xf32> to vector<16x128xf32>
    %slice3A_1016 = vector.extract_strided_slice %dot_general3A_14 {offsets = [112, 2560], sizes = [16, 128], strides = [1, 1]} : vector<128x3200xf32> to vector<16x128xf32>
    %add3A_1017 = arith.addf %slice3A_1015, %slice3A_1016 : vector<16x128xf32>
    %swap3A_1018 = arith.constant 0 : index
    %swap3A_1019 = arith.constant 21376 : index
    %swap3A_1020 = vector.load %arg4[%swap3A_1018, %swap3A_1019] : memref<16x25600xf32, #tpu.memory_space<vmem>>, vector<16x128xf32>
    tpu.vector_store %arg4[%swap3A_1018, %swap3A_1019], %add3A_1017 {strides = array<i32>} : memref<16x25600xf32, #tpu.memory_space<vmem>>, vector<16x128xf32>,
    %slice3A_1021 = vector.extract_strided_slice %dot_general3A_5 {offsets = [0, 21504], sizes = [16, 128], strides = [1, 1]} : vector<16x25600xf32> to vector<16x128xf32>
    %slice3A_1022 = vector.extract_strided_slice %dot_general3A_14 {offsets = [0, 2688], sizes = [16, 128], strides = [1, 1]} : vector<128x3200xf32> to vector<16x128xf32>
    %add3A_1023 = arith.addf %slice3A_1021, %slice3A_1022 : vector<16x128xf32>
    %swap3A_1024 = arith.constant 0 : index
    %swap3A_1025 = arith.constant 21504 : index
    %swap3A_1026 = vector.load %arg4[%swap3A_1024, %swap3A_1025] : memref<16x25600xf32, #tpu.memory_space<vmem>>, vector<16x128xf32>
    tpu.vector_store %arg4[%swap3A_1024, %swap3A_1025], %add3A_1023 {strides = array<i32>} : memref<16x25600xf32, #tpu.memory_space<vmem>>, vector<16x128xf32>,
    %slice3A_1027 = vector.extract_strided_slice %dot_general3A_5 {offsets = [0, 21632], sizes = [16, 128], strides = [1, 1]} : vector<16x25600xf32> to vector<16x128xf32>
    %slice3A_1028 = vector.extract_strided_slice %dot_general3A_14 {offsets = [16, 2688], sizes = [16, 128], strides = [1, 1]} : vector<128x3200xf32> to vector<16x128xf32>
    %add3A_1029 = arith.addf %slice3A_1027, %slice3A_1028 : vector<16x128xf32>
    %swap3A_1030 = arith.constant 0 : index
    %swap3A_1031 = arith.constant 21632 : index
    %swap3A_1032 = vector.load %arg4[%swap3A_1030, %swap3A_1031] : memref<16x25600xf32, #tpu.memory_space<vmem>>, vector<16x128xf32>
    tpu.vector_store %arg4[%swap3A_1030, %swap3A_1031], %add3A_1029 {strides = array<i32>} : memref<16x25600xf32, #tpu.memory_space<vmem>>, vector<16x128xf32>,
    %slice3A_1033 = vector.extract_strided_slice %dot_general3A_5 {offsets = [0, 21760], sizes = [16, 128], strides = [1, 1]} : vector<16x25600xf32> to vector<16x128xf32>
    %slice3A_1034 = vector.extract_strided_slice %dot_general3A_14 {offsets = [32, 2688], sizes = [16, 128], strides = [1, 1]} : vector<128x3200xf32> to vector<16x128xf32>
    %add3A_1035 = arith.addf %slice3A_1033, %slice3A_1034 : vector<16x128xf32>
    %swap3A_1036 = arith.constant 0 : index
    %swap3A_1037 = arith.constant 21760 : index
    %swap3A_1038 = vector.load %arg4[%swap3A_1036, %swap3A_1037] : memref<16x25600xf32, #tpu.memory_space<vmem>>, vector<16x128xf32>
    tpu.vector_store %arg4[%swap3A_1036, %swap3A_1037], %add3A_1035 {strides = array<i32>} : memref<16x25600xf32, #tpu.memory_space<vmem>>, vector<16x128xf32>,
    %slice3A_1039 = vector.extract_strided_slice %dot_general3A_5 {offsets = [0, 21888], sizes = [16, 128], strides = [1, 1]} : vector<16x25600xf32> to vector<16x128xf32>
    %slice3A_1040 = vector.extract_strided_slice %dot_general3A_14 {offsets = [48, 2688], sizes = [16, 128], strides = [1, 1]} : vector<128x3200xf32> to vector<16x128xf32>
    %add3A_1041 = arith.addf %slice3A_1039, %slice3A_1040 : vector<16x128xf32>
    %swap3A_1042 = arith.constant 0 : index
    %swap3A_1043 = arith.constant 21888 : index
    %swap3A_1044 = vector.load %arg4[%swap3A_1042, %swap3A_1043] : memref<16x25600xf32, #tpu.memory_space<vmem>>, vector<16x128xf32>
    tpu.vector_store %arg4[%swap3A_1042, %swap3A_1043], %add3A_1041 {strides = array<i32>} : memref<16x25600xf32, #tpu.memory_space<vmem>>, vector<16x128xf32>,
    %slice3A_1045 = vector.extract_strided_slice %dot_general3A_5 {offsets = [0, 22016], sizes = [16, 128], strides = [1, 1]} : vector<16x25600xf32> to vector<16x128xf32>
    %slice3A_1046 = vector.extract_strided_slice %dot_general3A_14 {offsets = [64, 2688], sizes = [16, 128], strides = [1, 1]} : vector<128x3200xf32> to vector<16x128xf32>
    %add3A_1047 = arith.addf %slice3A_1045, %slice3A_1046 : vector<16x128xf32>
    %swap3A_1048 = arith.constant 0 : index
    %swap3A_1049 = arith.constant 22016 : index
    %swap3A_1050 = vector.load %arg4[%swap3A_1048, %swap3A_1049] : memref<16x25600xf32, #tpu.memory_space<vmem>>, vector<16x128xf32>
    tpu.vector_store %arg4[%swap3A_1048, %swap3A_1049], %add3A_1047 {strides = array<i32>} : memref<16x25600xf32, #tpu.memory_space<vmem>>, vector<16x128xf32>,
    %slice3A_1051 = vector.extract_strided_slice %dot_general3A_5 {offsets = [0, 22144], sizes = [16, 128], strides = [1, 1]} : vector<16x25600xf32> to vector<16x128xf32>
    %slice3A_1052 = vector.extract_strided_slice %dot_general3A_14 {offsets = [80, 2688], sizes = [16, 128], strides = [1, 1]} : vector<128x3200xf32> to vector<16x128xf32>
    %add3A_1053 = arith.addf %slice3A_1051, %slice3A_1052 : vector<16x128xf32>
    %swap3A_1054 = arith.constant 0 : index
    %swap3A_1055 = arith.constant 22144 : index
    %swap3A_1056 = vector.load %arg4[%swap3A_1054, %swap3A_1055] : memref<16x25600xf32, #tpu.memory_space<vmem>>, vector<16x128xf32>
    tpu.vector_store %arg4[%swap3A_1054, %swap3A_1055], %add3A_1053 {strides = array<i32>} : memref<16x25600xf32, #tpu.memory_space<vmem>>, vector<16x128xf32>,
    %slice3A_1057 = vector.extract_strided_slice %dot_general3A_5 {offsets = [0, 22272], sizes = [16, 128], strides = [1, 1]} : vector<16x25600xf32> to vector<16x128xf32>
    %slice3A_1058 = vector.extract_strided_slice %dot_general3A_14 {offsets = [96, 2688], sizes = [16, 128], strides = [1, 1]} : vector<128x3200xf32> to vector<16x128xf32>
    %add3A_1059 = arith.addf %slice3A_1057, %slice3A_1058 : vector<16x128xf32>
    %swap3A_1060 = arith.constant 0 : index
    %swap3A_1061 = arith.constant 22272 : index
    %swap3A_1062 = vector.load %arg4[%swap3A_1060, %swap3A_1061] : memref<16x25600xf32, #tpu.memory_space<vmem>>, vector<16x128xf32>
    tpu.vector_store %arg4[%swap3A_1060, %swap3A_1061], %add3A_1059 {strides = array<i32>} : memref<16x25600xf32, #tpu.memory_space<vmem>>, vector<16x128xf32>,
    %slice3A_1063 = vector.extract_strided_slice %dot_general3A_5 {offsets = [0, 22400], sizes = [16, 128], strides = [1, 1]} : vector<16x25600xf32> to vector<16x128xf32>
    %slice3A_1064 = vector.extract_strided_slice %dot_general3A_14 {offsets = [112, 2688], sizes = [16, 128], strides = [1, 1]} : vector<128x3200xf32> to vector<16x128xf32>
    %add3A_1065 = arith.addf %slice3A_1063, %slice3A_1064 : vector<16x128xf32>
    %swap3A_1066 = arith.constant 0 : index
    %swap3A_1067 = arith.constant 22400 : index
    %swap3A_1068 = vector.load %arg4[%swap3A_1066, %swap3A_1067] : memref<16x25600xf32, #tpu.memory_space<vmem>>, vector<16x128xf32>
    tpu.vector_store %arg4[%swap3A_1066, %swap3A_1067], %add3A_1065 {strides = array<i32>} : memref<16x25600xf32, #tpu.memory_space<vmem>>, vector<16x128xf32>,
    %slice3A_1069 = vector.extract_strided_slice %dot_general3A_5 {offsets = [0, 22528], sizes = [16, 128], strides = [1, 1]} : vector<16x25600xf32> to vector<16x128xf32>
    %slice3A_1070 = vector.extract_strided_slice %dot_general3A_14 {offsets = [0, 2816], sizes = [16, 128], strides = [1, 1]} : vector<128x3200xf32> to vector<16x128xf32>
    %add3A_1071 = arith.addf %slice3A_1069, %slice3A_1070 : vector<16x128xf32>
    %swap3A_1072 = arith.constant 0 : index
    %swap3A_1073 = arith.constant 22528 : index
    %swap3A_1074 = vector.load %arg4[%swap3A_1072, %swap3A_1073] : memref<16x25600xf32, #tpu.memory_space<vmem>>, vector<16x128xf32>
    tpu.vector_store %arg4[%swap3A_1072, %swap3A_1073], %add3A_1071 {strides = array<i32>} : memref<16x25600xf32, #tpu.memory_space<vmem>>, vector<16x128xf32>,
    %slice3A_1075 = vector.extract_strided_slice %dot_general3A_5 {offsets = [0, 22656], sizes = [16, 128], strides = [1, 1]} : vector<16x25600xf32> to vector<16x128xf32>
    %slice3A_1076 = vector.extract_strided_slice %dot_general3A_14 {offsets = [16, 2816], sizes = [16, 128], strides = [1, 1]} : vector<128x3200xf32> to vector<16x128xf32>
    %add3A_1077 = arith.addf %slice3A_1075, %slice3A_1076 : vector<16x128xf32>
    %swap3A_1078 = arith.constant 0 : index
    %swap3A_1079 = arith.constant 22656 : index
    %swap3A_1080 = vector.load %arg4[%swap3A_1078, %swap3A_1079] : memref<16x25600xf32, #tpu.memory_space<vmem>>, vector<16x128xf32>
    tpu.vector_store %arg4[%swap3A_1078, %swap3A_1079], %add3A_1077 {strides = array<i32>} : memref<16x25600xf32, #tpu.memory_space<vmem>>, vector<16x128xf32>,
    %slice3A_1081 = vector.extract_strided_slice %dot_general3A_5 {offsets = [0, 22784], sizes = [16, 128], strides = [1, 1]} : vector<16x25600xf32> to vector<16x128xf32>
    %slice3A_1082 = vector.extract_strided_slice %dot_general3A_14 {offsets = [32, 2816], sizes = [16, 128], strides = [1, 1]} : vector<128x3200xf32> to vector<16x128xf32>
    %add3A_1083 = arith.addf %slice3A_1081, %slice3A_1082 : vector<16x128xf32>
    %swap3A_1084 = arith.constant 0 : index
    %swap3A_1085 = arith.constant 22784 : index
    %swap3A_1086 = vector.load %arg4[%swap3A_1084, %swap3A_1085] : memref<16x25600xf32, #tpu.memory_space<vmem>>, vector<16x128xf32>
    tpu.vector_store %arg4[%swap3A_1084, %swap3A_1085], %add3A_1083 {strides = array<i32>} : memref<16x25600xf32, #tpu.memory_space<vmem>>, vector<16x128xf32>,
    %slice3A_1087 = vector.extract_strided_slice %dot_general3A_5 {offsets = [0, 22912], sizes = [16, 128], strides = [1, 1]} : vector<16x25600xf32> to vector<16x128xf32>
    %slice3A_1088 = vector.extract_strided_slice %dot_general3A_14 {offsets = [48, 2816], sizes = [16, 128], strides = [1, 1]} : vector<128x3200xf32> to vector<16x128xf32>
    %add3A_1089 = arith.addf %slice3A_1087, %slice3A_1088 : vector<16x128xf32>
    %swap3A_1090 = arith.constant 0 : index
    %swap3A_1091 = arith.constant 22912 : index
    %swap3A_1092 = vector.load %arg4[%swap3A_1090, %swap3A_1091] : memref<16x25600xf32, #tpu.memory_space<vmem>>, vector<16x128xf32>
    tpu.vector_store %arg4[%swap3A_1090, %swap3A_1091], %add3A_1089 {strides = array<i32>} : memref<16x25600xf32, #tpu.memory_space<vmem>>, vector<16x128xf32>,
    %slice3A_1093 = vector.extract_strided_slice %dot_general3A_5 {offsets = [0, 23040], sizes = [16, 128], strides = [1, 1]} : vector<16x25600xf32> to vector<16x128xf32>
    %slice3A_1094 = vector.extract_strided_slice %dot_general3A_14 {offsets = [64, 2816], sizes = [16, 128], strides = [1, 1]} : vector<128x3200xf32> to vector<16x128xf32>
    %add3A_1095 = arith.addf %slice3A_1093, %slice3A_1094 : vector<16x128xf32>
    %swap3A_1096 = arith.constant 0 : index
    %swap3A_1097 = arith.constant 23040 : index
    %swap3A_1098 = vector.load %arg4[%swap3A_1096, %swap3A_1097] : memref<16x25600xf32, #tpu.memory_space<vmem>>, vector<16x128xf32>
    tpu.vector_store %arg4[%swap3A_1096, %swap3A_1097], %add3A_1095 {strides = array<i32>} : memref<16x25600xf32, #tpu.memory_space<vmem>>, vector<16x128xf32>,
    %slice3A_1099 = vector.extract_strided_slice %dot_general3A_5 {offsets = [0, 23168], sizes = [16, 128], strides = [1, 1]} : vector<16x25600xf32> to vector<16x128xf32>
    %slice3A_1100 = vector.extract_strided_slice %dot_general3A_14 {offsets = [80, 2816], sizes = [16, 128], strides = [1, 1]} : vector<128x3200xf32> to vector<16x128xf32>
    %add3A_1101 = arith.addf %slice3A_1099, %slice3A_1100 : vector<16x128xf32>
    %swap3A_1102 = arith.constant 0 : index
    %swap3A_1103 = arith.constant 23168 : index
    %swap3A_1104 = vector.load %arg4[%swap3A_1102, %swap3A_1103] : memref<16x25600xf32, #tpu.memory_space<vmem>>, vector<16x128xf32>
    tpu.vector_store %arg4[%swap3A_1102, %swap3A_1103], %add3A_1101 {strides = array<i32>} : memref<16x25600xf32, #tpu.memory_space<vmem>>, vector<16x128xf32>,
    %slice3A_1105 = vector.extract_strided_slice %dot_general3A_5 {offsets = [0, 23296], sizes = [16, 128], strides = [1, 1]} : vector<16x25600xf32> to vector<16x128xf32>
    %slice3A_1106 = vector.extract_strided_slice %dot_general3A_14 {offsets = [96, 2816], sizes = [16, 128], strides = [1, 1]} : vector<128x3200xf32> to vector<16x128xf32>
    %add3A_1107 = arith.addf %slice3A_1105, %slice3A_1106 : vector<16x128xf32>
    %swap3A_1108 = arith.constant 0 : index
    %swap3A_1109 = arith.constant 23296 : index
    %swap3A_1110 = vector.load %arg4[%swap3A_1108, %swap3A_1109] : memref<16x25600xf32, #tpu.memory_space<vmem>>, vector<16x128xf32>
    tpu.vector_store %arg4[%swap3A_1108, %swap3A_1109], %add3A_1107 {strides = array<i32>} : memref<16x25600xf32, #tpu.memory_space<vmem>>, vector<16x128xf32>,
    %slice3A_1111 = vector.extract_strided_slice %dot_general3A_5 {offsets = [0, 23424], sizes = [16, 128], strides = [1, 1]} : vector<16x25600xf32> to vector<16x128xf32>
    %slice3A_1112 = vector.extract_strided_slice %dot_general3A_14 {offsets = [112, 2816], sizes = [16, 128], strides = [1, 1]} : vector<128x3200xf32> to vector<16x128xf32>
    %add3A_1113 = arith.addf %slice3A_1111, %slice3A_1112 : vector<16x128xf32>
    %swap3A_1114 = arith.constant 0 : index
    %swap3A_1115 = arith.constant 23424 : index
    %swap3A_1116 = vector.load %arg4[%swap3A_1114, %swap3A_1115] : memref<16x25600xf32, #tpu.memory_space<vmem>>, vector<16x128xf32>
    tpu.vector_store %arg4[%swap3A_1114, %swap3A_1115], %add3A_1113 {strides = array<i32>} : memref<16x25600xf32, #tpu.memory_space<vmem>>, vector<16x128xf32>,
    %slice3A_1117 = vector.extract_strided_slice %dot_general3A_5 {offsets = [0, 23552], sizes = [16, 128], strides = [1, 1]} : vector<16x25600xf32> to vector<16x128xf32>
    %slice3A_1118 = vector.extract_strided_slice %dot_general3A_14 {offsets = [0, 2944], sizes = [16, 128], strides = [1, 1]} : vector<128x3200xf32> to vector<16x128xf32>
    %add3A_1119 = arith.addf %slice3A_1117, %slice3A_1118 : vector<16x128xf32>
    %swap3A_1120 = arith.constant 0 : index
    %swap3A_1121 = arith.constant 23552 : index
    %swap3A_1122 = vector.load %arg4[%swap3A_1120, %swap3A_1121] : memref<16x25600xf32, #tpu.memory_space<vmem>>, vector<16x128xf32>
    tpu.vector_store %arg4[%swap3A_1120, %swap3A_1121], %add3A_1119 {strides = array<i32>} : memref<16x25600xf32, #tpu.memory_space<vmem>>, vector<16x128xf32>,
    %slice3A_1123 = vector.extract_strided_slice %dot_general3A_5 {offsets = [0, 23680], sizes = [16, 128], strides = [1, 1]} : vector<16x25600xf32> to vector<16x128xf32>
    %slice3A_1124 = vector.extract_strided_slice %dot_general3A_14 {offsets = [16, 2944], sizes = [16, 128], strides = [1, 1]} : vector<128x3200xf32> to vector<16x128xf32>
    %add3A_1125 = arith.addf %slice3A_1123, %slice3A_1124 : vector<16x128xf32>
    %swap3A_1126 = arith.constant 0 : index
    %swap3A_1127 = arith.constant 23680 : index
    %swap3A_1128 = vector.load %arg4[%swap3A_1126, %swap3A_1127] : memref<16x25600xf32, #tpu.memory_space<vmem>>, vector<16x128xf32>
    tpu.vector_store %arg4[%swap3A_1126, %swap3A_1127], %add3A_1125 {strides = array<i32>} : memref<16x25600xf32, #tpu.memory_space<vmem>>, vector<16x128xf32>,
    %slice3A_1129 = vector.extract_strided_slice %dot_general3A_5 {offsets = [0, 23808], sizes = [16, 128], strides = [1, 1]} : vector<16x25600xf32> to vector<16x128xf32>
    %slice3A_1130 = vector.extract_strided_slice %dot_general3A_14 {offsets = [32, 2944], sizes = [16, 128], strides = [1, 1]} : vector<128x3200xf32> to vector<16x128xf32>
    %add3A_1131 = arith.addf %slice3A_1129, %slice3A_1130 : vector<16x128xf32>
    %swap3A_1132 = arith.constant 0 : index
    %swap3A_1133 = arith.constant 23808 : index
    %swap3A_1134 = vector.load %arg4[%swap3A_1132, %swap3A_1133] : memref<16x25600xf32, #tpu.memory_space<vmem>>, vector<16x128xf32>
    tpu.vector_store %arg4[%swap3A_1132, %swap3A_1133], %add3A_1131 {strides = array<i32>} : memref<16x25600xf32, #tpu.memory_space<vmem>>, vector<16x128xf32>,
    %slice3A_1135 = vector.extract_strided_slice %dot_general3A_5 {offsets = [0, 23936], sizes = [16, 128], strides = [1, 1]} : vector<16x25600xf32> to vector<16x128xf32>
    %slice3A_1136 = vector.extract_strided_slice %dot_general3A_14 {offsets = [48, 2944], sizes = [16, 128], strides = [1, 1]} : vector<128x3200xf32> to vector<16x128xf32>
    %add3A_1137 = arith.addf %slice3A_1135, %slice3A_1136 : vector<16x128xf32>
    %swap3A_1138 = arith.constant 0 : index
    %swap3A_1139 = arith.constant 23936 : index
    %swap3A_1140 = vector.load %arg4[%swap3A_1138, %swap3A_1139] : memref<16x25600xf32, #tpu.memory_space<vmem>>, vector<16x128xf32>
    tpu.vector_store %arg4[%swap3A_1138, %swap3A_1139], %add3A_1137 {strides = array<i32>} : memref<16x25600xf32, #tpu.memory_space<vmem>>, vector<16x128xf32>,
    %slice3A_1141 = vector.extract_strided_slice %dot_general3A_5 {offsets = [0, 24064], sizes = [16, 128], strides = [1, 1]} : vector<16x25600xf32> to vector<16x128xf32>
    %slice3A_1142 = vector.extract_strided_slice %dot_general3A_14 {offsets = [64, 2944], sizes = [16, 128], strides = [1, 1]} : vector<128x3200xf32> to vector<16x128xf32>
    %add3A_1143 = arith.addf %slice3A_1141, %slice3A_1142 : vector<16x128xf32>
    %swap3A_1144 = arith.constant 0 : index
    %swap3A_1145 = arith.constant 24064 : index
    %swap3A_1146 = vector.load %arg4[%swap3A_1144, %swap3A_1145] : memref<16x25600xf32, #tpu.memory_space<vmem>>, vector<16x128xf32>
    tpu.vector_store %arg4[%swap3A_1144, %swap3A_1145], %add3A_1143 {strides = array<i32>} : memref<16x25600xf32, #tpu.memory_space<vmem>>, vector<16x128xf32>,
    %slice3A_1147 = vector.extract_strided_slice %dot_general3A_5 {offsets = [0, 24192], sizes = [16, 128], strides = [1, 1]} : vector<16x25600xf32> to vector<16x128xf32>
    %slice3A_1148 = vector.extract_strided_slice %dot_general3A_14 {offsets = [80, 2944], sizes = [16, 128], strides = [1, 1]} : vector<128x3200xf32> to vector<16x128xf32>
    %add3A_1149 = arith.addf %slice3A_1147, %slice3A_1148 : vector<16x128xf32>
    %swap3A_1150 = arith.constant 0 : index
    %swap3A_1151 = arith.constant 24192 : index
    %swap3A_1152 = vector.load %arg4[%swap3A_1150, %swap3A_1151] : memref<16x25600xf32, #tpu.memory_space<vmem>>, vector<16x128xf32>
    tpu.vector_store %arg4[%swap3A_1150, %swap3A_1151], %add3A_1149 {strides = array<i32>} : memref<16x25600xf32, #tpu.memory_space<vmem>>, vector<16x128xf32>,
    %slice3A_1153 = vector.extract_strided_slice %dot_general3A_5 {offsets = [0, 24320], sizes = [16, 128], strides = [1, 1]} : vector<16x25600xf32> to vector<16x128xf32>
    %slice3A_1154 = vector.extract_strided_slice %dot_general3A_14 {offsets = [96, 2944], sizes = [16, 128], strides = [1, 1]} : vector<128x3200xf32> to vector<16x128xf32>
    %add3A_1155 = arith.addf %slice3A_1153, %slice3A_1154 : vector<16x128xf32>
    %swap3A_1156 = arith.constant 0 : index
    %swap3A_1157 = arith.constant 24320 : index
    %swap3A_1158 = vector.load %arg4[%swap3A_1156, %swap3A_1157] : memref<16x25600xf32, #tpu.memory_space<vmem>>, vector<16x128xf32>
    tpu.vector_store %arg4[%swap3A_1156, %swap3A_1157], %add3A_1155 {strides = array<i32>} : memref<16x25600xf32, #tpu.memory_space<vmem>>, vector<16x128xf32>,
    %slice3A_1159 = vector.extract_strided_slice %dot_general3A_5 {offsets = [0, 24448], sizes = [16, 128], strides = [1, 1]} : vector<16x25600xf32> to vector<16x128xf32>
    %slice3A_1160 = vector.extract_strided_slice %dot_general3A_14 {offsets = [112, 2944], sizes = [16, 128], strides = [1, 1]} : vector<128x3200xf32> to vector<16x128xf32>
    %add3A_1161 = arith.addf %slice3A_1159, %slice3A_1160 : vector<16x128xf32>
    %swap3A_1162 = arith.constant 0 : index
    %swap3A_1163 = arith.constant 24448 : index
    %swap3A_1164 = vector.load %arg4[%swap3A_1162, %swap3A_1163] : memref<16x25600xf32, #tpu.memory_space<vmem>>, vector<16x128xf32>
    tpu.vector_store %arg4[%swap3A_1162, %swap3A_1163], %add3A_1161 {strides = array<i32>} : memref<16x25600xf32, #tpu.memory_space<vmem>>, vector<16x128xf32>,
    %slice3A_1165 = vector.extract_strided_slice %dot_general3A_5 {offsets = [0, 24576], sizes = [16, 128], strides = [1, 1]} : vector<16x25600xf32> to vector<16x128xf32>
    %slice3A_1166 = vector.extract_strided_slice %dot_general3A_14 {offsets = [0, 3072], sizes = [16, 128], strides = [1, 1]} : vector<128x3200xf32> to vector<16x128xf32>
    %add3A_1167 = arith.addf %slice3A_1165, %slice3A_1166 : vector<16x128xf32>
    %swap3A_1168 = arith.constant 0 : index
    %swap3A_1169 = arith.constant 24576 : index
    %swap3A_1170 = vector.load %arg4[%swap3A_1168, %swap3A_1169] : memref<16x25600xf32, #tpu.memory_space<vmem>>, vector<16x128xf32>
    tpu.vector_store %arg4[%swap3A_1168, %swap3A_1169], %add3A_1167 {strides = array<i32>} : memref<16x25600xf32, #tpu.memory_space<vmem>>, vector<16x128xf32>,
    %slice3A_1171 = vector.extract_strided_slice %dot_general3A_5 {offsets = [0, 24704], sizes = [16, 128], strides = [1, 1]} : vector<16x25600xf32> to vector<16x128xf32>
    %slice3A_1172 = vector.extract_strided_slice %dot_general3A_14 {offsets = [16, 3072], sizes = [16, 128], strides = [1, 1]} : vector<128x3200xf32> to vector<16x128xf32>
    %add3A_1173 = arith.addf %slice3A_1171, %slice3A_1172 : vector<16x128xf32>
    %swap3A_1174 = arith.constant 0 : index
    %swap3A_1175 = arith.constant 24704 : index
    %swap3A_1176 = vector.load %arg4[%swap3A_1174, %swap3A_1175] : memref<16x25600xf32, #tpu.memory_space<vmem>>, vector<16x128xf32>
    tpu.vector_store %arg4[%swap3A_1174, %swap3A_1175], %add3A_1173 {strides = array<i32>} : memref<16x25600xf32, #tpu.memory_space<vmem>>, vector<16x128xf32>,
    %slice3A_1177 = vector.extract_strided_slice %dot_general3A_5 {offsets = [0, 24832], sizes = [16, 128], strides = [1, 1]} : vector<16x25600xf32> to vector<16x128xf32>
    %slice3A_1178 = vector.extract_strided_slice %dot_general3A_14 {offsets = [32, 3072], sizes = [16, 128], strides = [1, 1]} : vector<128x3200xf32> to vector<16x128xf32>
    %add3A_1179 = arith.addf %slice3A_1177, %slice3A_1178 : vector<16x128xf32>
    %swap3A_1180 = arith.constant 0 : index
    %swap3A_1181 = arith.constant 24832 : index
    %swap3A_1182 = vector.load %arg4[%swap3A_1180, %swap3A_1181] : memref<16x25600xf32, #tpu.memory_space<vmem>>, vector<16x128xf32>
    tpu.vector_store %arg4[%swap3A_1180, %swap3A_1181], %add3A_1179 {strides = array<i32>} : memref<16x25600xf32, #tpu.memory_space<vmem>>, vector<16x128xf32>,
    %slice3A_1183 = vector.extract_strided_slice %dot_general3A_5 {offsets = [0, 24960], sizes = [16, 128], strides = [1, 1]} : vector<16x25600xf32> to vector<16x128xf32>
    %slice3A_1184 = vector.extract_strided_slice %dot_general3A_14 {offsets = [48, 3072], sizes = [16, 128], strides = [1, 1]} : vector<128x3200xf32> to vector<16x128xf32>
    %add3A_1185 = arith.addf %slice3A_1183, %slice3A_1184 : vector<16x128xf32>
    %swap3A_1186 = arith.constant 0 : index
    %swap3A_1187 = arith.constant 24960 : index
    %swap3A_1188 = vector.load %arg4[%swap3A_1186, %swap3A_1187] : memref<16x25600xf32, #tpu.memory_space<vmem>>, vector<16x128xf32>
    tpu.vector_store %arg4[%swap3A_1186, %swap3A_1187], %add3A_1185 {strides = array<i32>} : memref<16x25600xf32, #tpu.memory_space<vmem>>, vector<16x128xf32>,
    %slice3A_1189 = vector.extract_strided_slice %dot_general3A_5 {offsets = [0, 25088], sizes = [16, 128], strides = [1, 1]} : vector<16x25600xf32> to vector<16x128xf32>
    %slice3A_1190 = vector.extract_strided_slice %dot_general3A_14 {offsets = [64, 3072], sizes = [16, 128], strides = [1, 1]} : vector<128x3200xf32> to vector<16x128xf32>
    %add3A_1191 = arith.addf %slice3A_1189, %slice3A_1190 : vector<16x128xf32>
    %swap3A_1192 = arith.constant 0 : index
    %swap3A_1193 = arith.constant 25088 : index
    %swap3A_1194 = vector.load %arg4[%swap3A_1192, %swap3A_1193] : memref<16x25600xf32, #tpu.memory_space<vmem>>, vector<16x128xf32>
    tpu.vector_store %arg4[%swap3A_1192, %swap3A_1193], %add3A_1191 {strides = array<i32>} : memref<16x25600xf32, #tpu.memory_space<vmem>>, vector<16x128xf32>,
    %slice3A_1195 = vector.extract_strided_slice %dot_general3A_5 {offsets = [0, 25216], sizes = [16, 128], strides = [1, 1]} : vector<16x25600xf32> to vector<16x128xf32>
    %slice3A_1196 = vector.extract_strided_slice %dot_general3A_14 {offsets = [80, 3072], sizes = [16, 128], strides = [1, 1]} : vector<128x3200xf32> to vector<16x128xf32>
    %add3A_1197 = arith.addf %slice3A_1195, %slice3A_1196 : vector<16x128xf32>
    %swap3A_1198 = arith.constant 0 : index
    %swap3A_1199 = arith.constant 25216 : index
    %swap3A_1200 = vector.load %arg4[%swap3A_1198, %swap3A_1199] : memref<16x25600xf32, #tpu.memory_space<vmem>>, vector<16x128xf32>
    tpu.vector_store %arg4[%swap3A_1198, %swap3A_1199], %add3A_1197 {strides = array<i32>} : memref<16x25600xf32, #tpu.memory_space<vmem>>, vector<16x128xf32>,
    %slice3A_1201 = vector.extract_strided_slice %dot_general3A_5 {offsets = [0, 25344], sizes = [16, 128], strides = [1, 1]} : vector<16x25600xf32> to vector<16x128xf32>
    %slice3A_1202 = vector.extract_strided_slice %dot_general3A_14 {offsets = [96, 3072], sizes = [16, 128], strides = [1, 1]} : vector<128x3200xf32> to vector<16x128xf32>
    %add3A_1203 = arith.addf %slice3A_1201, %slice3A_1202 : vector<16x128xf32>
    %swap3A_1204 = arith.constant 0 : index
    %swap3A_1205 = arith.constant 25344 : index
    %swap3A_1206 = vector.load %arg4[%swap3A_1204, %swap3A_1205] : memref<16x25600xf32, #tpu.memory_space<vmem>>, vector<16x128xf32>
    tpu.vector_store %arg4[%swap3A_1204, %swap3A_1205], %add3A_1203 {strides = array<i32>} : memref<16x25600xf32, #tpu.memory_space<vmem>>, vector<16x128xf32>,
    %slice3A_1207 = vector.extract_strided_slice %dot_general3A_5 {offsets = [0, 25472], sizes = [16, 128], strides = [1, 1]} : vector<16x25600xf32> to vector<16x128xf32>
    %slice3A_1208 = vector.extract_strided_slice %dot_general3A_14 {offsets = [112, 3072], sizes = [16, 128], strides = [1, 1]} : vector<128x3200xf32> to vector<16x128xf32>
    %add3A_1209 = arith.addf %slice3A_1207, %slice3A_1208 : vector<16x128xf32>
    %swap3A_1210 = arith.constant 0 : index
    %swap3A_1211 = arith.constant 25472 : index
    %swap3A_1212 = vector.load %arg4[%swap3A_1210, %swap3A_1211] : memref<16x25600xf32, #tpu.memory_space<vmem>>, vector<16x128xf32>
    tpu.vector_store %arg4[%swap3A_1210, %swap3A_1211], %add3A_1209 {strides = array<i32>} : memref<16x25600xf32, #tpu.memory_space<vmem>>, vector<16x128xf32>,
    return
  }
  func.func @transform_0(%arg0: i32) -> (i32, i32) {
    %c0_i32 = arith.constant 0 : i32
    %c0_i32_0 = arith.constant 0 : i32
    return %c0_i32, %arg0 : i32, i32
  }
  func.func @transform_1(%arg0: i32) -> (i32, i32) {
    %c0_i32 = arith.constant 0 : i32
    %c0_i32_0 = arith.constant 0 : i32
    return %arg0, %c0_i32 : i32, i32
  }
  func.func @transform_2(%arg0: i32) -> (i32, i32) {
    %c0_i32 = arith.constant 0 : i32
    %c0_i32_0 = arith.constant 0 : i32
    %c0_i32_1 = arith.constant 0 : i32
    return %c0_i32, %c0_i32_0 : i32, i32
  }
  func.func @transform_3(%arg0: i32) -> (i32, i32) {
    %c0_i32 = arith.constant 0 : i32
    %c0_i32_0 = arith.constant 0 : i32
    return %c0_i32, %arg0 : i32, i32
  }
}

</mosaic_0001>

<sc_bundles>
// kernel: kernel.5.cloned.1.call-start
scs
__scs_entry_jumppad:
0x0: {  	(pc) =	sbr.rel $0x88, $3  }
0x1: {  	(tag) =	ssettag $0x0;
	lr =	simm.s32 $0x1  }
0x2: {  	[smem:$0x3F9B] =	sst lr;
	_ =	strace $0xD0000000  }
0x3: {  	_ = 	snop  }
0x4: {  	_ = 	snop  }
0x5: {  	_ = 	snop  }
0x6: {  	_ = 	snop  }
0x7: {  	_ = 	snop  }
__scs_overlays_trampoline_lowered:
0x8: {  	[smem:$0x3FAA] =	sst s0  }
0x9: {  	[smem:$0x3FAB] =	sst s1  }
0xa: {  	[smem:$0x3FAC] =	sst s2  }
0xb: {  	[smem:$0x3FAD] =	sst s3  }
0xc: {  	[smem:$0x3FAE] =	sst s4  }
0xd: {  	[smem:$0x3FAF] =	sst s5  }
0xe: {  	[smem:$0x3FB0] =	sst s6  }
0xf: {  	[smem:$0x3FB1] =	sst s7  }
0x10: {  	[smem:$0x3FB2] =	sst s8  }
0x11: {  	[smem:$0x3FB3] =	sst s9;
	s0 =	simm.s32 @!p0 $0x0  }
0x12: {  	s1 =	sld [smem:$0x3F99];
	s0 =	simm.s32 @p0 $0x1  }
0x13: {  	[smem:$0x3FB4] =	sst s0;
	s0 =	simm.s32 @!p1 $0x0  }
0x14: {  	s2 =	sld [smem:$0x3F98];
	s0 =	simm.s32 @p1 $0x1  }
0x15: {  	[smem:$0x3FB5] =	sst s0;
	s0 =	simm.s32 @!p2 $0x0  }
0x16: {  	s3 =	sld [smem:$0x3FDB];
	s0 =	simm.s32 @p2 $0x1  }
0x17: {  	s4 =	simm.s32 $0x1BF5;
	[smem:$0x3FB7] =	sst s0  }
0x18: {  	s0 =	sld [smem:$0x3F9A];
	_ =	swait.ge [sflag:s4], $0x0  }
0x19: {  	s7 =	sld [smem:$0x3F9B]  }
0x1a: {  	s8 =	sadd.s32 $0xFFFFE003, lr  }
0x1b: {  	s9 =	sadd.s32 $0xFFFFFEF7, lr;
	s5 =	simm.s32 $0xFFFFFFFF;
	p2 =	slt.u32 s8, $0xFFFFF086  }
0x1c: {  	p1 =	slt.u32 s9, $0xF7A;
	s5 =	simm.s32 @!p2 $0x0  }
0x1d: {  	s5 =	simm.s32 @p1 $0x1;
	p0 =	seq.s32 s7, s2  }
0x1e: {  	s7 =	smul.u32 @!p0 $0xF7A, s2;
	p2 =	seq.s32 @!p0 s5, $0x0  }
0x1f: {  	s9 =	smul.u32 $0xF7A, s1;
	s8 =	simm.s32 @!p0 $0x1BF5;
	p2 =	por !p2, p0  }
0x20: {  	[sflag:s8] =	ssyncset.s32 @!p0 $0xFFFFF086;
	s6 =	sadd.s32 @!p0 s3, s7;
	s7 =	simm.s32 @!p0 $0x108  }
0x21: {  	s3 =	sadd.s32 s3, s9;
	s6 =	sadd.s32 @!p0 $0x88, s6;
	s7 =	simm.s32 @p2 $0x1082  }
0x22: {  	[simem:s7], [sflag:s8] =	dma.local @!p0 [hbm:s6], $0xF7A  }
0x23: {  	s9 =	sor.u32 $0xD0000000, s2;
	s6 =	simm.s32 $0x108;
	_ =	swait.ge @!p0 [sflag:s8], $0x0  }
0x24: {  	s3 =	sadd.s32 $0x88, s3;
	s6 =	simm.s32 @!p1 $0x1082;
	[sflag:s4] =	ssyncset.s32 $0xFFFFF086  }
0x25: {  	[simem:s6], [sflag:s4] =	dma.local [hbm:s3], $0xF7A  }
0x26: {  	[smem:$0x3F9B] =	sst s1;
	(tag) =	ssettag s2;
	_ =	strace s9  }
0x27: {  	s1 =	sld [smem:$0x3FAB]  }
0x28: {  	s2 =	sld [smem:$0x3FAC]  }
0x29: {  	s4 =	sld [smem:$0x3FAE]  }
0x2a: {  	p0 =	seq.s32 s5, $0x0;
	s5 =	sld [smem:$0x3FAF]  }
0x2b: {  	s6 =	sld [smem:$0x3FB0]  }
0x2c: {  	s7 =	sld [smem:$0x3FB1]  }
0x2d: {  	s3 =	simm.s32 $0x108;
	s8 =	sld [smem:$0x3FB2]  }
0x2e: {  	s3 =	simm.s32 @!p0 $0x1082;
	s9 =	sld [smem:$0x3FB3]  }
0x2f: {  	lr =	sadd.s32 s0, s3;
	s0 =	sld [smem:$0x3FAA]  }
0x30: {  	s3 =	sld [smem:$0x3FAD]  }
0x31: {  	[smem:$0x3FB6] =	sst s10  }
0x32: {  	s10 =	sld [smem:$0x3FB4];
	_ =	sdelay $0x3  }
0x33: {  	p0 =	seq.s32 s10, $0x1;
	s10 =	sld [smem:$0x3FB6];
	_ =	sdelay $0x3  }
0x34: {  	[smem:$0x3FB6] =	sst s10  }
0x35: {  	s10 =	sld [smem:$0x3FB5];
	_ =	sdelay $0x3  }
0x36: {  	p1 =	seq.s32 s10, $0x1;
	s10 =	sld [smem:$0x3FB6];
	_ =	sdelay $0x3  }
0x37: {  	[smem:$0x3FB6] =	sst s10  }
0x38: {  	s10 =	sld [smem:$0x3FB7]  }
0x39: {  	_ = 	snop;
	(pc) =	sbr.ind lr, $3  }
0x3a: {  	_ = 	snop  }
0x3b: {  	_ = 	snop  }
0x3c: {  	p2 =	seq.s32 s10, $0x1;
	s10 =	sld [smem:$0x3FB6]  }
0x3d: {  	_ =	shalt  }
0x3e: {  	_ =	shalt  }
0x3f: {  	_ =	shalt  }
0x40: {  	_ =	shalt  }
0x41: {  	_ =	shalt  }
0x42: {  	_ =	shalt  }
0x43: {  	_ =	shalt  }
0x44: {  	_ =	shalt  }
0x45: {  	_ =	shalt  }
0x46: {  	_ =	shalt  }
0x47: {  	_ =	shalt  }
0x48: {  	_ =	shalt  }
0x49: {  	_ =	shalt  }
0x4a: {  	_ =	shalt  }
0x4b: {  	_ =	shalt  }
0x4c: {  	_ =	shalt  }
0x4d: {  	_ =	shalt  }
0x4e: {  	_ =	shalt  }
0x4f: {  	_ =	shalt  }
0x50: {  	_ =	shalt  }
0x51: {  	_ =	shalt  }
0x52: {  	_ =	shalt  }
0x53: {  	_ =	shalt  }
0x54: {  	_ =	shalt  }
0x55: {  	_ =	shalt  }
0x56: {  	_ =	shalt  }
0x57: {  	_ =	shalt  }
0x58: {  	_ =	shalt  }
0x59: {  	_ =	shalt  }
0x5a: {  	_ =	shalt  }
0x5b: {  	_ =	shalt  }
0x5c: {  	_ =	shalt  }
0x5d: {  	_ =	shalt  }
0x5e: {  	_ =	shalt  }
0x5f: {  	_ =	shalt  }
0x60: {  	_ =	shalt  }
0x61: {  	_ =	shalt  }
0x62: {  	_ =	shalt  }
0x63: {  	_ =	shalt  }
0x64: {  	_ =	shalt  }
0x65: {  	_ =	shalt  }
0x66: {  	_ =	shalt  }
0x67: {  	_ =	shalt  }
0x68: {  	_ =	shalt  }
0x69: {  	_ =	shalt  }
0x6a: {  	_ =	shalt  }
0x6b: {  	_ =	shalt  }
0x6c: {  	_ =	shalt  }
0x6d: {  	_ =	shalt  }
0x6e: {  	_ =	shalt  }
0x6f: {  	_ =	shalt  }
0x70: {  	_ =	shalt  }
0x71: {  	_ =	shalt  }
0x72: {  	_ =	shalt  }
0x73: {  	_ =	shalt  }
0x74: {  	_ =	shalt  }
0x75: {  	_ =	shalt  }
0x76: {  	_ =	shalt  }
0x77: {  	_ =	shalt  }
0x78: {  	_ =	shalt  }
0x79: {  	_ =	shalt  }
0x7a: {  	_ =	shalt  }
0x7b: {  	_ =	shalt  }
0x7c: {  	_ =	shalt  }
0x7d: {  	_ =	shalt  }
0x7e: {  	_ =	shalt  }
0x7f: {  	_ =	shalt  }
0x80: {  	_ =	shalt  }
0x81: {  	_ =	shalt  }
0x82: {  	_ =	shalt  }
0x83: {  	_ =	shalt  }
0x84: {  	_ =	shalt  }
0x85: {  	_ =	shalt  }
0x86: {  	_ =	shalt  }
0x87: {  	_ =	shalt  }
.Lfunc_end0:
.L_simem_size_0:
called_computation_lowered:
.L_overlay_start_0:
0x88: {  	s2 =	sld [smem:$0x3FD9]  }
0x89: {  	s3 =	sld [smem:$0x3FFE];
	_ =	sdelay $0x1  }
0x8a: {  	s1 =	srdreg.scid  }
0x8b: {  	s0 =	sand.u32 $0x1, s1  }
0x8c: {  	s17 =	sshll.u32 s0, $0xA;
	s2 =	sadd.s32 s3, s2  }
0x8d: {  	s2 =	sadd.s32 s2, s17  }
0x8e: {  	[smem:$0x3FC2] =	sst s2  }
0x8f: {  	_ = 	snop  }
0x90: {  	s2 =	sld [smem:$0x3FD0];
	(tm) =	ssettm $0x1  }
0x91: {  	s18 =	sld [smem:$0x3FFB];
	_ =	sdelay $0x3  }
0x92: {  	_ =	strace s18  }
0x93: {  	s3 =	sld [smem:$0x3FFC];
	_ =	sdelay $0x3  }
0x94: {  	_ =	strace s3  }
0x95: {  	s3 =	sld [smem:$0x3FFD];
	_ =	sdelay $0x3  }
0x96: {  	_ =	strace s3  }
0x97: {  	_ =	strace $0x8FFFFFFF  }
0x98: {  	s19 =	sld [smem:$0x3FDB];
	_ =	sdelay $0x1  }
0x99: {  	s4 =	simm.s32 $_scs_section_size  }
0x9a: {  	s5 =	simm.s32 $_size__tile_overlayer_lowered;
	s6 =	simm.s32 $_tile_overlayer_lowered  }
0x9b: {  	s22 =	simm.s32 $0x1BFF;
	s21 =	sshll.u32 s6, $0x1;
	s3 =	sadd.s32 s4, s19  }
0x9c: {  	s7 =	simm.s32 $0x0;
	s20 =	sshll.u32 s5, $0x1;
	s5 =	sadd.s32 s21, s3  }
0x9d: {  	[timem:s7], [sflag:s22] =	dma.local [hbm:s5], s20  }
0x9e: {  	_ =	swait.ge [sflag:s22], s20  }
0x9f: {  	s4 =	ssub.s32 $0x0, s20;
	[sflag:s22] =	ssyncset.done $0x0  }
0xa0: {  	[sflag:s22] =	ssyncadd.s32 s4;
	_ =	sdelay $0x1  }
0xa1: {  	s23 =	simm.s32 $0x1B8B  }
0xa2: {  	_ =	swait.ge [sflag:s23], $0x1  }
0xa3: {  	[sflag:s23] =	ssyncset.done $0x0  }
0xa4: {  	s25 =	simm.s32 $0x1B8E;
	s24 =	sld [smem:$0x3FFE];
	[sflag:s23] =	ssyncadd.s32 $0xFFFFFFFF  }
0xa5: {  	s26 =	simm.s32 $execute0_lowered;
	[smem:$0x3FD2] =	sst s25  }
0xa6: {  	s5 =	sshll.u32 s26, $0x1;
	_ =	strace $0x80000046;
	[dreg:$0x1] =	wrdreg $0xFFFFFFFF  }
0xa7: {  	s28 =	simm.s32 $_size_execute0_lowered;
	s3 =	sadd.s32 s3, s5;
	[dreg:$0x0] =	wrdreg $0x0  }
0xa8: {  	s5 =	sshll.u32 s28, $0x1;
	[dreg:$0x2] =	wrdreg s3  }
0xa9: {  	[dreg:$0x3] =	wrdreg s5  }
0xaa: {  	[dreg:$0x4] =	wrdreg $0xC0  }
0xab: {  	_ =	task [dreg:s7], $0x5FFFF  }
0xac: {  	[dreg:$0x1] =	wrdreg $0xFFFFFFFF  }
0xad: {  	[dreg:$0x0] =	wrdreg $0x60  }
0xae: {  	[dreg:$0x2] =	wrdreg s24  }
0xaf: {  	[dreg:$0x3] =	wrdreg s2  }
0xb0: {  	[dreg:$0x4] =	wrdreg $0x9  }
0xb1: {  	_ =	task.clear_ibuf [dreg:s7], $0x5FFFF;
	_ =	strace $0x90000046  }
0xb2: {  	s29 =	simm.s32 $0x9;
	_ =	strace $0x80000048  }
0xb3: {  	_ =	swait.ge [sflag:s29], $0x1  }
0xb4: {  	[sflag:s29] =	ssyncadd.s32 $0xFFFFFFFF  }
0xb5: {  	_ =	strace $0x90000048  }
0xb6: {  	_ =	sfence  }
0xb7: {  	s30 =	sld [smem:$0x0];
	_ =	sdelay $0x2  }
0xb8: {  	s31 =	sshll.u32 s1, $0xD;
	s1 =	sshrl.u32 s1, $0x2  }
0xb9: {  	s3 =	sand.u32 $0x4000, s31;
	s1 =	sadd.s32 s1, s30  }
0xba: {  	s0 =	sor.u32 s3, s0;
	s1 =	sshll.u32 s1, $0x11  }
0xbb: {  	s0 =	sor.u32 s1, s0  }
0xbc: {  	s0 =	sadd.s32 $0x8F2B, s0  }
0xbd: {  	[sflag:s0] =	ssyncadd.remote.s32 $0x1  }
0xbe: {  	_ =	sfence.sel $0xFFFF  }
0xbf: {  	[dreg:$0x0] =	wrdreg $0xFFFFFFFF;
	(pc) =	sbr.abs _section_cstart, $3  }
0xc0: {  	[dreg:$0x1] =	wrdreg $0xFFFFFFFF  }
0xc1: {  	_ =	task.clear_ibuf [dreg:s7], $0x2FFFF;
	_ =	strace $0x9FFFFFFF  }
0xc2: {  	(tm) =	ssettm $0x7FFFFFFF  }
0xc3: {  	_ =	shalt  }
tec
execute0_lowered:
.L_overlay_start_1:
0x0: {  	(tag) =	ssettag $0x1  }
0x1: {  	s0 =	rddreg [dreg:$0x0]  }
0x2: {  	s2 =	rddreg [dreg:$0x1]  }
0x3: {  	s1 =	srdreg.scid;
	s4 =	stileid.u32;
	s3 =	simm.s32 $0x0  }
0x4: {  	s17 =	simm.s32 $0x400;
	s18 =	simm.s32 $0x1;
	s23 =	simm.s32 $0x3  }
0x5: {  	s24 =	simm.s32 $0x11000;
	s25 =	simm.s32 $0x4;
	s28 =	simm.s32 $0x5  }
0x6: {  	s29 =	simm.s32 $0x6;
	s30 =	simm.s32 $0x0;
	s1 =	sand.u32 $0x1, s1  }
0x7: {  	s4 =	sshll.u32 s4, $0x1;
	[smem:$0x7FF] =	sst s3;
	s5 =	sadd.s32 $0x6400, s0  }
0x8: {  	s15 =	sadd.s32 $0x13880, s2;
	s8 =	sor.u32 s1, s4;
	_ =	strace $0x80000047  }
0x9: {  	s4 =	sadd.s32 $0x1400, s0;
	s1 =	ssub.s32 $0x2, s1;
	s6 =	smul.u32 $0x13, s8  }
0xa: {  	s7 =	smin.u32 s8, $0x11;
	s9 =	sshrl.u32 s1, $0x1;
	p0 =	slt.u32 s8, $0x11  }
.Ltmp0:
0xb: {  	s8 =	simm.s32 $0x14;
	s26 =	ssub.s32 s1, s9;
	(pc) =	sbr.rel .LBB2_1-.Ltmp0, $4  }
0xc: {  	s8 =	simm.s32 @!p0 $0x13;
	s6 =	sadd.s32 s7, s6;
	s7 =	sadd.s32 $0xB400, s0  }
0xd: {  	s13 =	sadd.s32 $0xFFFFFFFF, s8;
	s14 =	sadd.s32 $0xFFFFFFFE, s8;
	s31 =	sshll.u32 s6, $0x7  }
0xe: {  	s16 =	smax.u32 s26, $0x1;
	s26 =	simm.s32 $0x15000;
	s9 =	sadd.s32 s2, s31  }
0xf: {  	s10 =	sadd.s32 $0x13880, s9;
	s11 =	sadd.s32 $0x80, s9;
	s12 =	sadd.s32 $0x13900, s9  }
.LBB2_11:
0x10: {  	s30 =	sadd.s32 $0x1, s30  }
0x11: {  	_ =	swait.ge [sflag:s28], $0x4000;
	p0 =	sne.s32 s30, s16  }
.Ltmp1:
0x12: {  	[sflag:s28] =	ssyncset.done $0x0;
	(pc) =	sbr.rel @!p0 .LBB2_12-.Ltmp1, $4  }
0x13: {  	[sflag:s28] =	ssyncadd.s32 $0xFFFFC000  }
0x14: {  	_ =	swait.ge [sflag:s29], $0x4000  }
0x15: {  	[sflag:s29] =	ssyncset.done $0x0  }
0x16: {  	[sflag:s29] =	ssyncadd.s32 $0xFFFFC000  }
.LBB2_1:
0x17: {  	[tilespmem:s3], [sflag:$0x1] =	stream.linear.gather [hbm4b:s9+s3], $0x400, $0x38;
	[tilespmem:$0x19000] =	vst v63  }
0x18: {  	_ = 	snop  }
0x19: {  	[tilespmem:s17], [sflag:$0x1] =	stream.linear.gather [hbm4b:s10+s3], $0x400, $0x38;
	[tilespmem:$0x19000] =	vst v63  }
0x1a: {  	_ =	swait.ge [sflag:s18], $0x400  }
0x1b: {  	[sflag:s18] =	ssyncset.done $0x0  }
0x1c: {  	[sflag:s18] =	ssyncadd.s32 $0xFFFFFC00  }
0x1d: {  	_ =	swait.ge [sflag:s18], $0x400  }
0x1e: {  	[sflag:s18] =	ssyncset.done $0x0  }
0x1f: {  	s0 =	simm.s32 $0x1000;
	[sflag:s18] =	ssyncadd.s32 $0xFFFFFC00  }
0x20: {  	[tilespmem:s0], [sflag:$0x3] =	stream.indirect.gather [hbm4b:s4+s17], $0x10, s3, s17, $0xb8;
	[tilespmem:$0x19000] =	vst v63  }
0x21: {  	s20 =	simm.s32 $0x5000  }
0x22: {  	[tilespmem:s20], [sflag:$0x3] =	stream.indirect.gather [hbm4b:s5+s17], $0x10, s17, s17, $0xb8;
	[tilespmem:$0x19000] =	vst v63  }
.Ltmp2:
0x23: {  	_ = 	snop;
	(pc) =	sbr.rel .LBB2_2-.Ltmp2, $4  }
0x24: {  	s21 =	simm.s32 $0x800  }
0x25: {  	[tilespmem:s21], [sflag:$0x2] =	stream.linear.gather [hbm4b:s11+s3], $0x400, $0x38;
	[tilespmem:$0x19000] =	vst v63  }
0x26: {  	s22 =	simm.s32 $0xC00;
	s31 =	simm.s32 $0x0  }
0x27: {  	[tilespmem:s22], [sflag:$0x2] =	stream.linear.gather [hbm4b:s12+s3], $0x400, $0x38;
	[tilespmem:$0x19000] =	vst v63  }
.LBB2_10:
0x28: {  	s31 =	sadd.s32 $0x1, s31  }
0x29: {  	p0 =	sne.s32 s31, $0xA  }
.Ltmp3:
0x2a: {  	_ = 	snop;
	(pc) =	sbr.rel @!p0 .LBB2_11-.Ltmp3, $1  }
0x2b: {  	_ =	sdelay $0x3  }
.LBB2_2:
0x2c: {  	s0 =	sshll.u32 s31, $0x1  }
0x2d: {  	p0 =	sge.u32 s0, s8  }
.Ltmp4:
0x2e: {  	_ = 	snop;
	(pc) =	sbr.rel @p0 .LBB2_6-.Ltmp4, $1  }
0x2f: {  	_ =	sdelay $0x3  }
0x30: {  	p0 =	sge.u32 s0, s13  }
0x31: {  	s1 =	simm.s32 @!p0 $0x2  }
0x32: {  	_ =	swait.ge @!p0 [sflag:s1], $0x400  }
0x33: {  	[sflag:s1] =	ssyncset.done @!p0 $0x0  }
0x34: {  	[sflag:s1] =	ssyncadd.s32 @!p0 $0xFFFFFC00  }
0x35: {  	_ =	swait.ge @!p0 [sflag:s1], $0x400  }
0x36: {  	s19 =	simm.s32 @!p0 $0x800;
	[sflag:s1] =	ssyncset.done @!p0 $0x0  }
0x37: {  	s20 =	simm.s32 @!p0 $0x9000;
	[sflag:s1] =	ssyncadd.s32 @!p0 $0xFFFFFC00;
	s1 =	simm.s32 @!p0 $0x400  }
0x38: {  	[tilespmem:s20], [sflag:$0x4] =	stream.indirect.gather @!p0 [hbm4b:s4+s1], $0x10, s19, s1, $0xb8;
	[tilespmem:$0x19000] =	vst v63  }
0x39: {  	s19 =	simm.s32 @!p0 $0xC00;
	s20 =	simm.s32 @!p0 $0xD000  }
0x3a: {  	[tilespmem:s20], [sflag:$0x4] =	stream.indirect.gather @!p0 [hbm4b:s5+s1], $0x10, s19, s1, $0xb8;
	[tilespmem:$0x19000] =	vst v63  }
0x3b: {  	_ =	swait.ge [sflag:s23], $0x4000  }
0x3c: {  	s1 =	sadd.s32 $0x2, s0;
	[sflag:s23] =	ssyncset.done $0x0  }
0x3d: {  	p0 =	sge.u32 s1, s8;
	[sflag:s23] =	ssyncadd.s32 $0xFFFFC000  }
0x3e: {  	s1 =	sadd.s32 @!p0 s6, s1;
	_ =	swait.ge [sflag:s23], $0x4000  }
0x3f: {  	s1 =	sshll.u32 @!p0 s1, $0x7;
	[sflag:s23] =	ssyncset.done $0x0  }
0x40: {  	s20 =	simm.s32 @!p0 $0x0;
	s19 =	sadd.s32 @!p0 s2, s1;
	[sflag:s23] =	ssyncadd.s32 $0xFFFFC000  }
0x41: {  	[tilespmem:s20], [sflag:$0x1] =	stream.linear.gather @!p0 [hbm4b:s19+s20], $0x400, $0x38;
	[tilespmem:$0x19000] =	vst v63  }
0x42: {  	s1 =	sadd.s32 @!p0 s1, s15;
	s19 =	simm.s32 @!p0 $0x400  }
0x43: {  	[tilespmem:s19], [sflag:$0x1] =	stream.linear.gather @!p0 [hbm4b:s1+s20], $0x400, $0x38;
	[tilespmem:$0x19000] =	vst v63  }
0x44: {  	s19 =	simm.s32 $0xFFFFF800  }
0x45: {  	v0 =	vld [tilespmem:s19+$0x1800]  }
0x46: {  	v1 =	vld [tilespmem:s19+$0x5800];
	_ =	sdelay $0x4  }
0x47: {  	v0 =	vadd.f32 v1, v0  }
0x48: {  	s1 =	simm.s32 $0x11040  }
0x49: {  	[tilespmem:s1+$0xFFFFFFC0] =	vst v0  }
0x4a: {  	v0 =	vld [tilespmem:s19+$0x2000]  }
0x4b: {  	v58 =	vld [tilespmem:s19+$0x6000];
	_ =	sdelay $0x4  }
0x4c: {  	v0 =	vadd.f32 v58, v0;
	_ =	sdelay $0x1  }
0x4d: {  	[tilespmem:s1+$0xFFFFFFD0] =	vst v0  }
0x4e: {  	v0 =	vld [tilespmem:s19+$0x2800]  }
0x4f: {  	v59 =	vld [tilespmem:s19+$0x6800];
	_ =	sdelay $0x4  }
0x50: {  	v0 =	vadd.f32 v59, v0;
	_ =	sdelay $0x1  }
0x51: {  	[tilespmem:s1+$0xFFFFFFE0] =	vst v0  }
0x52: {  	v0 =	vld [tilespmem:s19+$0x3000]  }
0x53: {  	v60 =	vld [tilespmem:s19+$0x7000];
	_ =	sdelay $0x4  }
0x54: {  	v0 =	vadd.f32 v60, v0;
	_ =	sdelay $0x1  }
0x55: {  	[tilespmem:s1+$0xFFFFFFF0] =	vst v0  }
0x56: {  	v0 =	vld [tilespmem:s19+$0x3800]  }
0x57: {  	v61 =	vld [tilespmem:s19+$0x7800];
	_ =	sdelay $0x4  }
0x58: {  	v0 =	vadd.f32 v61, v0;
	_ =	sdelay $0x1  }
0x59: {  	[tilespmem:s1+$0x0] =	vst v0  }
0x5a: {  	v0 =	vld [tilespmem:s19+$0x4000]  }
0x5b: {  	v62 =	vld [tilespmem:s19+$0x8000];
	_ =	sdelay $0x4  }
0x5c: {  	v0 =	vadd.f32 v62, v0;
	_ =	sdelay $0x1  }
0x5d: {  	[tilespmem:s1+$0x10] =	vst v0  }
0x5e: {  	v0 =	vld [tilespmem:s19+$0x4800]  }
0x5f: {  	v63 =	vld [tilespmem:s19+$0x8800];
	_ =	sdelay $0x4  }
0x60: {  	v0 =	vadd.f32 v63, v0;
	_ =	sdelay $0x1  }
0x61: {  	s21 =	simm.s32 $0xFFFFE040;
	s20 =	simm.s32 $0x11040;
	[tilespmem:s1+$0x20] =	vst v0  }
.LBB2_4:
0x62: {  	p0 =	sne.s32 s21, $0xFFFFFFC0  }
0x63: {  	v0 =	vld [tilespmem:s19+$0x5000];
	s1 =	sadd.s32 $0x80, s1;
	s22 =	smov.u32 s21;
	s21 =	sadd.s32 $0x40, s21  }
0x64: {  	v1 =	vld [tilespmem:s19+$0x9000];
	_ =	sdelay $0x4  }
0x65: {  	v0 =	vadd.f32 v1, v0;
	_ =	sdelay $0x1  }
0x66: {  	s19 =	sshra.s32 s22, $0x2;
	[tilespmem:s20+$0x30] =	vst v0;
	s20 =	smov.u32 s1  }
0x67: {  	v0 =	vld [tilespmem:s19+$0x1800]  }
0x68: {  	v1 =	vld [tilespmem:s19+$0x5800];
	_ =	sdelay $0x4  }
0x69: {  	v0 =	vadd.f32 v1, v0;
	_ =	sdelay $0x1  }
0x6a: {  	[tilespmem:s1+$0xFFFFFFC0] =	vst v0  }
0x6b: {  	v0 =	vld [tilespmem:s19+$0x2000]  }
0x6c: {  	v1 =	vld [tilespmem:s19+$0x6000];
	_ =	sdelay $0x4  }
0x6d: {  	v0 =	vadd.f32 v1, v0;
	_ =	sdelay $0x1  }
0x6e: {  	[tilespmem:s1+$0xFFFFFFD0] =	vst v0  }
0x6f: {  	v0 =	vld [tilespmem:s19+$0x2800]  }
0x70: {  	v1 =	vld [tilespmem:s19+$0x6800];
	_ =	sdelay $0x4  }
0x71: {  	v0 =	vadd.f32 v1, v0;
	_ =	sdelay $0x1  }
0x72: {  	[tilespmem:s1+$0xFFFFFFE0] =	vst v0  }
0x73: {  	v0 =	vld [tilespmem:s19+$0x3000]  }
0x74: {  	v1 =	vld [tilespmem:s19+$0x7000];
	_ =	sdelay $0x4  }
0x75: {  	v0 =	vadd.f32 v1, v0;
	_ =	sdelay $0x1  }
0x76: {  	[tilespmem:s1+$0xFFFFFFF0] =	vst v0  }
0x77: {  	v0 =	vld [tilespmem:s19+$0x3800]  }
0x78: {  	v1 =	vld [tilespmem:s19+$0x7800];
	_ =	sdelay $0x4  }
0x79: {  	v0 =	vadd.f32 v1, v0;
	_ =	sdelay $0x1  }
0x7a: {  	[tilespmem:s1+$0x0] =	vst v0  }
0x7b: {  	v0 =	vld [tilespmem:s19+$0x4000]  }
0x7c: {  	v1 =	vld [tilespmem:s19+$0x8000];
	_ =	sdelay $0x4  }
0x7d: {  	v0 =	vadd.f32 v1, v0;
	_ =	sdelay $0x1  }
0x7e: {  	[tilespmem:s1+$0x10] =	vst v0  }
0x7f: {  	v0 =	vld [tilespmem:s19+$0x4800]  }
0x80: {  	v1 =	vld [tilespmem:s19+$0x8800];
	_ =	sdelay $0x2  }
.Ltmp5:
0x81: {  	(pc) =	sbr.rel @p0 .LBB2_4-.Ltmp5, $3  }
0x82: {  	_ = 	snop  }
0x83: {  	v0 =	vadd.f32 v1, v0;
	_ =	sdelay $0x1  }
0x84: {  	[tilespmem:s1+$0x20] =	vst v0  }
0x85: {  	v0 =	vld [tilespmem:s19+$0x5000]  }
0x86: {  	v1 =	vld [tilespmem:s19+$0x9000];
	_ =	sdelay $0x4  }
0x87: {  	v0 =	vadd.f32 v1, v0  }
0x88: {  	p0 =	seq.s32 s31, $0x0  }
0x89: {  	s21 =	sadd.s32 s6, s0;
	s1 =	simm.s32 @!p0 $0x5;
	[tilespmem:s20+$0x30] =	vst v0  }
0x8a: {  	s19 =	sshll.u32 s21, $0xB;
	_ =	swait.ge @!p0 [sflag:s1], $0x4000  }
0x8b: {  	s19 =	sand.u32 $0x1FFFF800, s19;
	[sflag:s1] =	ssyncset.done @!p0 $0x0  }
0x8c: {  	s22 =	sadd.s32 s7, s19;
	[sflag:s1] =	ssyncadd.s32 @!p0 $0xFFFFC000  }
0x8d: {  	[hbm4b:s22+s3] =	stream.linear.scatter [tilespmem:s24], [sflag:$0x5], $0x4000, $0x38;
	[tilespmem:$0x19000] =	vst v63  }
.LBB2_6:
0x8e: {  	s1 =	sor.u32 $0x1, s0  }
0x8f: {  	p0 =	sge.u32 s1, s8  }
.Ltmp6:
0x90: {  	_ = 	snop;
	(pc) =	sbr.rel @p0 .LBB2_10-.Ltmp6, $1  }
0x91: {  	_ =	sdelay $0x3  }
0x92: {  	p0 =	sge.u32 s0, s14  }
0x93: {  	s19 =	simm.s32 @!p0 $0x1  }
0x94: {  	_ =	swait.ge @!p0 [sflag:s19], $0x400  }
0x95: {  	[sflag:s19] =	ssyncset.done @!p0 $0x0  }
0x96: {  	[sflag:s19] =	ssyncadd.s32 @!p0 $0xFFFFFC00  }
0x97: {  	_ =	swait.ge @!p0 [sflag:s19], $0x400  }
0x98: {  	s20 =	simm.s32 @!p0 $0x0;
	[sflag:s19] =	ssyncset.done @!p0 $0x0  }
0x99: {  	s21 =	simm.s32 @!p0 $0x1000;
	[sflag:s19] =	ssyncadd.s32 @!p0 $0xFFFFFC00;
	s19 =	simm.s32 @!p0 $0x400  }
0x9a: {  	[tilespmem:s21], [sflag:$0x3] =	stream.indirect.gather @!p0 [hbm4b:s4+s19], $0x10, s20, s19, $0xb8;
	[tilespmem:$0x19000] =	vst v63  }
0x9b: {  	s20 =	simm.s32 @!p0 $0x5000  }
0x9c: {  	[tilespmem:s20], [sflag:$0x3] =	stream.indirect.gather @!p0 [hbm4b:s5+s19], $0x10, s19, s19, $0xb8;
	[tilespmem:$0x19000] =	vst v63  }
0x9d: {  	_ =	swait.ge [sflag:s25], $0x4000  }
0x9e: {  	s0 =	sadd.s32 $0x3, s0;
	[sflag:s25] =	ssyncset.done $0x0  }
0x9f: {  	p0 =	sge.u32 s0, s8;
	[sflag:s25] =	ssyncadd.s32 $0xFFFFC000  }
0xa0: {  	s0 =	sadd.s32 @!p0 s6, s0;
	_ =	swait.ge [sflag:s25], $0x4000  }
0xa1: {  	s20 =	simm.s32 @!p0 $0x0;
	s0 =	sshll.u32 @!p0 s0, $0x7;
	[sflag:s25] =	ssyncset.done $0x0  }
0xa2: {  	s21 =	simm.s32 @!p0 $0x800;
	s19 =	sadd.s32 @!p0 s2, s0;
	[sflag:s25] =	ssyncadd.s32 $0xFFFFC000  }
0xa3: {  	[tilespmem:s21], [sflag:$0x2] =	stream.linear.gather @!p0 [hbm4b:s19+s20], $0x400, $0x38;
	[tilespmem:$0x19000] =	vst v63  }
0xa4: {  	s0 =	sadd.s32 @!p0 s0, s15;
	s19 =	simm.s32 @!p0 $0xC00  }
0xa5: {  	[tilespmem:s19], [sflag:$0x2] =	stream.linear.gather @!p0 [hbm4b:s0+s20], $0x400, $0x38;
	[tilespmem:$0x19000] =	vst v63  }
0xa6: {  	s19 =	simm.s32 $0xFFFFF800  }
0xa7: {  	v0 =	vld [tilespmem:s19+$0x9800]  }
0xa8: {  	v1 =	vld [tilespmem:s19+$0xD800];
	_ =	sdelay $0x4  }
0xa9: {  	v0 =	vadd.f32 v1, v0  }
0xaa: {  	s0 =	simm.s32 $0x15040  }
0xab: {  	[tilespmem:s0+$0xFFFFFFC0] =	vst v0  }
0xac: {  	v0 =	vld [tilespmem:s19+$0xA000]  }
0xad: {  	v58 =	vld [tilespmem:s19+$0xE000];
	_ =	sdelay $0x4  }
0xae: {  	v0 =	vadd.f32 v58, v0;
	_ =	sdelay $0x1  }
0xaf: {  	[tilespmem:s0+$0xFFFFFFD0] =	vst v0  }
0xb0: {  	v0 =	vld [tilespmem:s19+$0xA800]  }
0xb1: {  	v59 =	vld [tilespmem:s19+$0xE800];
	_ =	sdelay $0x4  }
0xb2: {  	v0 =	vadd.f32 v59, v0;
	_ =	sdelay $0x1  }
0xb3: {  	[tilespmem:s0+$0xFFFFFFE0] =	vst v0  }
0xb4: {  	v0 =	vld [tilespmem:s19+$0xB000]  }
0xb5: {  	v60 =	vld [tilespmem:s19+$0xF000];
	_ =	sdelay $0x4  }
0xb6: {  	v0 =	vadd.f32 v60, v0;
	_ =	sdelay $0x1  }
0xb7: {  	[tilespmem:s0+$0xFFFFFFF0] =	vst v0  }
0xb8: {  	v0 =	vld [tilespmem:s19+$0xB800]  }
0xb9: {  	v61 =	vld [tilespmem:s19+$0xF800];
	_ =	sdelay $0x4  }
0xba: {  	v0 =	vadd.f32 v61, v0;
	_ =	sdelay $0x1  }
0xbb: {  	[tilespmem:s0+$0x0] =	vst v0  }
0xbc: {  	v0 =	vld [tilespmem:s19+$0xC000]  }
0xbd: {  	v62 =	vld [tilespmem:s19+$0x10000];
	_ =	sdelay $0x4  }
0xbe: {  	v0 =	vadd.f32 v62, v0;
	_ =	sdelay $0x1  }
0xbf: {  	[tilespmem:s0+$0x10] =	vst v0  }
0xc0: {  	v0 =	vld [tilespmem:s19+$0xC800]  }
0xc1: {  	v63 =	vld [tilespmem:s19+$0x10800];
	_ =	sdelay $0x4  }
0xc2: {  	v0 =	vadd.f32 v63, v0;
	_ =	sdelay $0x1  }
0xc3: {  	s21 =	simm.s32 $0xFFFFE040;
	s20 =	simm.s32 $0x15040;
	[tilespmem:s0+$0x20] =	vst v0  }
.LBB2_8:
0xc4: {  	p0 =	sne.s32 s21, $0xFFFFFFC0  }
0xc5: {  	v0 =	vld [tilespmem:s19+$0xD000];
	s0 =	sadd.s32 $0x80, s0;
	s22 =	smov.u32 s21;
	s21 =	sadd.s32 $0x40, s21  }
0xc6: {  	v1 =	vld [tilespmem:s19+$0x11000];
	_ =	sdelay $0x4  }
0xc7: {  	v0 =	vadd.f32 v1, v0;
	_ =	sdelay $0x1  }
0xc8: {  	s19 =	sshra.s32 s22, $0x2;
	[tilespmem:s20+$0x30] =	vst v0;
	s20 =	smov.u32 s0  }
0xc9: {  	v0 =	vld [tilespmem:s19+$0x9800]  }
0xca: {  	v1 =	vld [tilespmem:s19+$0xD800];
	_ =	sdelay $0x4  }
0xcb: {  	v0 =	vadd.f32 v1, v0;
	_ =	sdelay $0x1  }
0xcc: {  	[tilespmem:s0+$0xFFFFFFC0] =	vst v0  }
0xcd: {  	v0 =	vld [tilespmem:s19+$0xA000]  }
0xce: {  	v1 =	vld [tilespmem:s19+$0xE000];
	_ =	sdelay $0x4  }
0xcf: {  	v0 =	vadd.f32 v1, v0;
	_ =	sdelay $0x1  }
0xd0: {  	[tilespmem:s0+$0xFFFFFFD0] =	vst v0  }
0xd1: {  	v0 =	vld [tilespmem:s19+$0xA800]  }
0xd2: {  	v1 =	vld [tilespmem:s19+$0xE800];
	_ =	sdelay $0x4  }
0xd3: {  	v0 =	vadd.f32 v1, v0;
	_ =	sdelay $0x1  }
0xd4: {  	[tilespmem:s0+$0xFFFFFFE0] =	vst v0  }
0xd5: {  	v0 =	vld [tilespmem:s19+$0xB000]  }
0xd6: {  	v1 =	vld [tilespmem:s19+$0xF000];
	_ =	sdelay $0x4  }
0xd7: {  	v0 =	vadd.f32 v1, v0;
	_ =	sdelay $0x1  }
0xd8: {  	[tilespmem:s0+$0xFFFFFFF0] =	vst v0  }
0xd9: {  	v0 =	vld [tilespmem:s19+$0xB800]  }
0xda: {  	v1 =	vld [tilespmem:s19+$0xF800];
	_ =	sdelay $0x4  }
0xdb: {  	v0 =	vadd.f32 v1, v0;
	_ =	sdelay $0x1  }
0xdc: {  	[tilespmem:s0+$0x0] =	vst v0  }
0xdd: {  	v0 =	vld [tilespmem:s19+$0xC000]  }
0xde: {  	v1 =	vld [tilespmem:s19+$0x10000];
	_ =	sdelay $0x4  }
0xdf: {  	v0 =	vadd.f32 v1, v0;
	_ =	sdelay $0x1  }
0xe0: {  	[tilespmem:s0+$0x10] =	vst v0  }
0xe1: {  	v0 =	vld [tilespmem:s19+$0xC800]  }
0xe2: {  	v1 =	vld [tilespmem:s19+$0x10800];
	_ =	sdelay $0x2  }
.Ltmp7:
0xe3: {  	(pc) =	sbr.rel @p0 .LBB2_8-.Ltmp7, $3  }
0xe4: {  	_ = 	snop  }
0xe5: {  	v0 =	vadd.f32 v1, v0;
	_ =	sdelay $0x1  }
0xe6: {  	[tilespmem:s0+$0x20] =	vst v0  }
0xe7: {  	v0 =	vld [tilespmem:s19+$0xD000]  }
0xe8: {  	v1 =	vld [tilespmem:s19+$0x11000];
	_ =	sdelay $0x4  }
0xe9: {  	v0 =	vadd.f32 v1, v0  }
0xea: {  	p0 =	seq.s32 s31, $0x0  }
.Ltmp8:
0xeb: {  	s1 =	sadd.s32 s6, s1;
	s0 =	simm.s32 @!p0 $0x6;
	[tilespmem:s20+$0x30] =	vst v0;
	(pc) =	sbr.rel .LBB2_10-.Ltmp8, $4  }
0xec: {  	s1 =	sshll.u32 s1, $0xB;
	_ =	swait.ge @!p0 [sflag:s0], $0x4000  }
0xed: {  	s1 =	sand.u32 $0x1FFFF800, s1;
	[sflag:s0] =	ssyncset.done @!p0 $0x0  }
0xee: {  	s22 =	sadd.s32 s7, s1;
	[sflag:s0] =	ssyncadd.s32 @!p0 $0xFFFFC000  }
0xef: {  	[hbm4b:s22+s3] =	stream.linear.scatter [tilespmem:s26], [sflag:$0x6], $0x4000, $0x38;
	[tilespmem:$0x19000] =	vst v63  }
.LBB2_12:
0xf0: {  	_ =	sfence.sel $0x180000  }
0xf1: {  	[bflag:$0x0] =	sbarrier.arrive $0xFFFF  }
0xf2: {  	_ =	strace $0x90000047  }
0xf3: {  	s0 =	stileid.u32;
	[bflag:$0x2] =	sbarrier.arrive $0xFFFF  }
0xf4: {  	p0 =	sne.s32 s0, $0x0;
	s0 =	rddreg [dreg:$0x2]  }
0xf5: {  	s0 =	sadd.s32 @!p0 $0x100000, s0  }
0xf6: {  	[sflag:s0] =	ssyncadd.tile.s32 @!p0 $0x1;
	_ =	shalt  }
.Lfunc_end2:
_tile_overlayer_lowered:
.L_overlay_start_2:
0xf7: {  	(tag) =	ssettag $0x2  }
0xf8: {  	s0 =	rddreg [dreg:$0x0];
	s2 =	stileid.u32  }
0xf9: {  	s1 =	rddreg [dreg:$0x1];
	p0 =	sne.s32 s2, $0x0  }
0xfa: {  	s3 =	rddreg [dreg:$0x2];
	[bflag:$0x3] =	sbarrier.arrive $0xFFFF;
	s2 =	simm.s32 @!p0 $0x1C07  }
0xfb: {  	[timem:s3], [sflag:s2] =	dma.local @!p0 [hbm:s0], s1  }
0xfc: {  	s0 =	simm.s32 @!p0 $0x7  }
0xfd: {  	_ =	swait.ge @!p0 [sflag:s0], s1  }
0xfe: {  	s1 =	ssub.s32 @!p0 $0x0, s1;
	[sflag:s0] =	ssyncset.done @!p0 $0x0  }
0xff: {  	[sflag:s0] =	ssyncadd.s32 @!p0 s1  }
0x100: {  	[bflag:$0x3] =	sbarrier.arrive $0xFFFF  }
0x101: {  	_ =	shalt  }

</sc_bundles>
